<compile_context>
chip_gen: v7x
topology: tpu7x:2x2x1
jax: 0.10.2.dev20260603
libtpu: 0.0.44.dev20260713+nightly
codegen_flags: <defaults>
</compile_context>

<pallas_src>
import functools

import jax
import jax.numpy as jnp
from jax import lax
from jax.experimental import pallas as pl
from jax.experimental.pallas import tpu as pltpu
from jax.experimental.pallas import tpu_sc as plsc

FDIM = 24
KNN = 16
_INF = float("inf")


def _lrelu(v):
    return jnp.where(v >= 0, v, 0.2 * v)


def _dot(a, b):
    return jnp.dot(a, b, preferred_element_type=jnp.float32)




@functools.lru_cache(maxsize=None)
def _make_knn(B, N, Ns, sr, dil, keep, R):
    n_iters = (keep - 1) * dil + 1

    def body(pos_ref, poss_ref, out_ref, dist_s):
        b = pl.program_id(0)
        p = pos_ref[0]
        q = poss_ref[0]
        p2 = jnp.sum(p * p, axis=1, keepdims=True)
        q2 = jnp.sum(q * q, axis=1)[None, :]
        cross = lax.dot_general(p, q, (((1,), (1,)), ((), ())),
                                preferred_element_type=jnp.float32)
        d2 = p2 + q2 - 2.0 * cross
        dist_s[...] = jnp.sqrt(jnp.maximum(d2, 1e-12))
        base = b * N

        def step(it, sp):
            il = lax.broadcasted_iota(jnp.int32, (R, Ns), 1)
            masked = jnp.where(il == sp, _INF, dist_s[...])
            dist_s[...] = masked
            m = jnp.min(masked, axis=1, keepdims=True)
            sel = jnp.min(jnp.where(masked == m, il, Ns), axis=1,
                          keepdims=True)

            @pl.when(it % dil == 0)
            def _():
                k = it // dil
                out_ref[0, pl.ds(k, 1), :] = (base + sel[:, 0] * sr)[None, :]

            return sel

        lax.fori_loop(0, n_iters, step, jnp.full((R, 1), -1, jnp.int32))

    return pl.pallas_call(
        body,
        grid=(B, N // R),
        in_specs=[
            pl.BlockSpec((1, R, 3), lambda b, j: (b, j, 0)),
            pl.BlockSpec((1, Ns, 3), lambda b, j: (b, 0, 0)),
        ],
        out_specs=pl.BlockSpec((1, keep, R), lambda b, j: (b, 0, j)),
        out_shape=jax.ShapeDtypeStruct((B, keep, N), jnp.int32),
        scratch_shapes=[pltpu.VMEM((R, Ns), jnp.float32)],
    )




@functools.lru_cache(maxsize=None)
def _make_gather(M, C):
    info = plsc.get_sparse_core_info()
    NW = info.num_cores * info.num_subcores
    CH = 128
    per_w = M // NW
    n_ch = per_w // CH
    mesh = plsc.VectorSubcoreMesh(core_axis_name="c", subcore_axis_name="s")

    n_pairs = n_ch // 2

    @functools.partial(
        pl.kernel,
        out_type=jax.ShapeDtypeStruct((M, C), jnp.float32),
        mesh=mesh,
        scratch_types=[
            pltpu.VMEM((CH,), jnp.int32),
            pltpu.VMEM((CH,), jnp.int32),
            pltpu.VMEM((CH, C), jnp.float32),
            pltpu.VMEM((CH, C), jnp.float32),
            pltpu.SemaphoreType.DMA,
            pltpu.SemaphoreType.DMA,
        ],
    )
    def gk(table_hbm, idx_hbm, out_hbm, idx0, idx1, row0, row1, s0, s1):
        wid = lax.axis_index("s") * info.num_cores + lax.axis_index("c")
        base = wid * per_w
        pltpu.sync_copy(idx_hbm.at[pl.ds(base, CH)], idx0)
        pltpu.async_copy(table_hbm.at[idx0], row0, s0)

        def step(j, _):
            o0 = base + 2 * j * CH
            o1 = o0 + CH
            pltpu.sync_copy(idx_hbm.at[pl.ds(o1, CH)], idx1)
            pltpu.async_copy(table_hbm.at[idx1], row1, s1)
            pltpu.make_async_copy(table_hbm.at[idx0], row0, s0).wait()
            pltpu.sync_copy(row0, out_hbm.at[pl.ds(o0, CH)])

            @pl.when(j + 1 < n_pairs)
            def _():
                o2 = o0 + 2 * CH
                pltpu.sync_copy(idx_hbm.at[pl.ds(o2, CH)], idx0)
                pltpu.async_copy(table_hbm.at[idx0], row0, s0)

            pltpu.make_async_copy(table_hbm.at[idx1], row1, s1).wait()
            pltpu.sync_copy(row1, out_hbm.at[pl.ds(o1, CH)])
            return 0

        lax.fori_loop(0, n_pairs, step, 0)

    return gk


def _gather_rows(table, idx_flat):
    return _make_gather(idx_flat.shape[0], table.shape[1])(table, idx_flat)




@functools.lru_cache(maxsize=None)
def _make_stn_pool(B, N, R):
    def body(x_ref, w1, b1, w2, b2, w3, b3, out_ref):
        j = pl.program_id(1)
        h = jnp.maximum(_dot(x_ref[0], w1[...]) + b1[...], 0)
        h = jnp.maximum(_dot(h, w2[...]) + b2[...], 0)
        h = jnp.maximum(_dot(h, w3[...]) + b3[...], 0)
        m = jnp.max(h, axis=0, keepdims=True)[None]

        @pl.when(j == 0)
        def _():
            out_ref[...] = m

        @pl.when(j > 0)
        def _():
            out_ref[...] = jnp.maximum(out_ref[...], m)

    full = lambda *s: pl.BlockSpec(s, lambda b, j: tuple(0 for _ in s))
    return pl.pallas_call(
        body,
        grid=(B, N // R),
        in_specs=[
            pl.BlockSpec((1, R, FDIM), lambda b, j: (b, j, 0)),
            full(FDIM, 64), full(1, 64),
            full(64, 128), full(1, 128),
            full(128, 1024), full(1, 1024),
        ],
        out_specs=pl.BlockSpec((1, 1, 1024), lambda b, j: (b, 0, 0)),
        out_shape=jax.ShapeDtypeStruct((B, 1, 1024), jnp.float32),
    )


@functools.lru_cache(maxsize=None)
def _make_stn_head(B):
    def body(p_ref, w1, b1, w2, b2, w3, b3, out_ref):
        h = jnp.maximum(_dot(p_ref[...], w1[...]) + b1[...], 0)
        h = jnp.maximum(_dot(h, w2[...]) + b2[...], 0)
        out_ref[...] = _dot(h, w3[...]) + b3[...]

    return pl.pallas_call(
        body,
        out_shape=jax.ShapeDtypeStruct((B, FDIM * FDIM), jnp.float32),
    )


@functools.lru_cache(maxsize=None)
def _make_apply_trans(B, N, R):
    def body(x_ref, t_ref, out_ref):
        xt = _dot(x_ref[0], t_ref[0])
        out_ref[0] = jnp.concatenate(
            [xt, jnp.zeros((R, 128 - FDIM), jnp.float32)], axis=1)

    return pl.pallas_call(
        body,
        grid=(B, N // R),
        in_specs=[
            pl.BlockSpec((1, R, FDIM), lambda b, j: (b, j, 0)),
            pl.BlockSpec((1, FDIM, FDIM), lambda b, j: (b, 0, 0)),
        ],
        out_specs=pl.BlockSpec((1, R, 128), lambda b, j: (b, j, 0)),
        out_shape=jax.ShapeDtypeStruct((B, N, 128), jnp.float32),
    )




@functools.lru_cache(maxsize=None)
def _make_edge(B, N, K, P, Cx, Cp, C1, C2):
    def body(x_ref, g_ref, w1, b1, w2, b2, out_ref):
        xc = x_ref[0][:, :Cx]
        xcb = jnp.broadcast_to(xc[:, None, :], (P, K, Cx)).reshape(P * K, Cx)
        gn = g_ref[0].reshape(P * K, Cp)[:, :Cx]
        e = jnp.concatenate([xcb, gn - xcb], axis=1)
        h = _lrelu(_dot(e, w1[...]) + b1[...])
        h = _lrelu(_dot(h, w2[...]) + b2[...])
        out_ref[0] = jnp.max(h.reshape(P, K, C2), axis=1)

    return pl.pallas_call(
        body,
        grid=(B, N // P),
        in_specs=[
            pl.BlockSpec((1, P, Cp), lambda b, j: (b, j, 0)),
            pl.BlockSpec((1, P, K, Cp), lambda b, j: (b, j, 0, 0)),
            pl.BlockSpec((2 * Cx, C1), lambda b, j: (0, 0)),
            pl.BlockSpec((1, C1), lambda b, j: (0, 0)),
            pl.BlockSpec((C1, C2), lambda b, j: (0, 0)),
            pl.BlockSpec((1, C2), lambda b, j: (0, 0)),
        ],
        out_specs=pl.BlockSpec((1, P, C2), lambda b, j: (b, j, 0)),
        out_shape=jax.ShapeDtypeStruct((B, N, C2), jnp.float32),
    )




@functools.lru_cache(maxsize=None)
def _make_tail(B, N, P, NC):
    def body(x_ref, attw, attb, r1w1, r1b1, r1w2, r1b2,
             r2w1, r2b1, r2w2, r2b2, r2wr, r2br, ow, ob, out_ref):
        xv = x_ref[0]
        logit = jnp.sum(xv * attw[...], axis=1, keepdims=True) + attb[...]
        xv = xv * (1.0 / (1.0 + jnp.exp(-logit)))
        h = _lrelu(_dot(xv, r1w1[...]) + r1b1[...])
        h = _lrelu(_dot(h, r1w2[...]) + r1b2[...])
        xv = h + xv
        h = _lrelu(_dot(xv, r2w1[...]) + r2b1[...])
        h = _lrelu(_dot(h, r2w2[...]) + r2b2[...])
        xv = h + _dot(xv, r2wr[...]) + r2br[...]
        out_ref[0] = _dot(xv, ow[...]) + ob[...]

    full = lambda *s: pl.BlockSpec(s, lambda b, j: tuple(0 for _ in s))
    return pl.pallas_call(
        body,
        grid=(B, N // P),
        in_specs=[
            pl.BlockSpec((1, P, 512), lambda b, j: (b, j, 0)),
            full(1, 512), full(1, 1),
            full(512, 512), full(1, 512), full(512, 512), full(1, 512),
            full(512, 256), full(1, 256), full(256, 256), full(1, 256),
            full(512, 256), full(1, 256),
            full(256, NC), full(1, NC),
        ],
        out_specs=pl.BlockSpec((1, P, NC), lambda b, j: (b, j, 0)),
        out_shape=jax.ShapeDtypeStruct((B, N, NC), jnp.float32),
    )




def _rb(b):
    return b.reshape(1, -1)


def kernel(x, pos, params):
    B, N, D = x.shape
    K = KNN
    R = 256
    P = 256

    idx_local = _make_knn(B, N, N, 1, 1, K, 1024)(pos, pos)
    sample_idx = []
    for sr in (4, 8, 16):
        pos_s = pos[:, ::sr, :]
        Ns = pos_s.shape[1]
        sample_idx.append(
            _make_knn(B, N, Ns, sr, 8, K, 4096)(pos, pos_s))

    def flat_idx(ix):
        return ix.transpose(0, 2, 1).reshape(-1)

    ps = params["stn"]
    pooled = _make_stn_pool(B, N, R)(
        x, ps["conv1"]["W"], _rb(ps["conv1"]["b"]),
        ps["conv2"]["W"], _rb(ps["conv2"]["b"]),
        ps["conv3"]["W"], _rb(ps["conv3"]["b"]))
    t = _make_stn_head(B)(
        pooled.reshape(B, 1024), ps["fc1"]["W"], _rb(ps["fc1"]["b"]),
        ps["fc2"]["W"], _rb(ps["fc2"]["b"]),
        ps["fc3"]["W"], _rb(ps["fc3"]["b"]))
    trans = t.reshape(B, FDIM, FDIM)

    pe = params["e_local"]
    xtp = _make_apply_trans(B, N, R)(x, trans)
    g = _gather_rows(xtp.reshape(B * N, 128), flat_idx(idx_local))
    xcur = _make_edge(B, N, K, P, FDIM, 128, 128, 256)(
        xtp, g.reshape(B, N, K, 128),
        pe["l1"]["W"], _rb(pe["l1"]["b"]), pe["l2"]["W"], _rb(pe["l2"]["b"]))

    for i, name in enumerate(("e0", "e1", "e2")):
        pe = params[name]
        Cx = pe["l1"]["W"].shape[0] // 2
        C1 = pe["l1"]["W"].shape[1]
        C2 = pe["l2"]["W"].shape[1]
        g = _gather_rows(xcur.reshape(B * N, Cx), flat_idx(sample_idx[i]))
        xcur = _make_edge(B, N, K, P, Cx, Cx, C1, C2)(
            xcur, g.reshape(B, N, K, Cx),
            pe["l1"]["W"], _rb(pe["l1"]["b"]), pe["l2"]["W"], _rb(pe["l2"]["b"]))

    pa, p1, p2, po = (params["attention"], params["res1"], params["res2"],
                      params["out"])
    NC = po["W"].shape[1]
    out = _make_tail(B, N, P, NC)(
        xcur,
        pa["att"]["W"].reshape(1, 512), pa["att"]["b"].reshape(1, 1),
        p1["l1"]["W"], _rb(p1["l1"]["b"]), p1["l2"]["W"], _rb(p1["l2"]["b"]),
        p2["l1"]["W"], _rb(p2["l1"]["b"]), p2["l2"]["W"], _rb(p2["l2"]["b"]),
        p2["rescale"]["W"], _rb(p2["rescale"]["b"]),
        po["W"], _rb(po["b"]))
    return out

# --- scband reference (transcript-rebuilt; emitter-appended) ---
"""Pipeline reference for scband-swsnet-42631845380167 (READ-ONLY COPY).

The authoritative reference and input builder live on the scoring server;
editing this copy changes nothing except your own understanding.
"""

import jax, jax.numpy as jnp
import numpy as np

NUM_CLASSES = 17
FEATURE_DIM = 24
K = 16
SAMPLE_RATE = [4, 8, 16]
DILATED_RATE = [8, 8, 8]


def cdist(a, b):
    a2 = jnp.sum(a * a, axis=-1, keepdims=True)
    b2 = jnp.sum(b * b, axis=-1, keepdims=True)
    d2 = a2 + jnp.swapaxes(b2, -1, -2) - 2.0 * jnp.matmul(a, jnp.swapaxes(b, -1, -2))
    return jnp.sqrt(jnp.maximum(d2, 1e-12))


def get_idx(k, cd):
    _, idx = jax.lax.top_k(-cd, k)
    return idx


def get_downsample_dilated_idx(k, sample_rate, dilated_rate, pos):
    N = pos.shape[1]
    s_idx = jnp.arange(0, N, sample_rate)
    pos_s = pos[:, s_idx, :]
    cd = cdist(pos, pos_s)
    kk = min(k * dilated_rate, int(s_idx.shape[0]))
    _, nn = jax.lax.top_k(-cd, kk)
    nn = nn[:, :, ::dilated_rate][:, :, :k]
    return s_idx[nn]


def gather_neighbors(x, idx):
    return jax.vmap(lambda xb, ib: xb[ib])(x, idx)


def lrelu(x):
    return jnp.where(x >= 0, x, 0.2 * x)


def linear(x, p):
    return jnp.matmul(x, p['W']) + p['b']


def stnkd(x, p):
    h = jax.nn.relu(linear(x, p['conv1']))
    h = jax.nn.relu(linear(h, p['conv2']))
    h = jax.nn.relu(linear(h, p['conv3']))
    h = jnp.max(h, axis=1)
    h = jax.nn.relu(linear(h, p['fc1']))
    h = jax.nn.relu(linear(h, p['fc2']))
    t = linear(h, p['fc3'])
    kdim = x.shape[-1]
    trans = t.reshape(-1, kdim, kdim)
    return jnp.matmul(x, trans)


def e2f(x, idx, p):
    neigh = gather_neighbors(x, idx)
    xc = jnp.broadcast_to(x[:, :, None, :], neigh.shape)
    e = jnp.concatenate([xc, neigh - xc], axis=-1)
    h = lrelu(linear(e, p['l1']))
    h = lrelu(linear(h, p['l2']))
    return jnp.max(h, axis=2)


def spatial_attention(x, p):
    att = jax.nn.sigmoid(linear(x, p['att']))
    return x * att


def res_block(x, p):
    h = lrelu(linear(x, p['l1']))
    h = lrelu(linear(h, p['l2']))
    sc = linear(x, p['rescale']) if 'rescale' in p else x
    return h + sc


def forward(x, pos, params):
    cd = cdist(pos, pos)
    idx = get_idx(K, cd)
    sample_idx = [get_downsample_dilated_idx(K, SAMPLE_RATE[i], DILATED_RATE[i], pos) for i in range(3)]
    x = stnkd(x, params['stn'])
    x = e2f(x, idx, params['e_local'])
    x = e2f(x, sample_idx[0], params['e0'])
    x = e2f(x, sample_idx[1], params['e1'])
    x = e2f(x, sample_idx[2], params['e2'])
    x = spatial_attention(x, params['attention'])
    x = res_block(x, params['res1'])
    x = res_block(x, params['res2'])
    x = linear(x, params['out'])
    return x


def _lin(rng, i, o):
    return {'W': jnp.asarray(rng.normal(0.0, 0.05, (i, o)).astype(np.float32)),
            'b': jnp.zeros((o,), jnp.float32)}


def make_params():
    rng = np.random.default_rng(0)
    fc3 = _lin(rng, 256, FEATURE_DIM * FEATURE_DIM)
    fc3['b'] = jnp.asarray(np.eye(FEATURE_DIM, dtype=np.float32).reshape(-1))
    params = {
        'stn': {'conv1': _lin(rng, FEATURE_DIM, 64), 'conv2': _lin(rng, 64, 128),
                'conv3': _lin(rng, 128, 1024), 'fc1': _lin(rng, 1024, 512),
                'fc2': _lin(rng, 512, 256), 'fc3': fc3},
        'e_local': {'l1': _lin(rng, 2 * FEATURE_DIM, 128), 'l2': _lin(rng, 128, 256)},
        'e0': {'l1': _lin(rng, 512, 256), 'l2': _lin(rng, 256, 256)},
        'e1': {'l1': _lin(rng, 512, 256), 'l2': _lin(rng, 256, 256)},
        'e2': {'l1': _lin(rng, 512, 256), 'l2': _lin(rng, 256, 512)},
        'attention': {'att': _lin(rng, 512, 1)},
        'res1': {'l1': _lin(rng, 512, 512), 'l2': _lin(rng, 512, 512)},
        'res2': {'l1': _lin(rng, 512, 256), 'l2': _lin(rng, 256, 256), 'rescale': _lin(rng, 512, 256)},
        'out': _lin(rng, 256, NUM_CLASSES),
    }
    return params


def setup_inputs(seed: int = 0):
    key = jax.random.key(seed)
    k1, k2 = jax.random.split(key)
    x = jax.random.normal(k1, (2, 4096, FEATURE_DIM), dtype=jnp.float32)
    pos = jax.random.uniform(k2, (2, 4096, 3), dtype=jnp.float32)
    return {'x': x, 'pos': pos, 'params': make_params()}


def reference(x, pos, params):
    return forward(x, pos, params)

if __name__ == "__main__":
    import jax
    _d = setup_inputs()
    print(jax.jit(kernel)(*tuple(_d.values())))

</pallas_src>

<mosaic_0001>
#map = affine_map<(d0, d1) -> (0, 0)>
#map1 = affine_map<(d0, d1) -> (0)>
module attributes {stable_mosaic.version = 14 : i64} {
  func.func @gk(%arg0: i32, %arg1: i32, %arg2: memref<8192x256xf32, #tpu.memory_space<hbm>>, %arg3: memref<131072xi32, #tpu.memory_space<hbm>>, %arg4: memref<131072x256xf32, #tpu.memory_space<hbm>>, %arg5: memref<128xi32, #tpu.memory_space<vmem>>, %arg6: memref<128xi32, #tpu.memory_space<vmem>>, %arg7: memref<128x256xf32, #tpu.memory_space<vmem>>, %arg8: memref<128x256xf32, #tpu.memory_space<vmem>>, %arg9: memref<!tpu.dma_semaphore, #tpu.memory_space<semaphore_mem>>, %arg10: memref<!tpu.dma_semaphore, #tpu.memory_space<semaphore_mem>>) attributes {dimension_semantics = [#tpu.dimension_semantics<core_parallel>, #tpu.dimension_semantics<subcore_parallel>], iteration_bounds = array<i64: 2, 16>, scalar_prefetch = 0 : i64, scratch_operands = 6 : i64, tpu.core_type = #tpu.core_type<sc_vector_subcore>, window_params = [{transform_indices = #map}, {transform_indices = #map1}, {transform_indices = #map}]} {
    %mul3A = arith.constant 2 : i32
    %mul3A_0 = arith.muli %arg1, %mul3A : i32
    %add3A = arith.addi %mul3A_0, %arg0 : i32
    %mul3A_1 = arith.constant 4096 : i32
    %mul3A_2 = arith.muli %add3A, %mul3A_1 : i32
    "tpu.region"() ({
      %run_scoped3A = tpu.sem_alloc : memref<!tpu.dma_semaphore, #tpu.memory_space<semaphore_mem>>
      %dma_start3A_11 = tpu.memref_slice %arg3[%mul3A_2] : memref<131072xi32, #tpu.memory_space<hbm>> -> memref<128xi32, #tpu.memory_space<hbm>>
      %dma_start3A_12 = tpu.memref_slice %arg3[%mul3A_2] : memref<131072xi32, #tpu.memory_space<hbm>> -> memref<128xi32, #tpu.memory_space<hbm>>
      tpu.enqueue_dma source(%dma_start3A_12 : memref<128xi32, #tpu.memory_space<hbm>>) target(%arg5 : memref<128xi32, #tpu.memory_space<vmem>>) target_semaphore(%run_scoped3A : memref<!tpu.dma_semaphore, #tpu.memory_space<semaphore_mem>>)
      %dma_wait3A = tpu.memref_slice %arg3[%mul3A_2] : memref<131072xi32, #tpu.memory_space<hbm>> -> memref<128xi32, #tpu.memory_space<hbm>>
      %dma_wait3A_13 = tpu.memref_slice %arg3[%mul3A_2] : memref<131072xi32, #tpu.memory_space<hbm>> -> memref<128xi32, #tpu.memory_space<hbm>>
      tpu.wait_dma2 semaphore(%run_scoped3A : memref<!tpu.dma_semaphore, #tpu.memory_space<semaphore_mem>>) src(%dma_wait3A_13 : memref<128xi32, #tpu.memory_space<hbm>>) dst(%arg5 : memref<128xi32, #tpu.memory_space<vmem>>)
      tpu.yield
    }) : () -> ()
    %dma_start3A = arith.constant 0 : i32
    %dma_start3A_3 = arith.constant 0 : i32
    %dma_start3A_4 = tpu.memref_slice %arg2[%dma_start3A, %dma_start3A_3] : memref<8192x256xf32, #tpu.memory_space<hbm>> -> memref<8192x256xf32, #tpu.memory_space<hbm>>
    tpu.enqueue_indirect_dma source(%dma_start3A_4 : memref<8192x256xf32, #tpu.memory_space<hbm>>) target(%arg7 : memref<128x256xf32, #tpu.memory_space<vmem>>) offsets(%arg5 : memref<128xi32, #tpu.memory_space<vmem>>) semaphore(%arg9 : memref<!tpu.dma_semaphore, #tpu.memory_space<semaphore_mem>>)
    %scan3A = arith.constant 0 : i32
    %scan3A_5 = arith.constant 0 : i32
    %scan3A_6 = arith.constant 16 : i32
    %scan3A_7 = arith.addi %scan3A_5, %scan3A_6 : i32
    %scan3A_8 = arith.constant 1 : i32
    %scan3A_9 = scf.for %scan3A_11 = %scan3A_5 to %scan3A_7 step %scan3A_8 iter_args(%scan3A_12 = %scan3A) -> (i32)  : i32 {
      %mul3A_13 = arith.constant 2 : i32
      %mul3A_14 = arith.muli %mul3A_13, %scan3A_11 : i32
      %mul3A_15 = arith.constant 128 : i32
      %mul3A_16 = arith.muli %mul3A_14, %mul3A_15 : i32
      %add3A_17 = arith.addi %mul3A_2, %mul3A_16 : i32
      %add3A_18 = arith.constant 128 : i32
      %add3A_19 = arith.addi %add3A_17, %add3A_18 : i32
      "tpu.region"() ({
        %run_scoped3A = tpu.sem_alloc : memref<!tpu.dma_semaphore, #tpu.memory_space<semaphore_mem>>
        %dma_start3A_33 = tpu.memref_slice %arg3[%add3A_19] : memref<131072xi32, #tpu.memory_space<hbm>> -> memref<128xi32, #tpu.memory_space<hbm>>
        %dma_start3A_34 = tpu.memref_slice %arg3[%add3A_19] : memref<131072xi32, #tpu.memory_space<hbm>> -> memref<128xi32, #tpu.memory_space<hbm>>
        tpu.enqueue_dma source(%dma_start3A_34 : memref<128xi32, #tpu.memory_space<hbm>>) target(%arg6 : memref<128xi32, #tpu.memory_space<vmem>>) target_semaphore(%run_scoped3A : memref<!tpu.dma_semaphore, #tpu.memory_space<semaphore_mem>>)
        %dma_wait3A_35 = tpu.memref_slice %arg3[%add3A_19] : memref<131072xi32, #tpu.memory_space<hbm>> -> memref<128xi32, #tpu.memory_space<hbm>>
        %dma_wait3A_36 = tpu.memref_slice %arg3[%add3A_19] : memref<131072xi32, #tpu.memory_space<hbm>> -> memref<128xi32, #tpu.memory_space<hbm>>
        tpu.wait_dma2 semaphore(%run_scoped3A : memref<!tpu.dma_semaphore, #tpu.memory_space<semaphore_mem>>) src(%dma_wait3A_36 : memref<128xi32, #tpu.memory_space<hbm>>) dst(%arg6 : memref<128xi32, #tpu.memory_space<vmem>>)
        tpu.yield
      }) : () -> ()
      %dma_start3A_20 = arith.constant 0 : i32
      %dma_start3A_21 = arith.constant 0 : i32
      %dma_start3A_22 = tpu.memref_slice %arg2[%dma_start3A_20, %dma_start3A_21] : memref<8192x256xf32, #tpu.memory_space<hbm>> -> memref<8192x256xf32, #tpu.memory_space<hbm>>
      tpu.enqueue_indirect_dma source(%dma_start3A_22 : memref<8192x256xf32, #tpu.memory_space<hbm>>) target(%arg8 : memref<128x256xf32, #tpu.memory_space<vmem>>) offsets(%arg6 : memref<128xi32, #tpu.memory_space<vmem>>) semaphore(%arg10 : memref<!tpu.dma_semaphore, #tpu.memory_space<semaphore_mem>>)
      %dma_wait3A = arith.constant 0 : i32
      %dma_wait3A_23 = arith.constant 0 : i32
      %dma_wait3A_24 = tpu.memref_slice %arg2[%dma_wait3A, %dma_wait3A_23] : memref<8192x256xf32, #tpu.memory_space<hbm>> -> memref<8192x256xf32, #tpu.memory_space<hbm>>
      tpu.wait_indirect_dma semaphore(%arg9 : memref<!tpu.dma_semaphore, #tpu.memory_space<semaphore_mem>>) src(%dma_wait3A_24 : memref<8192x256xf32, #tpu.memory_space<hbm>>) dst(%arg7 : memref<128x256xf32, #tpu.memory_space<vmem>>)
      "tpu.region"() ({
        %run_scoped3A = tpu.sem_alloc : memref<!tpu.dma_semaphore, #tpu.memory_space<semaphore_mem>>
        %dma_start3A_33 = arith.constant 0 : i32
        %dma_start3A_34 = tpu.memref_slice %arg4[%add3A_17, %dma_start3A_33] : memref<131072x256xf32, #tpu.memory_space<hbm>> -> memref<128x256xf32, #tpu.memory_space<hbm>>
        %dma_start3A_35 = arith.constant 0 : i32
        %dma_start3A_36 = tpu.memref_slice %arg4[%add3A_17, %dma_start3A_35] : memref<131072x256xf32, #tpu.memory_space<hbm>> -> memref<128x256xf32, #tpu.memory_space<hbm>>
        tpu.enqueue_dma source(%arg7 : memref<128x256xf32, #tpu.memory_space<vmem>>) target(%dma_start3A_36 : memref<128x256xf32, #tpu.memory_space<hbm>>) target_semaphore(%run_scoped3A : memref<!tpu.dma_semaphore, #tpu.memory_space<semaphore_mem>>)
        %dma_wait3A_37 = arith.constant 0 : i32
        %dma_wait3A_38 = tpu.memref_slice %arg4[%add3A_17, %dma_wait3A_37] : memref<131072x256xf32, #tpu.memory_space<hbm>> -> memref<128x256xf32, #tpu.memory_space<hbm>>
        %dma_wait3A_39 = arith.constant 0 : i32
        %dma_wait3A_40 = tpu.memref_slice %arg4[%add3A_17, %dma_wait3A_39] : memref<131072x256xf32, #tpu.memory_space<hbm>> -> memref<128x256xf32, #tpu.memory_space<hbm>>
        tpu.wait_dma2 semaphore(%run_scoped3A : memref<!tpu.dma_semaphore, #tpu.memory_space<semaphore_mem>>) src(%arg7 : memref<128x256xf32, #tpu.memory_space<vmem>>) dst(%dma_wait3A_40 : memref<128x256xf32, #tpu.memory_space<hbm>>)
        tpu.yield
      }) : () -> ()
      %add3A_25 = arith.constant 1 : i32
      %add3A_26 = arith.addi %scan3A_11, %add3A_25 : i32
      %lt3A = arith.constant 16 : i32
      %lt3A_27 = arith.cmpi slt, %add3A_26, %lt3A : i32
      %convert_element_type3A = arith.extui %lt3A_27 : i1 to i32
      %cond3A = arith.constant 0 : i32
      %cond3A_28 = arith.cmpi ne, %convert_element_type3A, %cond3A : i32
      scf.if %cond3A_28 {
        %add3A_33 = arith.constant 256 : i32
        %add3A_34 = arith.addi %add3A_17, %add3A_33 : i32
        "tpu.region"() ({
          %run_scoped3A = tpu.sem_alloc : memref<!tpu.dma_semaphore, #tpu.memory_space<semaphore_mem>>
          %dma_start3A_38 = tpu.memref_slice %arg3[%add3A_34] : memref<131072xi32, #tpu.memory_space<hbm>> -> memref<128xi32, #tpu.memory_space<hbm>>
          %dma_start3A_39 = tpu.memref_slice %arg3[%add3A_34] : memref<131072xi32, #tpu.memory_space<hbm>> -> memref<128xi32, #tpu.memory_space<hbm>>
          tpu.enqueue_dma source(%dma_start3A_39 : memref<128xi32, #tpu.memory_space<hbm>>) target(%arg5 : memref<128xi32, #tpu.memory_space<vmem>>) target_semaphore(%run_scoped3A : memref<!tpu.dma_semaphore, #tpu.memory_space<semaphore_mem>>)
          %dma_wait3A_40 = tpu.memref_slice %arg3[%add3A_34] : memref<131072xi32, #tpu.memory_space<hbm>> -> memref<128xi32, #tpu.memory_space<hbm>>
          %dma_wait3A_41 = tpu.memref_slice %arg3[%add3A_34] : memref<131072xi32, #tpu.memory_space<hbm>> -> memref<128xi32, #tpu.memory_space<hbm>>
          tpu.wait_dma2 semaphore(%run_scoped3A : memref<!tpu.dma_semaphore, #tpu.memory_space<semaphore_mem>>) src(%dma_wait3A_41 : memref<128xi32, #tpu.memory_space<hbm>>) dst(%arg5 : memref<128xi32, #tpu.memory_space<vmem>>)
          tpu.yield
        }) : () -> ()
        %dma_start3A_35 = arith.constant 0 : i32
        %dma_start3A_36 = arith.constant 0 : i32
        %dma_start3A_37 = tpu.memref_slice %arg2[%dma_start3A_35, %dma_start3A_36] : memref<8192x256xf32, #tpu.memory_space<hbm>> -> memref<8192x256xf32, #tpu.memory_space<hbm>>
        tpu.enqueue_indirect_dma source(%dma_start3A_37 : memref<8192x256xf32, #tpu.memory_space<hbm>>) target(%arg7 : memref<128x256xf32, #tpu.memory_space<vmem>>) offsets(%arg5 : memref<128xi32, #tpu.memory_space<vmem>>) semaphore(%arg9 : memref<!tpu.dma_semaphore, #tpu.memory_space<semaphore_mem>>)
      } else {
      }
      %dma_wait3A_29 = arith.constant 0 : i32
      %dma_wait3A_30 = arith.constant 0 : i32
      %dma_wait3A_31 = tpu.memref_slice %arg2[%dma_wait3A_29, %dma_wait3A_30] : memref<8192x256xf32, #tpu.memory_space<hbm>> -> memref<8192x256xf32, #tpu.memory_space<hbm>>
      tpu.wait_indirect_dma semaphore(%arg10 : memref<!tpu.dma_semaphore, #tpu.memory_space<semaphore_mem>>) src(%dma_wait3A_31 : memref<8192x256xf32, #tpu.memory_space<hbm>>) dst(%arg8 : memref<128x256xf32, #tpu.memory_space<vmem>>)
      "tpu.region"() ({
        %run_scoped3A = tpu.sem_alloc : memref<!tpu.dma_semaphore, #tpu.memory_space<semaphore_mem>>
        %dma_start3A_33 = arith.constant 0 : i32
        %dma_start3A_34 = tpu.memref_slice %arg4[%add3A_19, %dma_start3A_33] : memref<131072x256xf32, #tpu.memory_space<hbm>> -> memref<128x256xf32, #tpu.memory_space<hbm>>
        %dma_start3A_35 = arith.constant 0 : i32
        %dma_start3A_36 = tpu.memref_slice %arg4[%add3A_19, %dma_start3A_35] : memref<131072x256xf32, #tpu.memory_space<hbm>> -> memref<128x256xf32, #tpu.memory_space<hbm>>
        tpu.enqueue_dma source(%arg8 : memref<128x256xf32, #tpu.memory_space<vmem>>) target(%dma_start3A_36 : memref<128x256xf32, #tpu.memory_space<hbm>>) target_semaphore(%run_scoped3A : memref<!tpu.dma_semaphore, #tpu.memory_space<semaphore_mem>>)
        %dma_wait3A_37 = arith.constant 0 : i32
        %dma_wait3A_38 = tpu.memref_slice %arg4[%add3A_19, %dma_wait3A_37] : memref<131072x256xf32, #tpu.memory_space<hbm>> -> memref<128x256xf32, #tpu.memory_space<hbm>>
        %dma_wait3A_39 = arith.constant 0 : i32
        %dma_wait3A_40 = tpu.memref_slice %arg4[%add3A_19, %dma_wait3A_39] : memref<131072x256xf32, #tpu.memory_space<hbm>> -> memref<128x256xf32, #tpu.memory_space<hbm>>
        tpu.wait_dma2 semaphore(%run_scoped3A : memref<!tpu.dma_semaphore, #tpu.memory_space<semaphore_mem>>) src(%arg8 : memref<128x256xf32, #tpu.memory_space<vmem>>) dst(%dma_wait3A_40 : memref<128x256xf32, #tpu.memory_space<hbm>>)
        tpu.yield
      }) : () -> ()
      %scan3A_32 = arith.constant 0 : i32
      scf.yield %scan3A_32 : i32
    }
    %scan3A_10 = arith.constant 16 : i32
    return
  }
}

#map = affine_map<(d0, d1) -> (0, 0)>
#map1 = affine_map<(d0, d1) -> (0)>
module attributes {stable_mosaic.version = 14 : i64} {
  func.func @gk(%arg0: i32, %arg1: i32, %arg2: memref<8192x256xf32, #tpu.memory_space<hbm>>, %arg3: memref<131072xi32, #tpu.memory_space<hbm>>, %arg4: memref<131072x256xf32, #tpu.memory_space<hbm>>, %arg5: memref<128xi32, #tpu.memory_space<vmem>>, %arg6: memref<128xi32, #tpu.memory_space<vmem>>, %arg7: memref<128x256xf32, #tpu.memory_space<vmem>>, %arg8: memref<128x256xf32, #tpu.memory_space<vmem>>, %arg9: memref<!tpu.dma_semaphore, #tpu.memory_space<semaphore_mem>>, %arg10: memref<!tpu.dma_semaphore, #tpu.memory_space<semaphore_mem>>) attributes {dimension_semantics = [#tpu.dimension_semantics<core_parallel>, #tpu.dimension_semantics<subcore_parallel>], iteration_bounds = array<i64: 2, 16>, scalar_prefetch = 0 : i64, scratch_operands = 6 : i64, tpu.core_type = #tpu.core_type<sc_vector_subcore>, window_params = [{transform_indices = #map}, {transform_indices = #map1}, {transform_indices = #map}]} {
    %mul3A = arith.constant 2 : i32
    %mul3A_0 = arith.muli %arg1, %mul3A : i32
    %add3A = arith.addi %mul3A_0, %arg0 : i32
    %mul3A_1 = arith.constant 4096 : i32
    %mul3A_2 = arith.muli %add3A, %mul3A_1 : i32
    "tpu.region"() ({
      %run_scoped3A = tpu.sem_alloc : memref<!tpu.dma_semaphore, #tpu.memory_space<semaphore_mem>>
      %dma_start3A_11 = tpu.memref_slice %arg3[%mul3A_2] : memref<131072xi32, #tpu.memory_space<hbm>> -> memref<128xi32, #tpu.memory_space<hbm>>
      %dma_start3A_12 = tpu.memref_slice %arg3[%mul3A_2] : memref<131072xi32, #tpu.memory_space<hbm>> -> memref<128xi32, #tpu.memory_space<hbm>>
      tpu.enqueue_dma source(%dma_start3A_12 : memref<128xi32, #tpu.memory_space<hbm>>) target(%arg5 : memref<128xi32, #tpu.memory_space<vmem>>) target_semaphore(%run_scoped3A : memref<!tpu.dma_semaphore, #tpu.memory_space<semaphore_mem>>)
      %dma_wait3A = tpu.memref_slice %arg3[%mul3A_2] : memref<131072xi32, #tpu.memory_space<hbm>> -> memref<128xi32, #tpu.memory_space<hbm>>
      %dma_wait3A_13 = tpu.memref_slice %arg3[%mul3A_2] : memref<131072xi32, #tpu.memory_space<hbm>> -> memref<128xi32, #tpu.memory_space<hbm>>
      tpu.wait_dma2 semaphore(%run_scoped3A : memref<!tpu.dma_semaphore, #tpu.memory_space<semaphore_mem>>) src(%dma_wait3A_13 : memref<128xi32, #tpu.memory_space<hbm>>) dst(%arg5 : memref<128xi32, #tpu.memory_space<vmem>>)
      tpu.yield
    }) : () -> ()
    %dma_start3A = arith.constant 0 : i32
    %dma_start3A_3 = arith.constant 0 : i32
    %dma_start3A_4 = tpu.memref_slice %arg2[%dma_start3A, %dma_start3A_3] : memref<8192x256xf32, #tpu.memory_space<hbm>> -> memref<8192x256xf32, #tpu.memory_space<hbm>>
    tpu.enqueue_indirect_dma source(%dma_start3A_4 : memref<8192x256xf32, #tpu.memory_space<hbm>>) target(%arg7 : memref<128x256xf32, #tpu.memory_space<vmem>>) offsets(%arg5 : memref<128xi32, #tpu.memory_space<vmem>>) semaphore(%arg9 : memref<!tpu.dma_semaphore, #tpu.memory_space<semaphore_mem>>)
    %scan3A = arith.constant 0 : i32
    %scan3A_5 = arith.constant 0 : i32
    %scan3A_6 = arith.constant 16 : i32
    %scan3A_7 = arith.addi %scan3A_5, %scan3A_6 : i32
    %scan3A_8 = arith.constant 1 : i32
    %scan3A_9 = scf.for %scan3A_11 = %scan3A_5 to %scan3A_7 step %scan3A_8 iter_args(%scan3A_12 = %scan3A) -> (i32)  : i32 {
      %mul3A_13 = arith.constant 2 : i32
      %mul3A_14 = arith.muli %mul3A_13, %scan3A_11 : i32
      %mul3A_15 = arith.constant 128 : i32
      %mul3A_16 = arith.muli %mul3A_14, %mul3A_15 : i32
      %add3A_17 = arith.addi %mul3A_2, %mul3A_16 : i32
      %add3A_18 = arith.constant 128 : i32
      %add3A_19 = arith.addi %add3A_17, %add3A_18 : i32
      "tpu.region"() ({
        %run_scoped3A = tpu.sem_alloc : memref<!tpu.dma_semaphore, #tpu.memory_space<semaphore_mem>>
        %dma_start3A_33 = tpu.memref_slice %arg3[%add3A_19] : memref<131072xi32, #tpu.memory_space<hbm>> -> memref<128xi32, #tpu.memory_space<hbm>>
        %dma_start3A_34 = tpu.memref_slice %arg3[%add3A_19] : memref<131072xi32, #tpu.memory_space<hbm>> -> memref<128xi32, #tpu.memory_space<hbm>>
        tpu.enqueue_dma source(%dma_start3A_34 : memref<128xi32, #tpu.memory_space<hbm>>) target(%arg6 : memref<128xi32, #tpu.memory_space<vmem>>) target_semaphore(%run_scoped3A : memref<!tpu.dma_semaphore, #tpu.memory_space<semaphore_mem>>)
        %dma_wait3A_35 = tpu.memref_slice %arg3[%add3A_19] : memref<131072xi32, #tpu.memory_space<hbm>> -> memref<128xi32, #tpu.memory_space<hbm>>
        %dma_wait3A_36 = tpu.memref_slice %arg3[%add3A_19] : memref<131072xi32, #tpu.memory_space<hbm>> -> memref<128xi32, #tpu.memory_space<hbm>>
        tpu.wait_dma2 semaphore(%run_scoped3A : memref<!tpu.dma_semaphore, #tpu.memory_space<semaphore_mem>>) src(%dma_wait3A_36 : memref<128xi32, #tpu.memory_space<hbm>>) dst(%arg6 : memref<128xi32, #tpu.memory_space<vmem>>)
        tpu.yield
      }) : () -> ()
      %dma_start3A_20 = arith.constant 0 : i32
      %dma_start3A_21 = arith.constant 0 : i32
      %dma_start3A_22 = tpu.memref_slice %arg2[%dma_start3A_20, %dma_start3A_21] : memref<8192x256xf32, #tpu.memory_space<hbm>> -> memref<8192x256xf32, #tpu.memory_space<hbm>>
      tpu.enqueue_indirect_dma source(%dma_start3A_22 : memref<8192x256xf32, #tpu.memory_space<hbm>>) target(%arg8 : memref<128x256xf32, #tpu.memory_space<vmem>>) offsets(%arg6 : memref<128xi32, #tpu.memory_space<vmem>>) semaphore(%arg10 : memref<!tpu.dma_semaphore, #tpu.memory_space<semaphore_mem>>)
      %dma_wait3A = arith.constant 0 : i32
      %dma_wait3A_23 = arith.constant 0 : i32
      %dma_wait3A_24 = tpu.memref_slice %arg2[%dma_wait3A, %dma_wait3A_23] : memref<8192x256xf32, #tpu.memory_space<hbm>> -> memref<8192x256xf32, #tpu.memory_space<hbm>>
      tpu.wait_indirect_dma semaphore(%arg9 : memref<!tpu.dma_semaphore, #tpu.memory_space<semaphore_mem>>) src(%dma_wait3A_24 : memref<8192x256xf32, #tpu.memory_space<hbm>>) dst(%arg7 : memref<128x256xf32, #tpu.memory_space<vmem>>)
      "tpu.region"() ({
        %run_scoped3A = tpu.sem_alloc : memref<!tpu.dma_semaphore, #tpu.memory_space<semaphore_mem>>
        %dma_start3A_33 = arith.constant 0 : i32
        %dma_start3A_34 = tpu.memref_slice %arg4[%add3A_17, %dma_start3A_33] : memref<131072x256xf32, #tpu.memory_space<hbm>> -> memref<128x256xf32, #tpu.memory_space<hbm>>
        %dma_start3A_35 = arith.constant 0 : i32
        %dma_start3A_36 = tpu.memref_slice %arg4[%add3A_17, %dma_start3A_35] : memref<131072x256xf32, #tpu.memory_space<hbm>> -> memref<128x256xf32, #tpu.memory_space<hbm>>
        tpu.enqueue_dma source(%arg7 : memref<128x256xf32, #tpu.memory_space<vmem>>) target(%dma_start3A_36 : memref<128x256xf32, #tpu.memory_space<hbm>>) target_semaphore(%run_scoped3A : memref<!tpu.dma_semaphore, #tpu.memory_space<semaphore_mem>>)
        %dma_wait3A_37 = arith.constant 0 : i32
        %dma_wait3A_38 = tpu.memref_slice %arg4[%add3A_17, %dma_wait3A_37] : memref<131072x256xf32, #tpu.memory_space<hbm>> -> memref<128x256xf32, #tpu.memory_space<hbm>>
        %dma_wait3A_39 = arith.constant 0 : i32
        %dma_wait3A_40 = tpu.memref_slice %arg4[%add3A_17, %dma_wait3A_39] : memref<131072x256xf32, #tpu.memory_space<hbm>> -> memref<128x256xf32, #tpu.memory_space<hbm>>
        tpu.wait_dma2 semaphore(%run_scoped3A : memref<!tpu.dma_semaphore, #tpu.memory_space<semaphore_mem>>) src(%arg7 : memref<128x256xf32, #tpu.memory_space<vmem>>) dst(%dma_wait3A_40 : memref<128x256xf32, #tpu.memory_space<hbm>>)
        tpu.yield
      }) : () -> ()
      %add3A_25 = arith.constant 1 : i32
      %add3A_26 = arith.addi %scan3A_11, %add3A_25 : i32
      %lt3A = arith.constant 16 : i32
      %lt3A_27 = arith.cmpi slt, %add3A_26, %lt3A : i32
      %convert_element_type3A = arith.extui %lt3A_27 : i1 to i32
      %cond3A = arith.constant 0 : i32
      %cond3A_28 = arith.cmpi ne, %convert_element_type3A, %cond3A : i32
      scf.if %cond3A_28 {
        %add3A_33 = arith.constant 256 : i32
        %add3A_34 = arith.addi %add3A_17, %add3A_33 : i32
        "tpu.region"() ({
          %run_scoped3A = tpu.sem_alloc : memref<!tpu.dma_semaphore, #tpu.memory_space<semaphore_mem>>
          %dma_start3A_38 = tpu.memref_slice %arg3[%add3A_34] : memref<131072xi32, #tpu.memory_space<hbm>> -> memref<128xi32, #tpu.memory_space<hbm>>
          %dma_start3A_39 = tpu.memref_slice %arg3[%add3A_34] : memref<131072xi32, #tpu.memory_space<hbm>> -> memref<128xi32, #tpu.memory_space<hbm>>
          tpu.enqueue_dma source(%dma_start3A_39 : memref<128xi32, #tpu.memory_space<hbm>>) target(%arg5 : memref<128xi32, #tpu.memory_space<vmem>>) target_semaphore(%run_scoped3A : memref<!tpu.dma_semaphore, #tpu.memory_space<semaphore_mem>>)
          %dma_wait3A_40 = tpu.memref_slice %arg3[%add3A_34] : memref<131072xi32, #tpu.memory_space<hbm>> -> memref<128xi32, #tpu.memory_space<hbm>>
          %dma_wait3A_41 = tpu.memref_slice %arg3[%add3A_34] : memref<131072xi32, #tpu.memory_space<hbm>> -> memref<128xi32, #tpu.memory_space<hbm>>
          tpu.wait_dma2 semaphore(%run_scoped3A : memref<!tpu.dma_semaphore, #tpu.memory_space<semaphore_mem>>) src(%dma_wait3A_41 : memref<128xi32, #tpu.memory_space<hbm>>) dst(%arg5 : memref<128xi32, #tpu.memory_space<vmem>>)
          tpu.yield
        }) : () -> ()
        %dma_start3A_35 = arith.constant 0 : i32
        %dma_start3A_36 = arith.constant 0 : i32
        %dma_start3A_37 = tpu.memref_slice %arg2[%dma_start3A_35, %dma_start3A_36] : memref<8192x256xf32, #tpu.memory_space<hbm>> -> memref<8192x256xf32, #tpu.memory_space<hbm>>
        tpu.enqueue_indirect_dma source(%dma_start3A_37 : memref<8192x256xf32, #tpu.memory_space<hbm>>) target(%arg7 : memref<128x256xf32, #tpu.memory_space<vmem>>) offsets(%arg5 : memref<128xi32, #tpu.memory_space<vmem>>) semaphore(%arg9 : memref<!tpu.dma_semaphore, #tpu.memory_space<semaphore_mem>>)
      } else {
      }
      %dma_wait3A_29 = arith.constant 0 : i32
      %dma_wait3A_30 = arith.constant 0 : i32
      %dma_wait3A_31 = tpu.memref_slice %arg2[%dma_wait3A_29, %dma_wait3A_30] : memref<8192x256xf32, #tpu.memory_space<hbm>> -> memref<8192x256xf32, #tpu.memory_space<hbm>>
      tpu.wait_indirect_dma semaphore(%arg10 : memref<!tpu.dma_semaphore, #tpu.memory_space<semaphore_mem>>) src(%dma_wait3A_31 : memref<8192x256xf32, #tpu.memory_space<hbm>>) dst(%arg8 : memref<128x256xf32, #tpu.memory_space<vmem>>)
      "tpu.region"() ({
        %run_scoped3A = tpu.sem_alloc : memref<!tpu.dma_semaphore, #tpu.memory_space<semaphore_mem>>
        %dma_start3A_33 = arith.constant 0 : i32
        %dma_start3A_34 = tpu.memref_slice %arg4[%add3A_19, %dma_start3A_33] : memref<131072x256xf32, #tpu.memory_space<hbm>> -> memref<128x256xf32, #tpu.memory_space<hbm>>
        %dma_start3A_35 = arith.constant 0 : i32
        %dma_start3A_36 = tpu.memref_slice %arg4[%add3A_19, %dma_start3A_35] : memref<131072x256xf32, #tpu.memory_space<hbm>> -> memref<128x256xf32, #tpu.memory_space<hbm>>
        tpu.enqueue_dma source(%arg8 : memref<128x256xf32, #tpu.memory_space<vmem>>) target(%dma_start3A_36 : memref<128x256xf32, #tpu.memory_space<hbm>>) target_semaphore(%run_scoped3A : memref<!tpu.dma_semaphore, #tpu.memory_space<semaphore_mem>>)
        %dma_wait3A_37 = arith.constant 0 : i32
        %dma_wait3A_38 = tpu.memref_slice %arg4[%add3A_19, %dma_wait3A_37] : memref<131072x256xf32, #tpu.memory_space<hbm>> -> memref<128x256xf32, #tpu.memory_space<hbm>>
        %dma_wait3A_39 = arith.constant 0 : i32
        %dma_wait3A_40 = tpu.memref_slice %arg4[%add3A_19, %dma_wait3A_39] : memref<131072x256xf32, #tpu.memory_space<hbm>> -> memref<128x256xf32, #tpu.memory_space<hbm>>
        tpu.wait_dma2 semaphore(%run_scoped3A : memref<!tpu.dma_semaphore, #tpu.memory_space<semaphore_mem>>) src(%arg8 : memref<128x256xf32, #tpu.memory_space<vmem>>) dst(%dma_wait3A_40 : memref<128x256xf32, #tpu.memory_space<hbm>>)
        tpu.yield
      }) : () -> ()
      %scan3A_32 = arith.constant 0 : i32
      scf.yield %scan3A_32 : i32
    }
    %scan3A_10 = arith.constant 16 : i32
    return
  }
}

#map = affine_map<(d0, d1) -> (0, 0)>
#map1 = affine_map<(d0, d1) -> (0)>
module attributes {stable_mosaic.version = 14 : i64} {
  func.func @gk(%arg0: i32, %arg1: i32, %arg2: memref<8192x128xf32, #tpu.memory_space<hbm>>, %arg3: memref<131072xi32, #tpu.memory_space<hbm>>, %arg4: memref<131072x128xf32, #tpu.memory_space<hbm>>, %arg5: memref<128xi32, #tpu.memory_space<vmem>>, %arg6: memref<128xi32, #tpu.memory_space<vmem>>, %arg7: memref<128x128xf32, #tpu.memory_space<vmem>>, %arg8: memref<128x128xf32, #tpu.memory_space<vmem>>, %arg9: memref<!tpu.dma_semaphore, #tpu.memory_space<semaphore_mem>>, %arg10: memref<!tpu.dma_semaphore, #tpu.memory_space<semaphore_mem>>) attributes {dimension_semantics = [#tpu.dimension_semantics<core_parallel>, #tpu.dimension_semantics<subcore_parallel>], iteration_bounds = array<i64: 2, 16>, scalar_prefetch = 0 : i64, scratch_operands = 6 : i64, tpu.core_type = #tpu.core_type<sc_vector_subcore>, window_params = [{transform_indices = #map}, {transform_indices = #map1}, {transform_indices = #map}]} {
    %mul3A = arith.constant 2 : i32
    %mul3A_0 = arith.muli %arg1, %mul3A : i32
    %add3A = arith.addi %mul3A_0, %arg0 : i32
    %mul3A_1 = arith.constant 4096 : i32
    %mul3A_2 = arith.muli %add3A, %mul3A_1 : i32
    "tpu.region"() ({
      %run_scoped3A = tpu.sem_alloc : memref<!tpu.dma_semaphore, #tpu.memory_space<semaphore_mem>>
      %dma_start3A_11 = tpu.memref_slice %arg3[%mul3A_2] : memref<131072xi32, #tpu.memory_space<hbm>> -> memref<128xi32, #tpu.memory_space<hbm>>
      %dma_start3A_12 = tpu.memref_slice %arg3[%mul3A_2] : memref<131072xi32, #tpu.memory_space<hbm>> -> memref<128xi32, #tpu.memory_space<hbm>>
      tpu.enqueue_dma source(%dma_start3A_12 : memref<128xi32, #tpu.memory_space<hbm>>) target(%arg5 : memref<128xi32, #tpu.memory_space<vmem>>) target_semaphore(%run_scoped3A : memref<!tpu.dma_semaphore, #tpu.memory_space<semaphore_mem>>)
      %dma_wait3A = tpu.memref_slice %arg3[%mul3A_2] : memref<131072xi32, #tpu.memory_space<hbm>> -> memref<128xi32, #tpu.memory_space<hbm>>
      %dma_wait3A_13 = tpu.memref_slice %arg3[%mul3A_2] : memref<131072xi32, #tpu.memory_space<hbm>> -> memref<128xi32, #tpu.memory_space<hbm>>
      tpu.wait_dma2 semaphore(%run_scoped3A : memref<!tpu.dma_semaphore, #tpu.memory_space<semaphore_mem>>) src(%dma_wait3A_13 : memref<128xi32, #tpu.memory_space<hbm>>) dst(%arg5 : memref<128xi32, #tpu.memory_space<vmem>>)
      tpu.yield
    }) : () -> ()
    %dma_start3A = arith.constant 0 : i32
    %dma_start3A_3 = arith.constant 0 : i32
    %dma_start3A_4 = tpu.memref_slice %arg2[%dma_start3A, %dma_start3A_3] : memref<8192x128xf32, #tpu.memory_space<hbm>> -> memref<8192x128xf32, #tpu.memory_space<hbm>>
    tpu.enqueue_indirect_dma source(%dma_start3A_4 : memref<8192x128xf32, #tpu.memory_space<hbm>>) target(%arg7 : memref<128x128xf32, #tpu.memory_space<vmem>>) offsets(%arg5 : memref<128xi32, #tpu.memory_space<vmem>>) semaphore(%arg9 : memref<!tpu.dma_semaphore, #tpu.memory_space<semaphore_mem>>)
    %scan3A = arith.constant 0 : i32
    %scan3A_5 = arith.constant 0 : i32
    %scan3A_6 = arith.constant 16 : i32
    %scan3A_7 = arith.addi %scan3A_5, %scan3A_6 : i32
    %scan3A_8 = arith.constant 1 : i32
    %scan3A_9 = scf.for %scan3A_11 = %scan3A_5 to %scan3A_7 step %scan3A_8 iter_args(%scan3A_12 = %scan3A) -> (i32)  : i32 {
      %mul3A_13 = arith.constant 2 : i32
      %mul3A_14 = arith.muli %mul3A_13, %scan3A_11 : i32
      %mul3A_15 = arith.constant 128 : i32
      %mul3A_16 = arith.muli %mul3A_14, %mul3A_15 : i32
      %add3A_17 = arith.addi %mul3A_2, %mul3A_16 : i32
      %add3A_18 = arith.constant 128 : i32
      %add3A_19 = arith.addi %add3A_17, %add3A_18 : i32
      "tpu.region"() ({
        %run_scoped3A = tpu.sem_alloc : memref<!tpu.dma_semaphore, #tpu.memory_space<semaphore_mem>>
        %dma_start3A_33 = tpu.memref_slice %arg3[%add3A_19] : memref<131072xi32, #tpu.memory_space<hbm>> -> memref<128xi32, #tpu.memory_space<hbm>>
        %dma_start3A_34 = tpu.memref_slice %arg3[%add3A_19] : memref<131072xi32, #tpu.memory_space<hbm>> -> memref<128xi32, #tpu.memory_space<hbm>>
        tpu.enqueue_dma source(%dma_start3A_34 : memref<128xi32, #tpu.memory_space<hbm>>) target(%arg6 : memref<128xi32, #tpu.memory_space<vmem>>) target_semaphore(%run_scoped3A : memref<!tpu.dma_semaphore, #tpu.memory_space<semaphore_mem>>)
        %dma_wait3A_35 = tpu.memref_slice %arg3[%add3A_19] : memref<131072xi32, #tpu.memory_space<hbm>> -> memref<128xi32, #tpu.memory_space<hbm>>
        %dma_wait3A_36 = tpu.memref_slice %arg3[%add3A_19] : memref<131072xi32, #tpu.memory_space<hbm>> -> memref<128xi32, #tpu.memory_space<hbm>>
        tpu.wait_dma2 semaphore(%run_scoped3A : memref<!tpu.dma_semaphore, #tpu.memory_space<semaphore_mem>>) src(%dma_wait3A_36 : memref<128xi32, #tpu.memory_space<hbm>>) dst(%arg6 : memref<128xi32, #tpu.memory_space<vmem>>)
        tpu.yield
      }) : () -> ()
      %dma_start3A_20 = arith.constant 0 : i32
      %dma_start3A_21 = arith.constant 0 : i32
      %dma_start3A_22 = tpu.memref_slice %arg2[%dma_start3A_20, %dma_start3A_21] : memref<8192x128xf32, #tpu.memory_space<hbm>> -> memref<8192x128xf32, #tpu.memory_space<hbm>>
      tpu.enqueue_indirect_dma source(%dma_start3A_22 : memref<8192x128xf32, #tpu.memory_space<hbm>>) target(%arg8 : memref<128x128xf32, #tpu.memory_space<vmem>>) offsets(%arg6 : memref<128xi32, #tpu.memory_space<vmem>>) semaphore(%arg10 : memref<!tpu.dma_semaphore, #tpu.memory_space<semaphore_mem>>)
      %dma_wait3A = arith.constant 0 : i32
      %dma_wait3A_23 = arith.constant 0 : i32
      %dma_wait3A_24 = tpu.memref_slice %arg2[%dma_wait3A, %dma_wait3A_23] : memref<8192x128xf32, #tpu.memory_space<hbm>> -> memref<8192x128xf32, #tpu.memory_space<hbm>>
      tpu.wait_indirect_dma semaphore(%arg9 : memref<!tpu.dma_semaphore, #tpu.memory_space<semaphore_mem>>) src(%dma_wait3A_24 : memref<8192x128xf32, #tpu.memory_space<hbm>>) dst(%arg7 : memref<128x128xf32, #tpu.memory_space<vmem>>)
      "tpu.region"() ({
        %run_scoped3A = tpu.sem_alloc : memref<!tpu.dma_semaphore, #tpu.memory_space<semaphore_mem>>
        %dma_start3A_33 = arith.constant 0 : i32
        %dma_start3A_34 = tpu.memref_slice %arg4[%add3A_17, %dma_start3A_33] : memref<131072x128xf32, #tpu.memory_space<hbm>> -> memref<128x128xf32, #tpu.memory_space<hbm>>
        %dma_start3A_35 = arith.constant 0 : i32
        %dma_start3A_36 = tpu.memref_slice %arg4[%add3A_17, %dma_start3A_35] : memref<131072x128xf32, #tpu.memory_space<hbm>> -> memref<128x128xf32, #tpu.memory_space<hbm>>
        tpu.enqueue_dma source(%arg7 : memref<128x128xf32, #tpu.memory_space<vmem>>) target(%dma_start3A_36 : memref<128x128xf32, #tpu.memory_space<hbm>>) target_semaphore(%run_scoped3A : memref<!tpu.dma_semaphore, #tpu.memory_space<semaphore_mem>>)
        %dma_wait3A_37 = arith.constant 0 : i32
        %dma_wait3A_38 = tpu.memref_slice %arg4[%add3A_17, %dma_wait3A_37] : memref<131072x128xf32, #tpu.memory_space<hbm>> -> memref<128x128xf32, #tpu.memory_space<hbm>>
        %dma_wait3A_39 = arith.constant 0 : i32
        %dma_wait3A_40 = tpu.memref_slice %arg4[%add3A_17, %dma_wait3A_39] : memref<131072x128xf32, #tpu.memory_space<hbm>> -> memref<128x128xf32, #tpu.memory_space<hbm>>
        tpu.wait_dma2 semaphore(%run_scoped3A : memref<!tpu.dma_semaphore, #tpu.memory_space<semaphore_mem>>) src(%arg7 : memref<128x128xf32, #tpu.memory_space<vmem>>) dst(%dma_wait3A_40 : memref<128x128xf32, #tpu.memory_space<hbm>>)
        tpu.yield
      }) : () -> ()
      %add3A_25 = arith.constant 1 : i32
      %add3A_26 = arith.addi %scan3A_11, %add3A_25 : i32
      %lt3A = arith.constant 16 : i32
      %lt3A_27 = arith.cmpi slt, %add3A_26, %lt3A : i32
      %convert_element_type3A = arith.extui %lt3A_27 : i1 to i32
      %cond3A = arith.constant 0 : i32
      %cond3A_28 = arith.cmpi ne, %convert_element_type3A, %cond3A : i32
      scf.if %cond3A_28 {
        %add3A_33 = arith.constant 256 : i32
        %add3A_34 = arith.addi %add3A_17, %add3A_33 : i32
        "tpu.region"() ({
          %run_scoped3A = tpu.sem_alloc : memref<!tpu.dma_semaphore, #tpu.memory_space<semaphore_mem>>
          %dma_start3A_38 = tpu.memref_slice %arg3[%add3A_34] : memref<131072xi32, #tpu.memory_space<hbm>> -> memref<128xi32, #tpu.memory_space<hbm>>
          %dma_start3A_39 = tpu.memref_slice %arg3[%add3A_34] : memref<131072xi32, #tpu.memory_space<hbm>> -> memref<128xi32, #tpu.memory_space<hbm>>
          tpu.enqueue_dma source(%dma_start3A_39 : memref<128xi32, #tpu.memory_space<hbm>>) target(%arg5 : memref<128xi32, #tpu.memory_space<vmem>>) target_semaphore(%run_scoped3A : memref<!tpu.dma_semaphore, #tpu.memory_space<semaphore_mem>>)
          %dma_wait3A_40 = tpu.memref_slice %arg3[%add3A_34] : memref<131072xi32, #tpu.memory_space<hbm>> -> memref<128xi32, #tpu.memory_space<hbm>>
          %dma_wait3A_41 = tpu.memref_slice %arg3[%add3A_34] : memref<131072xi32, #tpu.memory_space<hbm>> -> memref<128xi32, #tpu.memory_space<hbm>>
          tpu.wait_dma2 semaphore(%run_scoped3A : memref<!tpu.dma_semaphore, #tpu.memory_space<semaphore_mem>>) src(%dma_wait3A_41 : memref<128xi32, #tpu.memory_space<hbm>>) dst(%arg5 : memref<128xi32, #tpu.memory_space<vmem>>)
          tpu.yield
        }) : () -> ()
        %dma_start3A_35 = arith.constant 0 : i32
        %dma_start3A_36 = arith.constant 0 : i32
        %dma_start3A_37 = tpu.memref_slice %arg2[%dma_start3A_35, %dma_start3A_36] : memref<8192x128xf32, #tpu.memory_space<hbm>> -> memref<8192x128xf32, #tpu.memory_space<hbm>>
        tpu.enqueue_indirect_dma source(%dma_start3A_37 : memref<8192x128xf32, #tpu.memory_space<hbm>>) target(%arg7 : memref<128x128xf32, #tpu.memory_space<vmem>>) offsets(%arg5 : memref<128xi32, #tpu.memory_space<vmem>>) semaphore(%arg9 : memref<!tpu.dma_semaphore, #tpu.memory_space<semaphore_mem>>)
      } else {
      }
      %dma_wait3A_29 = arith.constant 0 : i32
      %dma_wait3A_30 = arith.constant 0 : i32
      %dma_wait3A_31 = tpu.memref_slice %arg2[%dma_wait3A_29, %dma_wait3A_30] : memref<8192x128xf32, #tpu.memory_space<hbm>> -> memref<8192x128xf32, #tpu.memory_space<hbm>>
      tpu.wait_indirect_dma semaphore(%arg10 : memref<!tpu.dma_semaphore, #tpu.memory_space<semaphore_mem>>) src(%dma_wait3A_31 : memref<8192x128xf32, #tpu.memory_space<hbm>>) dst(%arg8 : memref<128x128xf32, #tpu.memory_space<vmem>>)
      "tpu.region"() ({
        %run_scoped3A = tpu.sem_alloc : memref<!tpu.dma_semaphore, #tpu.memory_space<semaphore_mem>>
        %dma_start3A_33 = arith.constant 0 : i32
        %dma_start3A_34 = tpu.memref_slice %arg4[%add3A_19, %dma_start3A_33] : memref<131072x128xf32, #tpu.memory_space<hbm>> -> memref<128x128xf32, #tpu.memory_space<hbm>>
        %dma_start3A_35 = arith.constant 0 : i32
        %dma_start3A_36 = tpu.memref_slice %arg4[%add3A_19, %dma_start3A_35] : memref<131072x128xf32, #tpu.memory_space<hbm>> -> memref<128x128xf32, #tpu.memory_space<hbm>>
        tpu.enqueue_dma source(%arg8 : memref<128x128xf32, #tpu.memory_space<vmem>>) target(%dma_start3A_36 : memref<128x128xf32, #tpu.memory_space<hbm>>) target_semaphore(%run_scoped3A : memref<!tpu.dma_semaphore, #tpu.memory_space<semaphore_mem>>)
        %dma_wait3A_37 = arith.constant 0 : i32
        %dma_wait3A_38 = tpu.memref_slice %arg4[%add3A_19, %dma_wait3A_37] : memref<131072x128xf32, #tpu.memory_space<hbm>> -> memref<128x128xf32, #tpu.memory_space<hbm>>
        %dma_wait3A_39 = arith.constant 0 : i32
        %dma_wait3A_40 = tpu.memref_slice %arg4[%add3A_19, %dma_wait3A_39] : memref<131072x128xf32, #tpu.memory_space<hbm>> -> memref<128x128xf32, #tpu.memory_space<hbm>>
        tpu.wait_dma2 semaphore(%run_scoped3A : memref<!tpu.dma_semaphore, #tpu.memory_space<semaphore_mem>>) src(%arg8 : memref<128x128xf32, #tpu.memory_space<vmem>>) dst(%dma_wait3A_40 : memref<128x128xf32, #tpu.memory_space<hbm>>)
        tpu.yield
      }) : () -> ()
      %scan3A_32 = arith.constant 0 : i32
      scf.yield %scan3A_32 : i32
    }
    %scan3A_10 = arith.constant 16 : i32
    return
  }
}

#map = affine_map<(d0, d1) -> (0, 0)>
#map1 = affine_map<(d0, d1) -> (0)>
module attributes {stable_mosaic.version = 14 : i64} {
  func.func @gk(%arg0: i32, %arg1: i32, %arg2: memref<8192x256xf32, #tpu.memory_space<hbm>>, %arg3: memref<131072xi32, #tpu.memory_space<hbm>>, %arg4: memref<131072x256xf32, #tpu.memory_space<hbm>>, %arg5: memref<128xi32, #tpu.memory_space<vmem>>, %arg6: memref<128xi32, #tpu.memory_space<vmem>>, %arg7: memref<128x256xf32, #tpu.memory_space<vmem>>, %arg8: memref<128x256xf32, #tpu.memory_space<vmem>>, %arg9: memref<!tpu.dma_semaphore, #tpu.memory_space<semaphore_mem>>, %arg10: memref<!tpu.dma_semaphore, #tpu.memory_space<semaphore_mem>>) attributes {dimension_semantics = [#tpu.dimension_semantics<core_parallel>, #tpu.dimension_semantics<subcore_parallel>], iteration_bounds = array<i64: 2, 16>, scalar_prefetch = 0 : i64, scratch_operands = 6 : i64, tpu.core_type = #tpu.core_type<sc_vector_subcore>, window_params = [{transform_indices = #map}, {transform_indices = #map1}, {transform_indices = #map}]} {
    %mul3A = arith.constant 2 : i32
    %mul3A_0 = arith.muli %arg1, %mul3A : i32
    %add3A = arith.addi %mul3A_0, %arg0 : i32
    %mul3A_1 = arith.constant 4096 : i32
    %mul3A_2 = arith.muli %add3A, %mul3A_1 : i32
    "tpu.region"() ({
      %run_scoped3A = tpu.sem_alloc : memref<!tpu.dma_semaphore, #tpu.memory_space<semaphore_mem>>
      %dma_start3A_11 = tpu.memref_slice %arg3[%mul3A_2] : memref<131072xi32, #tpu.memory_space<hbm>> -> memref<128xi32, #tpu.memory_space<hbm>>
      %dma_start3A_12 = tpu.memref_slice %arg3[%mul3A_2] : memref<131072xi32, #tpu.memory_space<hbm>> -> memref<128xi32, #tpu.memory_space<hbm>>
      tpu.enqueue_dma source(%dma_start3A_12 : memref<128xi32, #tpu.memory_space<hbm>>) target(%arg5 : memref<128xi32, #tpu.memory_space<vmem>>) target_semaphore(%run_scoped3A : memref<!tpu.dma_semaphore, #tpu.memory_space<semaphore_mem>>)
      %dma_wait3A = tpu.memref_slice %arg3[%mul3A_2] : memref<131072xi32, #tpu.memory_space<hbm>> -> memref<128xi32, #tpu.memory_space<hbm>>
      %dma_wait3A_13 = tpu.memref_slice %arg3[%mul3A_2] : memref<131072xi32, #tpu.memory_space<hbm>> -> memref<128xi32, #tpu.memory_space<hbm>>
      tpu.wait_dma2 semaphore(%run_scoped3A : memref<!tpu.dma_semaphore, #tpu.memory_space<semaphore_mem>>) src(%dma_wait3A_13 : memref<128xi32, #tpu.memory_space<hbm>>) dst(%arg5 : memref<128xi32, #tpu.memory_space<vmem>>)
      tpu.yield
    }) : () -> ()
    %dma_start3A = arith.constant 0 : i32
    %dma_start3A_3 = arith.constant 0 : i32
    %dma_start3A_4 = tpu.memref_slice %arg2[%dma_start3A, %dma_start3A_3] : memref<8192x256xf32, #tpu.memory_space<hbm>> -> memref<8192x256xf32, #tpu.memory_space<hbm>>
    tpu.enqueue_indirect_dma source(%dma_start3A_4 : memref<8192x256xf32, #tpu.memory_space<hbm>>) target(%arg7 : memref<128x256xf32, #tpu.memory_space<vmem>>) offsets(%arg5 : memref<128xi32, #tpu.memory_space<vmem>>) semaphore(%arg9 : memref<!tpu.dma_semaphore, #tpu.memory_space<semaphore_mem>>)
    %scan3A = arith.constant 0 : i32
    %scan3A_5 = arith.constant 0 : i32
    %scan3A_6 = arith.constant 16 : i32
    %scan3A_7 = arith.addi %scan3A_5, %scan3A_6 : i32
    %scan3A_8 = arith.constant 1 : i32
    %scan3A_9 = scf.for %scan3A_11 = %scan3A_5 to %scan3A_7 step %scan3A_8 iter_args(%scan3A_12 = %scan3A) -> (i32)  : i32 {
      %mul3A_13 = arith.constant 2 : i32
      %mul3A_14 = arith.muli %mul3A_13, %scan3A_11 : i32
      %mul3A_15 = arith.constant 128 : i32
      %mul3A_16 = arith.muli %mul3A_14, %mul3A_15 : i32
      %add3A_17 = arith.addi %mul3A_2, %mul3A_16 : i32
      %add3A_18 = arith.constant 128 : i32
      %add3A_19 = arith.addi %add3A_17, %add3A_18 : i32
      "tpu.region"() ({
        %run_scoped3A = tpu.sem_alloc : memref<!tpu.dma_semaphore, #tpu.memory_space<semaphore_mem>>
        %dma_start3A_33 = tpu.memref_slice %arg3[%add3A_19] : memref<131072xi32, #tpu.memory_space<hbm>> -> memref<128xi32, #tpu.memory_space<hbm>>
        %dma_start3A_34 = tpu.memref_slice %arg3[%add3A_19] : memref<131072xi32, #tpu.memory_space<hbm>> -> memref<128xi32, #tpu.memory_space<hbm>>
        tpu.enqueue_dma source(%dma_start3A_34 : memref<128xi32, #tpu.memory_space<hbm>>) target(%arg6 : memref<128xi32, #tpu.memory_space<vmem>>) target_semaphore(%run_scoped3A : memref<!tpu.dma_semaphore, #tpu.memory_space<semaphore_mem>>)
        %dma_wait3A_35 = tpu.memref_slice %arg3[%add3A_19] : memref<131072xi32, #tpu.memory_space<hbm>> -> memref<128xi32, #tpu.memory_space<hbm>>
        %dma_wait3A_36 = tpu.memref_slice %arg3[%add3A_19] : memref<131072xi32, #tpu.memory_space<hbm>> -> memref<128xi32, #tpu.memory_space<hbm>>
        tpu.wait_dma2 semaphore(%run_scoped3A : memref<!tpu.dma_semaphore, #tpu.memory_space<semaphore_mem>>) src(%dma_wait3A_36 : memref<128xi32, #tpu.memory_space<hbm>>) dst(%arg6 : memref<128xi32, #tpu.memory_space<vmem>>)
        tpu.yield
      }) : () -> ()
      %dma_start3A_20 = arith.constant 0 : i32
      %dma_start3A_21 = arith.constant 0 : i32
      %dma_start3A_22 = tpu.memref_slice %arg2[%dma_start3A_20, %dma_start3A_21] : memref<8192x256xf32, #tpu.memory_space<hbm>> -> memref<8192x256xf32, #tpu.memory_space<hbm>>
      tpu.enqueue_indirect_dma source(%dma_start3A_22 : memref<8192x256xf32, #tpu.memory_space<hbm>>) target(%arg8 : memref<128x256xf32, #tpu.memory_space<vmem>>) offsets(%arg6 : memref<128xi32, #tpu.memory_space<vmem>>) semaphore(%arg10 : memref<!tpu.dma_semaphore, #tpu.memory_space<semaphore_mem>>)
      %dma_wait3A = arith.constant 0 : i32
      %dma_wait3A_23 = arith.constant 0 : i32
      %dma_wait3A_24 = tpu.memref_slice %arg2[%dma_wait3A, %dma_wait3A_23] : memref<8192x256xf32, #tpu.memory_space<hbm>> -> memref<8192x256xf32, #tpu.memory_space<hbm>>
      tpu.wait_indirect_dma semaphore(%arg9 : memref<!tpu.dma_semaphore, #tpu.memory_space<semaphore_mem>>) src(%dma_wait3A_24 : memref<8192x256xf32, #tpu.memory_space<hbm>>) dst(%arg7 : memref<128x256xf32, #tpu.memory_space<vmem>>)
      "tpu.region"() ({
        %run_scoped3A = tpu.sem_alloc : memref<!tpu.dma_semaphore, #tpu.memory_space<semaphore_mem>>
        %dma_start3A_33 = arith.constant 0 : i32
        %dma_start3A_34 = tpu.memref_slice %arg4[%add3A_17, %dma_start3A_33] : memref<131072x256xf32, #tpu.memory_space<hbm>> -> memref<128x256xf32, #tpu.memory_space<hbm>>
        %dma_start3A_35 = arith.constant 0 : i32
        %dma_start3A_36 = tpu.memref_slice %arg4[%add3A_17, %dma_start3A_35] : memref<131072x256xf32, #tpu.memory_space<hbm>> -> memref<128x256xf32, #tpu.memory_space<hbm>>
        tpu.enqueue_dma source(%arg7 : memref<128x256xf32, #tpu.memory_space<vmem>>) target(%dma_start3A_36 : memref<128x256xf32, #tpu.memory_space<hbm>>) target_semaphore(%run_scoped3A : memref<!tpu.dma_semaphore, #tpu.memory_space<semaphore_mem>>)
        %dma_wait3A_37 = arith.constant 0 : i32
        %dma_wait3A_38 = tpu.memref_slice %arg4[%add3A_17, %dma_wait3A_37] : memref<131072x256xf32, #tpu.memory_space<hbm>> -> memref<128x256xf32, #tpu.memory_space<hbm>>
        %dma_wait3A_39 = arith.constant 0 : i32
        %dma_wait3A_40 = tpu.memref_slice %arg4[%add3A_17, %dma_wait3A_39] : memref<131072x256xf32, #tpu.memory_space<hbm>> -> memref<128x256xf32, #tpu.memory_space<hbm>>
        tpu.wait_dma2 semaphore(%run_scoped3A : memref<!tpu.dma_semaphore, #tpu.memory_space<semaphore_mem>>) src(%arg7 : memref<128x256xf32, #tpu.memory_space<vmem>>) dst(%dma_wait3A_40 : memref<128x256xf32, #tpu.memory_space<hbm>>)
        tpu.yield
      }) : () -> ()
      %add3A_25 = arith.constant 1 : i32
      %add3A_26 = arith.addi %scan3A_11, %add3A_25 : i32
      %lt3A = arith.constant 16 : i32
      %lt3A_27 = arith.cmpi slt, %add3A_26, %lt3A : i32
      %convert_element_type3A = arith.extui %lt3A_27 : i1 to i32
      %cond3A = arith.constant 0 : i32
      %cond3A_28 = arith.cmpi ne, %convert_element_type3A, %cond3A : i32
      scf.if %cond3A_28 {
        %add3A_33 = arith.constant 256 : i32
        %add3A_34 = arith.addi %add3A_17, %add3A_33 : i32
        "tpu.region"() ({
          %run_scoped3A = tpu.sem_alloc : memref<!tpu.dma_semaphore, #tpu.memory_space<semaphore_mem>>
          %dma_start3A_38 = tpu.memref_slice %arg3[%add3A_34] : memref<131072xi32, #tpu.memory_space<hbm>> -> memref<128xi32, #tpu.memory_space<hbm>>
          %dma_start3A_39 = tpu.memref_slice %arg3[%add3A_34] : memref<131072xi32, #tpu.memory_space<hbm>> -> memref<128xi32, #tpu.memory_space<hbm>>
          tpu.enqueue_dma source(%dma_start3A_39 : memref<128xi32, #tpu.memory_space<hbm>>) target(%arg5 : memref<128xi32, #tpu.memory_space<vmem>>) target_semaphore(%run_scoped3A : memref<!tpu.dma_semaphore, #tpu.memory_space<semaphore_mem>>)
          %dma_wait3A_40 = tpu.memref_slice %arg3[%add3A_34] : memref<131072xi32, #tpu.memory_space<hbm>> -> memref<128xi32, #tpu.memory_space<hbm>>
          %dma_wait3A_41 = tpu.memref_slice %arg3[%add3A_34] : memref<131072xi32, #tpu.memory_space<hbm>> -> memref<128xi32, #tpu.memory_space<hbm>>
          tpu.wait_dma2 semaphore(%run_scoped3A : memref<!tpu.dma_semaphore, #tpu.memory_space<semaphore_mem>>) src(%dma_wait3A_41 : memref<128xi32, #tpu.memory_space<hbm>>) dst(%arg5 : memref<128xi32, #tpu.memory_space<vmem>>)
          tpu.yield
        }) : () -> ()
        %dma_start3A_35 = arith.constant 0 : i32
        %dma_start3A_36 = arith.constant 0 : i32
        %dma_start3A_37 = tpu.memref_slice %arg2[%dma_start3A_35, %dma_start3A_36] : memref<8192x256xf32, #tpu.memory_space<hbm>> -> memref<8192x256xf32, #tpu.memory_space<hbm>>
        tpu.enqueue_indirect_dma source(%dma_start3A_37 : memref<8192x256xf32, #tpu.memory_space<hbm>>) target(%arg7 : memref<128x256xf32, #tpu.memory_space<vmem>>) offsets(%arg5 : memref<128xi32, #tpu.memory_space<vmem>>) semaphore(%arg9 : memref<!tpu.dma_semaphore, #tpu.memory_space<semaphore_mem>>)
      } else {
      }
      %dma_wait3A_29 = arith.constant 0 : i32
      %dma_wait3A_30 = arith.constant 0 : i32
      %dma_wait3A_31 = tpu.memref_slice %arg2[%dma_wait3A_29, %dma_wait3A_30] : memref<8192x256xf32, #tpu.memory_space<hbm>> -> memref<8192x256xf32, #tpu.memory_space<hbm>>
      tpu.wait_indirect_dma semaphore(%arg10 : memref<!tpu.dma_semaphore, #tpu.memory_space<semaphore_mem>>) src(%dma_wait3A_31 : memref<8192x256xf32, #tpu.memory_space<hbm>>) dst(%arg8 : memref<128x256xf32, #tpu.memory_space<vmem>>)
      "tpu.region"() ({
        %run_scoped3A = tpu.sem_alloc : memref<!tpu.dma_semaphore, #tpu.memory_space<semaphore_mem>>
        %dma_start3A_33 = arith.constant 0 : i32
        %dma_start3A_34 = tpu.memref_slice %arg4[%add3A_19, %dma_start3A_33] : memref<131072x256xf32, #tpu.memory_space<hbm>> -> memref<128x256xf32, #tpu.memory_space<hbm>>
        %dma_start3A_35 = arith.constant 0 : i32
        %dma_start3A_36 = tpu.memref_slice %arg4[%add3A_19, %dma_start3A_35] : memref<131072x256xf32, #tpu.memory_space<hbm>> -> memref<128x256xf32, #tpu.memory_space<hbm>>
        tpu.enqueue_dma source(%arg8 : memref<128x256xf32, #tpu.memory_space<vmem>>) target(%dma_start3A_36 : memref<128x256xf32, #tpu.memory_space<hbm>>) target_semaphore(%run_scoped3A : memref<!tpu.dma_semaphore, #tpu.memory_space<semaphore_mem>>)
        %dma_wait3A_37 = arith.constant 0 : i32
        %dma_wait3A_38 = tpu.memref_slice %arg4[%add3A_19, %dma_wait3A_37] : memref<131072x256xf32, #tpu.memory_space<hbm>> -> memref<128x256xf32, #tpu.memory_space<hbm>>
        %dma_wait3A_39 = arith.constant 0 : i32
        %dma_wait3A_40 = tpu.memref_slice %arg4[%add3A_19, %dma_wait3A_39] : memref<131072x256xf32, #tpu.memory_space<hbm>> -> memref<128x256xf32, #tpu.memory_space<hbm>>
        tpu.wait_dma2 semaphore(%run_scoped3A : memref<!tpu.dma_semaphore, #tpu.memory_space<semaphore_mem>>) src(%arg8 : memref<128x256xf32, #tpu.memory_space<vmem>>) dst(%dma_wait3A_40 : memref<128x256xf32, #tpu.memory_space<hbm>>)
        tpu.yield
      }) : () -> ()
      %scan3A_32 = arith.constant 0 : i32
      scf.yield %scan3A_32 : i32
    }
    %scan3A_10 = arith.constant 16 : i32
    return
  }
}

module attributes {stable_mosaic.version = 14 : i64} {
  func.func @body(%arg0: i32, %arg1: i32, %arg2: memref<1x1024x3xf32, #tpu.memory_space<vmem>>, %arg3: memref<1x4096x3xf32, #tpu.memory_space<vmem>>, %arg4: memref<1x16x1024xi32, #tpu.memory_space<vmem>>, %arg5: memref<1024x4096xf32, #tpu.memory_space<vmem>>) attributes {dimension_semantics = [#tpu.dimension_semantics<arbitrary>, #tpu.dimension_semantics<arbitrary>], iteration_bounds = array<i64: 2, 4>, scalar_prefetch = 0 : i64, scratch_operands = 1 : i64, tpu.core_type = #tpu.core_type<tc>, window_params = [{transform_indices = @transform_0, window_bounds = array<i64: 1, 1024, 3>}, {transform_indices = @transform_1, window_bounds = array<i64: 1, 4096, 3>}, {transform_indices = @transform_2, window_bounds = array<i64: 1, 16, 1024>}]} {
    %get3A = arith.constant 0 : index
    %get3A_0 = arith.constant 0 : index
    %get3A_1 = arith.constant 0 : index
    %get3A_2 = vector.load %arg2[%get3A, %get3A_0, %get3A_1] : memref<1x1024x3xf32, #tpu.memory_space<vmem>>, vector<1x1024x3xf32>
    %get3A_3 = vector.shape_cast %get3A_2 : vector<1x1024x3xf32> to vector<1024x3xf32>
    %get3A_4 = arith.constant 0 : index
    %get3A_5 = arith.constant 0 : index
    %get3A_6 = arith.constant 0 : index
    %get3A_7 = vector.load %arg3[%get3A_4, %get3A_5, %get3A_6] : memref<1x4096x3xf32, #tpu.memory_space<vmem>>, vector<1x4096x3xf32>
    %get3A_8 = vector.shape_cast %get3A_7 : vector<1x4096x3xf32> to vector<4096x3xf32>
    %mul3A = arith.mulf %get3A_3, %get3A_3 : vector<1024x3xf32>
    %reduce_sum3A = arith.constant dense<0.000000e+00> : vector<1024xf32>
    %reduce_sum3A_9 = vector.multi_reduction <add>, %mul3A, %reduce_sum3A [1] : vector<1024x3xf32> to vector<1024xf32>
    %broadcast_in_dim3A = vector.shape_cast %reduce_sum3A_9 : vector<1024xf32> to vector<1024x1xf32>
    %mul3A_10 = arith.mulf %get3A_8, %get3A_8 : vector<4096x3xf32>
    %reduce_sum3A_11 = arith.constant dense<0.000000e+00> : vector<4096xf32>
    %reduce_sum3A_12 = vector.multi_reduction <add>, %mul3A_10, %reduce_sum3A_11 [1] : vector<4096x3xf32> to vector<4096xf32>
    %broadcast_in_dim3A_13 = vector.shape_cast %reduce_sum3A_12 : vector<4096xf32> to vector<1x4096xf32>
    %dot_general3A = arith.constant dense<0.000000e+00> : vector<1024x4096xf32>
    %dot_general3A_14 = tpu.matmul %get3A_3, %get3A_8, %dot_general3A {dimension_numbers = #tpu.dot_dimension_numbers<[1], [1], [0], [0], [0, 0, 1, 0], [], []>, transpose_lhs_hint = false} : vector<1024x3xf32>, vector<4096x3xf32>, vector<1024x4096xf32> -> vector<1024x4096xf32>
    %add3A = vector.broadcast %broadcast_in_dim3A : vector<1024x1xf32> to vector<1024x4096xf32>
    %add3A_15 = vector.broadcast %broadcast_in_dim3A_13 : vector<1x4096xf32> to vector<1024x4096xf32>
    %add3A_16 = arith.addf %add3A, %add3A_15 : vector<1024x4096xf32>
    %mul3A_17 = arith.constant 2.000000e+00 : f32
    %mul3A_18 = vector.broadcast %mul3A_17 : f32 to vector<1024x4096xf32>
    %mul3A_19 = arith.mulf %mul3A_18, %dot_general3A_14 : vector<1024x4096xf32>
    %sub3A = arith.subf %add3A_16, %mul3A_19 : vector<1024x4096xf32>
    %max3A = arith.constant 9.99999996E-13 : f32
    %max3A_20 = vector.broadcast %max3A : f32 to vector<1024x4096xf32>
    %max3A_21 = arith.maximumf %sub3A, %max3A_20 : vector<1024x4096xf32>
    %sqrt3A = math.sqrt %max3A_21 : vector<1024x4096xf32>
    %swap3A = arith.constant 0 : index
    %swap3A_22 = arith.constant 0 : index
    %swap3A_23 = vector.load %arg5[%swap3A, %swap3A_22] : memref<1024x4096xf32, #tpu.memory_space<vmem>>, vector<1024x4096xf32>
    tpu.vector_store %arg5[%swap3A, %swap3A_22], %sqrt3A {strides = array<i32>} : memref<1024x4096xf32, #tpu.memory_space<vmem>>, vector<1024x4096xf32>,
    %mul3A_24 = arith.constant 4096 : i32
    %mul3A_25 = arith.muli %arg0, %mul3A_24 : i32
    %broadcast_in_dim3A_26 = arith.constant -1 : i32
    %broadcast_in_dim3A_27 = vector.broadcast %broadcast_in_dim3A_26 : i32 to vector<1024x1xi32>
    %scan3A = arith.constant 0 : i32
    %scan3A_28 = arith.constant 16 : i32
    %scan3A_29 = arith.addi %scan3A, %scan3A_28 : i32
    %scan3A_30 = arith.constant 1 : i32
    %scan3A_31 = scf.for %scan3A_33 = %scan3A to %scan3A_29 step %scan3A_30 iter_args(%scan3A_34 = %broadcast_in_dim3A_27) -> (vector<1024x1xi32>)  : i32 {
      %iota3A = tpu.iota {dimensions = array<i32: 1>} : vector<1024x4096xi32>
      %eq3A = vector.broadcast %scan3A_34 : vector<1024x1xi32> to vector<1024x4096xi32>
      %eq3A_35 = arith.cmpi eq, %iota3A, %eq3A : vector<1024x4096xi32>
      %get3A_36 = arith.constant 0 : index
      %get3A_37 = arith.constant 0 : index
      %get3A_38 = vector.load %arg5[%get3A_36, %get3A_37] : memref<1024x4096xf32, #tpu.memory_space<vmem>>, vector<1024x4096xf32>
      %jit3A = arith.constant 0x7F800000 : f32
      %broadcast_in_dim3A_39 = vector.broadcast %jit3A : f32 to vector<1024x4096xf32>
      %select_n3A = arith.select %eq3A_35, %broadcast_in_dim3A_39, %get3A_38 : vector<1024x4096xi1>, vector<1024x4096xf32>
      %swap3A_40 = arith.constant 0 : index
      %swap3A_41 = arith.constant 0 : index
      %swap3A_42 = vector.load %arg5[%swap3A_40, %swap3A_41] : memref<1024x4096xf32, #tpu.memory_space<vmem>>, vector<1024x4096xf32>
      tpu.vector_store %arg5[%swap3A_40, %swap3A_41], %select_n3A {strides = array<i32>} : memref<1024x4096xf32, #tpu.memory_space<vmem>>, vector<1024x4096xf32>,
      %reduce_min3A = arith.constant dense<0x7F800000> : vector<1024xf32>
      %reduce_min3A_43 = vector.multi_reduction <minimumf>, %select_n3A, %reduce_min3A [1] : vector<1024x4096xf32> to vector<1024xf32>
      %broadcast_in_dim3A_44 = vector.shape_cast %reduce_min3A_43 : vector<1024xf32> to vector<1024x1xf32>
      %eq3A_45 = vector.broadcast %broadcast_in_dim3A_44 : vector<1024x1xf32> to vector<1024x4096xf32>
      %eq3A_46 = arith.cmpf oeq, %select_n3A, %eq3A_45 : vector<1024x4096xf32>
      %jit3A_47 = arith.constant 4096 : i32
      %broadcast_in_dim3A_48 = vector.broadcast %jit3A_47 : i32 to vector<1024x4096xi32>
      %select_n3A_49 = arith.select %eq3A_46, %iota3A, %broadcast_in_dim3A_48 : vector<1024x4096xi1>, vector<1024x4096xi32>
      %reduce_min3A_50 = arith.constant dense<2147483647> : vector<1024xi32>
      %reduce_min3A_51 = vector.multi_reduction <minsi>, %select_n3A_49, %reduce_min3A_50 [1] : vector<1024x4096xi32> to vector<1024xi32>
      %broadcast_in_dim3A_52 = vector.shape_cast %reduce_min3A_51 : vector<1024xi32> to vector<1024x1xi32>
      %jit3A_53 = arith.constant 1 : i32
      %eq3A_54 = arith.constant 0 : i32
      %eq3A_55 = arith.cmpi eq, %jit3A_53, %eq3A_54 : i32
      %jit3A_56 = arith.constant 1 : i32
      %select_n3A_57 = arith.select %eq3A_55, %jit3A_56, %jit3A_53 : i32
      %rem3A = arith.remsi %scan3A_33, %select_n3A_57 : i32
      %ne3A = arith.constant 0 : i32
      %ne3A_58 = arith.cmpi ne, %rem3A, %ne3A : i32
      %lt3A = arith.constant 0 : i32
      %lt3A_59 = arith.cmpi slt, %rem3A, %lt3A : i32
      %lt3A_60 = arith.constant 0 : i32
      %lt3A_61 = arith.cmpi slt, %select_n3A_57, %lt3A_60 : i32
      %ne3A_62 = arith.xori %lt3A_59, %lt3A_61 : i1
      %and3A = arith.andi %ne3A_62, %ne3A_58 : i1
      %add3A_63 = arith.addi %rem3A, %select_n3A_57 : i32
      %select_n3A_64 = arith.select %and3A, %add3A_63, %rem3A : i32
      %eq3A_65 = arith.constant 0 : i32
      %eq3A_66 = arith.cmpi eq, %select_n3A_64, %eq3A_65 : i32
      %convert_element_type3A = arith.extui %eq3A_66 : i1 to i32
      %cond3A = arith.constant 0 : i32
      %cond3A_67 = arith.cmpi ne, %convert_element_type3A, %cond3A : i32
      scf.if %cond3A_67 {
        %jit3A_68 = arith.constant 1 : i32
        %div3A = arith.divsi %scan3A_33, %jit3A_68 : i32
        %sign3A = arith.constant 0 : i32
        %sign3A_69 = arith.cmpi sgt, %scan3A_33, %sign3A : i32
        %sign3A_70 = arith.extui %sign3A_69 : i1 to i32
        %sign3A_71 = arith.constant 0 : i32
        %sign3A_72 = arith.cmpi slt, %scan3A_33, %sign3A_71 : i32
        %sign3A_73 = arith.extui %sign3A_72 : i1 to i32
        %sign3A_74 = arith.subi %sign3A_70, %sign3A_73 : i32
        %sign3A_75 = arith.constant 0 : i32
        %sign3A_76 = arith.cmpi sgt, %jit3A_68, %sign3A_75 : i32
        %sign3A_77 = arith.extui %sign3A_76 : i1 to i32
        %sign3A_78 = arith.constant 0 : i32
        %sign3A_79 = arith.cmpi slt, %jit3A_68, %sign3A_78 : i32
        %sign3A_80 = arith.extui %sign3A_79 : i1 to i32
        %sign3A_81 = arith.subi %sign3A_77, %sign3A_80 : i32
        %ne3A_82 = arith.cmpi ne, %sign3A_74, %sign3A_81 : i32
        %rem3A_83 = arith.remsi %scan3A_33, %jit3A_68 : i32
        %ne3A_84 = arith.constant 0 : i32
        %ne3A_85 = arith.cmpi ne, %rem3A_83, %ne3A_84 : i32
        %and3A_86 = arith.andi %ne3A_82, %ne3A_85 : i1
        %sub3A_87 = arith.constant 1 : i32
        %sub3A_88 = arith.subi %div3A, %sub3A_87 : i32
        %select_n3A_89 = arith.select %and3A_86, %sub3A_88, %div3A : i32
        %squeeze3A = vector.shape_cast %broadcast_in_dim3A_52 : vector<1024x1xi32> to vector<1024xi32>
        %mul3A_90 = arith.constant 1 : i32
        %mul3A_91 = vector.broadcast %mul3A_90 : i32 to vector<1024xi32>
        %mul3A_92 = arith.muli %squeeze3A, %mul3A_91 : vector<1024xi32>
        %add3A_93 = vector.broadcast %mul3A_25 : i32 to vector<1024xi32>
        %add3A_94 = arith.addi %add3A_93, %mul3A_92 : vector<1024xi32>
        %broadcast_in_dim3A_95 = vector.shape_cast %add3A_94 : vector<1024xi32> to vector<1x1024xi32>
        %swap3A_96 = arith.constant 0 : index
        %swap3A_97 = arith.index_cast %select_n3A_89 : i32 to index
        %swap3A_98 = arith.constant 0 : index
        %swap3A_99 = vector.load %arg4[%swap3A_96, %swap3A_97, %swap3A_98] : memref<1x16x1024xi32, #tpu.memory_space<vmem>>, vector<1x1x1024xi32>
        %swap3A_100 = vector.shape_cast %swap3A_99 : vector<1x1x1024xi32> to vector<1x1024xi32>
        %swap3A_101 = vector.shape_cast %broadcast_in_dim3A_95 : vector<1x1024xi32> to vector<1x1x1024xi32>
        tpu.vector_store %arg4[%swap3A_96, %swap3A_97, %swap3A_98], %swap3A_101 {strides = array<i32>} : memref<1x16x1024xi32, #tpu.memory_space<vmem>>, vector<1x1x1024xi32>,
      } else {
      }
      scf.yield %broadcast_in_dim3A_52 : vector<1024x1xi32>
    }
    %scan3A_32 = arith.constant 16 : i32
    return
  }
  func.func @transform_0(%arg0: i32, %arg1: i32) -> (i32, i32, i32) {
    %c0_i32 = arith.constant 0 : i32
    %c0_i32_0 = arith.constant 0 : i32
    return %arg0, %arg1, %c0_i32 : i32, i32, i32
  }
  func.func @transform_1(%arg0: i32, %arg1: i32) -> (i32, i32, i32) {
    %c0_i32 = arith.constant 0 : i32
    %c0_i32_0 = arith.constant 0 : i32
    %c0_i32_1 = arith.constant 0 : i32
    return %arg0, %c0_i32, %c0_i32_0 : i32, i32, i32
  }
  func.func @transform_2(%arg0: i32, %arg1: i32) -> (i32, i32, i32) {
    %c0_i32 = arith.constant 0 : i32
    %c0_i32_0 = arith.constant 0 : i32
    return %arg0, %c0_i32, %arg1 : i32, i32, i32
  }
}

module attributes {stable_mosaic.version = 14 : i64} {
  func.func @body(%arg0: i32, %arg1: i32, %arg2: memref<1x256x24xf32, #tpu.memory_space<vmem>>, %arg3: memref<24x64xf32, #tpu.memory_space<vmem>>, %arg4: memref<1x64xf32, #tpu.memory_space<vmem>>, %arg5: memref<64x128xf32, #tpu.memory_space<vmem>>, %arg6: memref<1x128xf32, #tpu.memory_space<vmem>>, %arg7: memref<128x1024xf32, #tpu.memory_space<vmem>>, %arg8: memref<1x1024xf32, #tpu.memory_space<vmem>>, %arg9: memref<1x1x1024xf32, #tpu.memory_space<vmem>>) attributes {dimension_semantics = [#tpu.dimension_semantics<arbitrary>, #tpu.dimension_semantics<arbitrary>], iteration_bounds = array<i64: 2, 16>, scalar_prefetch = 0 : i64, scratch_operands = 0 : i64, tpu.core_type = #tpu.core_type<tc>, window_params = [{transform_indices = @transform_0, window_bounds = array<i64: 1, 256, 24>}, {pipeline_mode = #tpu.pipeline_mode<synchronous>, transform_indices = @transform_1, window_bounds = array<i64: 24, 64>}, {pipeline_mode = #tpu.pipeline_mode<synchronous>, transform_indices = @transform_2, window_bounds = array<i64: 1, 64>}, {pipeline_mode = #tpu.pipeline_mode<synchronous>, transform_indices = @transform_3, window_bounds = array<i64: 64, 128>}, {pipeline_mode = #tpu.pipeline_mode<synchronous>, transform_indices = @transform_4, window_bounds = array<i64: 1, 128>}, {pipeline_mode = #tpu.pipeline_mode<synchronous>, transform_indices = @transform_5, window_bounds = array<i64: 128, 1024>}, {pipeline_mode = #tpu.pipeline_mode<synchronous>, transform_indices = @transform_6, window_bounds = array<i64: 1, 1024>}, {transform_indices = @transform_7, window_bounds = array<i64: 1, 1, 1024>}]} {
    %get3A = arith.constant 0 : index
    %get3A_0 = arith.constant 0 : index
    %get3A_1 = arith.constant 0 : index
    %get3A_2 = vector.load %arg2[%get3A, %get3A_0, %get3A_1] : memref<1x256x24xf32, #tpu.memory_space<vmem>>, vector<1x256x24xf32>
    %get3A_3 = vector.shape_cast %get3A_2 : vector<1x256x24xf32> to vector<256x24xf32>
    %get3A_4 = arith.constant 0 : index
    %get3A_5 = arith.constant 0 : index
    %get3A_6 = vector.load %arg3[%get3A_4, %get3A_5] : memref<24x64xf32, #tpu.memory_space<vmem>>, vector<24x64xf32>
    %dot_general3A = arith.constant dense<0.000000e+00> : vector<256x64xf32>
    %dot_general3A_7 = tpu.matmul %get3A_3, %get3A_6, %dot_general3A {dimension_numbers = #tpu.dot_dimension_numbers<[1], [0], [0], [1], [0, 0, 1, 1], [], []>, transpose_lhs_hint = false} : vector<256x24xf32>, vector<24x64xf32>, vector<256x64xf32> -> vector<256x64xf32>
    %get3A_8 = arith.constant 0 : index
    %get3A_9 = arith.constant 0 : index
    %get3A_10 = vector.load %arg4[%get3A_8, %get3A_9] : memref<1x64xf32, #tpu.memory_space<vmem>>, vector<1x64xf32>
    %add3A = vector.broadcast %get3A_10 : vector<1x64xf32> to vector<256x64xf32>
    %add3A_11 = arith.addf %dot_general3A_7, %add3A : vector<256x64xf32>
    %max3A = arith.constant 0.000000e+00 : f32
    %max3A_12 = vector.broadcast %max3A : f32 to vector<256x64xf32>
    %max3A_13 = arith.maximumf %add3A_11, %max3A_12 : vector<256x64xf32>
    %get3A_14 = arith.constant 0 : index
    %get3A_15 = arith.constant 0 : index
    %get3A_16 = vector.load %arg5[%get3A_14, %get3A_15] : memref<64x128xf32, #tpu.memory_space<vmem>>, vector<64x128xf32>
    %dot_general3A_17 = arith.constant dense<0.000000e+00> : vector<256x128xf32>
    %dot_general3A_18 = tpu.matmul %max3A_13, %get3A_16, %dot_general3A_17 {dimension_numbers = #tpu.dot_dimension_numbers<[1], [0], [0], [1], [0, 0, 1, 1], [], []>, transpose_lhs_hint = false} : vector<256x64xf32>, vector<64x128xf32>, vector<256x128xf32> -> vector<256x128xf32>
    %get3A_19 = arith.constant 0 : index
    %get3A_20 = arith.constant 0 : index
    %get3A_21 = vector.load %arg6[%get3A_19, %get3A_20] : memref<1x128xf32, #tpu.memory_space<vmem>>, vector<1x128xf32>
    %add3A_22 = vector.broadcast %get3A_21 : vector<1x128xf32> to vector<256x128xf32>
    %add3A_23 = arith.addf %dot_general3A_18, %add3A_22 : vector<256x128xf32>
    %max3A_24 = arith.constant 0.000000e+00 : f32
    %max3A_25 = vector.broadcast %max3A_24 : f32 to vector<256x128xf32>
    %max3A_26 = arith.maximumf %add3A_23, %max3A_25 : vector<256x128xf32>
    %get3A_27 = arith.constant 0 : index
    %get3A_28 = arith.constant 0 : index
    %get3A_29 = vector.load %arg7[%get3A_27, %get3A_28] : memref<128x1024xf32, #tpu.memory_space<vmem>>, vector<128x1024xf32>
    %dot_general3A_30 = arith.constant dense<0.000000e+00> : vector<256x1024xf32>
    %dot_general3A_31 = tpu.matmul %max3A_26, %get3A_29, %dot_general3A_30 {dimension_numbers = #tpu.dot_dimension_numbers<[1], [0], [0], [1], [0, 0, 1, 1], [], []>, transpose_lhs_hint = false} : vector<256x128xf32>, vector<128x1024xf32>, vector<256x1024xf32> -> vector<256x1024xf32>
    %get3A_32 = arith.constant 0 : index
    %get3A_33 = arith.constant 0 : index
    %get3A_34 = vector.load %arg8[%get3A_32, %get3A_33] : memref<1x1024xf32, #tpu.memory_space<vmem>>, vector<1x1024xf32>
    %add3A_35 = vector.broadcast %get3A_34 : vector<1x1024xf32> to vector<256x1024xf32>
    %add3A_36 = arith.addf %dot_general3A_31, %add3A_35 : vector<256x1024xf32>
    %max3A_37 = arith.constant 0.000000e+00 : f32
    %max3A_38 = vector.broadcast %max3A_37 : f32 to vector<256x1024xf32>
    %max3A_39 = arith.maximumf %add3A_36, %max3A_38 : vector<256x1024xf32>
    %reduce_max3A = arith.constant dense<0xFF800000> : vector<1024xf32>
    %reduce_max3A_40 = vector.multi_reduction <maximumf>, %max3A_39, %reduce_max3A [0] : vector<256x1024xf32> to vector<1024xf32>
    %broadcast_in_dim3A = vector.shape_cast %reduce_max3A_40 : vector<1024xf32> to vector<1x1024xf32>
    %broadcast_in_dim3A_41 = vector.shape_cast %broadcast_in_dim3A : vector<1x1024xf32> to vector<1x1x1024xf32>
    %eq3A = arith.constant 0 : i32
    %eq3A_42 = arith.cmpi eq, %arg1, %eq3A : i32
    %convert_element_type3A = arith.extui %eq3A_42 : i1 to i32
    %cond3A = arith.constant 0 : i32
    %cond3A_43 = arith.cmpi ne, %convert_element_type3A, %cond3A : i32
    scf.if %cond3A_43 {
      %swap3A = arith.constant 0 : index
      %swap3A_48 = arith.constant 0 : index
      %swap3A_49 = arith.constant 0 : index
      %swap3A_50 = vector.load %arg9[%swap3A, %swap3A_48, %swap3A_49] : memref<1x1x1024xf32, #tpu.memory_space<vmem>>, vector<1x1x1024xf32>
      tpu.vector_store %arg9[%swap3A, %swap3A_48, %swap3A_49], %broadcast_in_dim3A_41 {strides = array<i32>} : memref<1x1x1024xf32, #tpu.memory_space<vmem>>, vector<1x1x1024xf32>,
    } else {
    }
    %gt3A = arith.constant 0 : i32
    %gt3A_44 = arith.cmpi sgt, %arg1, %gt3A : i32
    %convert_element_type3A_45 = arith.extui %gt3A_44 : i1 to i32
    %cond3A_46 = arith.constant 0 : i32
    %cond3A_47 = arith.cmpi ne, %convert_element_type3A_45, %cond3A_46 : i32
    scf.if %cond3A_47 {
      %get3A_48 = arith.constant 0 : index
      %get3A_49 = arith.constant 0 : index
      %get3A_50 = arith.constant 0 : index
      %get3A_51 = vector.load %arg9[%get3A_48, %get3A_49, %get3A_50] : memref<1x1x1024xf32, #tpu.memory_space<vmem>>, vector<1x1x1024xf32>
      %max3A_52 = arith.maximumf %get3A_51, %broadcast_in_dim3A_41 : vector<1x1x1024xf32>
      %swap3A = arith.constant 0 : index
      %swap3A_53 = arith.constant 0 : index
      %swap3A_54 = arith.constant 0 : index
      %swap3A_55 = vector.load %arg9[%swap3A, %swap3A_53, %swap3A_54] : memref<1x1x1024xf32, #tpu.memory_space<vmem>>, vector<1x1x1024xf32>
      tpu.vector_store %arg9[%swap3A, %swap3A_53, %swap3A_54], %max3A_52 {strides = array<i32>} : memref<1x1x1024xf32, #tpu.memory_space<vmem>>, vector<1x1x1024xf32>,
    } else {
    }
    return
  }
  func.func @transform_0(%arg0: i32, %arg1: i32) -> (i32, i32, i32) {
    %c0_i32 = arith.constant 0 : i32
    %c0_i32_0 = arith.constant 0 : i32
    return %arg0, %arg1, %c0_i32 : i32, i32, i32
  }
  func.func @transform_1(%arg0: i32, %arg1: i32) -> (i32, i32) {
    %c0_i32 = arith.constant 0 : i32
    %c0_i32_0 = arith.constant 0 : i32
    %c0_i32_1 = arith.constant 0 : i32
    return %c0_i32, %c0_i32_0 : i32, i32
  }
  func.func @transform_2(%arg0: i32, %arg1: i32) -> (i32, i32) {
    %c0_i32 = arith.constant 0 : i32
    %c0_i32_0 = arith.constant 0 : i32
    %c0_i32_1 = arith.constant 0 : i32
    return %c0_i32, %c0_i32_0 : i32, i32
  }
  func.func @transform_3(%arg0: i32, %arg1: i32) -> (i32, i32) {
    %c0_i32 = arith.constant 0 : i32
    %c0_i32_0 = arith.constant 0 : i32
    %c0_i32_1 = arith.constant 0 : i32
    return %c0_i32, %c0_i32_0 : i32, i32
  }
  func.func @transform_4(%arg0: i32, %arg1: i32) -> (i32, i32) {
    %c0_i32 = arith.constant 0 : i32
    %c0_i32_0 = arith.constant 0 : i32
    %c0_i32_1 = arith.constant 0 : i32
    return %c0_i32, %c0_i32_0 : i32, i32
  }
  func.func @transform_5(%arg0: i32, %arg1: i32) -> (i32, i32) {
    %c0_i32 = arith.constant 0 : i32
    %c0_i32_0 = arith.constant 0 : i32
    %c0_i32_1 = arith.constant 0 : i32
    return %c0_i32, %c0_i32_0 : i32, i32
  }
  func.func @transform_6(%arg0: i32, %arg1: i32) -> (i32, i32) {
    %c0_i32 = arith.constant 0 : i32
    %c0_i32_0 = arith.constant 0 : i32
    %c0_i32_1 = arith.constant 0 : i32
    return %c0_i32, %c0_i32_0 : i32, i32
  }
  func.func @transform_7(%arg0: i32, %arg1: i32) -> (i32, i32, i32) {
    %c0_i32 = arith.constant 0 : i32
    %c0_i32_0 = arith.constant 0 : i32
    %c0_i32_1 = arith.constant 0 : i32
    return %arg0, %c0_i32, %c0_i32_0 : i32, i32, i32
  }
}

module attributes {stable_mosaic.version = 14 : i64} {
  func.func @body(%arg0: memref<2x1024xf32, #tpu.memory_space<vmem>>, %arg1: memref<1024x512xf32, #tpu.memory_space<vmem>>, %arg2: memref<1x512xf32, #tpu.memory_space<vmem>>, %arg3: memref<512x256xf32, #tpu.memory_space<vmem>>, %arg4: memref<1x256xf32, #tpu.memory_space<vmem>>, %arg5: memref<256x576xf32, #tpu.memory_space<vmem>>, %arg6: memref<1x576xf32, #tpu.memory_space<vmem>>, %arg7: memref<2x576xf32, #tpu.memory_space<vmem>>) attributes {dimension_semantics = [], scalar_prefetch = 0 : i64, scratch_operands = 0 : i64, tpu.core_type = #tpu.core_type<tc>} {
    %get3A = arith.constant 0 : index
    %get3A_0 = arith.constant 0 : index
    %get3A_1 = vector.load %arg0[%get3A, %get3A_0] : memref<2x1024xf32, #tpu.memory_space<vmem>>, vector<2x1024xf32>
    %get3A_2 = arith.constant 0 : index
    %get3A_3 = arith.constant 0 : index
    %get3A_4 = vector.load %arg1[%get3A_2, %get3A_3] : memref<1024x512xf32, #tpu.memory_space<vmem>>, vector<1024x512xf32>
    %dot_general3A = arith.constant dense<0.000000e+00> : vector<2x512xf32>
    %dot_general3A_5 = tpu.matmul %get3A_1, %get3A_4, %dot_general3A {dimension_numbers = #tpu.dot_dimension_numbers<[1], [0], [0], [1], [0, 0, 1, 1], [], []>, transpose_lhs_hint = false} : vector<2x1024xf32>, vector<1024x512xf32>, vector<2x512xf32> -> vector<2x512xf32>
    %get3A_6 = arith.constant 0 : index
    %get3A_7 = arith.constant 0 : index
    %get3A_8 = vector.load %arg2[%get3A_6, %get3A_7] : memref<1x512xf32, #tpu.memory_space<vmem>>, vector<1x512xf32>
    %add3A = vector.broadcast %get3A_8 : vector<1x512xf32> to vector<2x512xf32>
    %add3A_9 = arith.addf %dot_general3A_5, %add3A : vector<2x512xf32>
    %max3A = arith.constant 0.000000e+00 : f32
    %max3A_10 = vector.broadcast %max3A : f32 to vector<2x512xf32>
    %max3A_11 = arith.maximumf %add3A_9, %max3A_10 : vector<2x512xf32>
    %get3A_12 = arith.constant 0 : index
    %get3A_13 = arith.constant 0 : index
    %get3A_14 = vector.load %arg3[%get3A_12, %get3A_13] : memref<512x256xf32, #tpu.memory_space<vmem>>, vector<512x256xf32>
    %dot_general3A_15 = arith.constant dense<0.000000e+00> : vector<2x256xf32>
    %dot_general3A_16 = tpu.matmul %max3A_11, %get3A_14, %dot_general3A_15 {dimension_numbers = #tpu.dot_dimension_numbers<[1], [0], [0], [1], [0, 0, 1, 1], [], []>, transpose_lhs_hint = false} : vector<2x512xf32>, vector<512x256xf32>, vector<2x256xf32> -> vector<2x256xf32>
    %get3A_17 = arith.constant 0 : index
    %get3A_18 = arith.constant 0 : index
    %get3A_19 = vector.load %arg4[%get3A_17, %get3A_18] : memref<1x256xf32, #tpu.memory_space<vmem>>, vector<1x256xf32>
    %add3A_20 = vector.broadcast %get3A_19 : vector<1x256xf32> to vector<2x256xf32>
    %add3A_21 = arith.addf %dot_general3A_16, %add3A_20 : vector<2x256xf32>
    %max3A_22 = arith.constant 0.000000e+00 : f32
    %max3A_23 = vector.broadcast %max3A_22 : f32 to vector<2x256xf32>
    %max3A_24 = arith.maximumf %add3A_21, %max3A_23 : vector<2x256xf32>
    %get3A_25 = arith.constant 0 : index
    %get3A_26 = arith.constant 0 : index
    %get3A_27 = vector.load %arg5[%get3A_25, %get3A_26] : memref<256x576xf32, #tpu.memory_space<vmem>>, vector<256x576xf32>
    %dot_general3A_28 = arith.constant dense<0.000000e+00> : vector<2x576xf32>
    %dot_general3A_29 = tpu.matmul %max3A_24, %get3A_27, %dot_general3A_28 {dimension_numbers = #tpu.dot_dimension_numbers<[1], [0], [0], [1], [0, 0, 1, 1], [], []>, transpose_lhs_hint = false} : vector<2x256xf32>, vector<256x576xf32>, vector<2x576xf32> -> vector<2x576xf32>
    %get3A_30 = arith.constant 0 : index
    %get3A_31 = arith.constant 0 : index
    %get3A_32 = vector.load %arg6[%get3A_30, %get3A_31] : memref<1x576xf32, #tpu.memory_space<vmem>>, vector<1x576xf32>
    %add3A_33 = vector.broadcast %get3A_32 : vector<1x576xf32> to vector<2x576xf32>
    %add3A_34 = arith.addf %dot_general3A_29, %add3A_33 : vector<2x576xf32>
    %swap3A = arith.constant 0 : index
    %swap3A_35 = arith.constant 0 : index
    %swap3A_36 = vector.load %arg7[%swap3A, %swap3A_35] : memref<2x576xf32, #tpu.memory_space<vmem>>, vector<2x576xf32>
    tpu.vector_store %arg7[%swap3A, %swap3A_35], %add3A_34 {strides = array<i32>} : memref<2x576xf32, #tpu.memory_space<vmem>>, vector<2x576xf32>,
    return
  }
}

module attributes {stable_mosaic.version = 14 : i64} {
  func.func @body(%arg0: i32, %arg1: i32, %arg2: memref<1x256x24xf32, #tpu.memory_space<vmem>>, %arg3: memref<1x24x24xf32, #tpu.memory_space<vmem>>, %arg4: memref<1x256x128xf32, #tpu.memory_space<vmem>>) attributes {dimension_semantics = [#tpu.dimension_semantics<arbitrary>, #tpu.dimension_semantics<arbitrary>], iteration_bounds = array<i64: 2, 16>, scalar_prefetch = 0 : i64, scratch_operands = 0 : i64, tpu.core_type = #tpu.core_type<tc>, window_params = [{transform_indices = @transform_0, window_bounds = array<i64: 1, 256, 24>}, {transform_indices = @transform_1, window_bounds = array<i64: 1, 24, 24>}, {transform_indices = @transform_2, window_bounds = array<i64: 1, 256, 128>}]} {
    %get3A = arith.constant 0 : index
    %get3A_0 = arith.constant 0 : index
    %get3A_1 = arith.constant 0 : index
    %get3A_2 = vector.load %arg2[%get3A, %get3A_0, %get3A_1] : memref<1x256x24xf32, #tpu.memory_space<vmem>>, vector<1x256x24xf32>
    %get3A_3 = vector.shape_cast %get3A_2 : vector<1x256x24xf32> to vector<256x24xf32>
    %get3A_4 = arith.constant 0 : index
    %get3A_5 = arith.constant 0 : index
    %get3A_6 = arith.constant 0 : index
    %get3A_7 = vector.load %arg3[%get3A_4, %get3A_5, %get3A_6] : memref<1x24x24xf32, #tpu.memory_space<vmem>>, vector<1x24x24xf32>
    %get3A_8 = vector.shape_cast %get3A_7 : vector<1x24x24xf32> to vector<24x24xf32>
    %dot_general3A = arith.constant dense<0.000000e+00> : vector<256x24xf32>
    %dot_general3A_9 = tpu.matmul %get3A_3, %get3A_8, %dot_general3A {dimension_numbers = #tpu.dot_dimension_numbers<[1], [0], [0], [1], [0, 0, 1, 1], [], []>, transpose_lhs_hint = false} : vector<256x24xf32>, vector<24x24xf32>, vector<256x24xf32> -> vector<256x24xf32>
    %broadcast_in_dim3A = arith.constant 0.000000e+00 : f32
    %broadcast_in_dim3A_10 = vector.broadcast %broadcast_in_dim3A : f32 to vector<256x104xf32>
    %concatenate3A = tpu.concatenate %dot_general3A_9, %broadcast_in_dim3A_10 in 1 : vector<256x24xf32>, vector<256x104xf32> -> vector<256x128xf32>
    %swap3A = arith.constant 0 : index
    %swap3A_11 = arith.constant 0 : index
    %swap3A_12 = arith.constant 0 : index
    %swap3A_13 = vector.load %arg4[%swap3A, %swap3A_11, %swap3A_12] : memref<1x256x128xf32, #tpu.memory_space<vmem>>, vector<1x256x128xf32>
    %swap3A_14 = vector.shape_cast %swap3A_13 : vector<1x256x128xf32> to vector<256x128xf32>
    %swap3A_15 = vector.shape_cast %concatenate3A : vector<256x128xf32> to vector<1x256x128xf32>
    tpu.vector_store %arg4[%swap3A, %swap3A_11, %swap3A_12], %swap3A_15 {strides = array<i32>} : memref<1x256x128xf32, #tpu.memory_space<vmem>>, vector<1x256x128xf32>,
    return
  }
  func.func @transform_0(%arg0: i32, %arg1: i32) -> (i32, i32, i32) {
    %c0_i32 = arith.constant 0 : i32
    %c0_i32_0 = arith.constant 0 : i32
    return %arg0, %arg1, %c0_i32 : i32, i32, i32
  }
  func.func @transform_1(%arg0: i32, %arg1: i32) -> (i32, i32, i32) {
    %c0_i32 = arith.constant 0 : i32
    %c0_i32_0 = arith.constant 0 : i32
    %c0_i32_1 = arith.constant 0 : i32
    return %arg0, %c0_i32, %c0_i32_0 : i32, i32, i32
  }
  func.func @transform_2(%arg0: i32, %arg1: i32) -> (i32, i32, i32) {
    %c0_i32 = arith.constant 0 : i32
    %c0_i32_0 = arith.constant 0 : i32
    return %arg0, %arg1, %c0_i32 : i32, i32, i32
  }
}

module attributes {stable_mosaic.version = 14 : i64} {
  func.func @body(%arg0: i32, %arg1: i32, %arg2: memref<1x4096x3xf32, #tpu.memory_space<vmem>>, %arg3: memref<1x1024x3xf32, #tpu.memory_space<vmem>>, %arg4: memref<1x16x4096xi32, #tpu.memory_space<vmem>>, %arg5: memref<4096x1024xf32, #tpu.memory_space<vmem>>) attributes {dimension_semantics = [#tpu.dimension_semantics<arbitrary>, #tpu.dimension_semantics<arbitrary>], iteration_bounds = array<i64: 2, 1>, scalar_prefetch = 0 : i64, scratch_operands = 1 : i64, tpu.core_type = #tpu.core_type<tc>, window_params = [{transform_indices = @transform_0, window_bounds = array<i64: 1, 4096, 3>}, {transform_indices = @transform_1, window_bounds = array<i64: 1, 1024, 3>}, {transform_indices = @transform_2, window_bounds = array<i64: 1, 16, 4096>}]} {
    %get3A = arith.constant 0 : index
    %get3A_0 = arith.constant 0 : index
    %get3A_1 = arith.constant 0 : index
    %get3A_2 = vector.load %arg2[%get3A, %get3A_0, %get3A_1] : memref<1x4096x3xf32, #tpu.memory_space<vmem>>, vector<1x4096x3xf32>
    %get3A_3 = vector.shape_cast %get3A_2 : vector<1x4096x3xf32> to vector<4096x3xf32>
    %get3A_4 = arith.constant 0 : index
    %get3A_5 = arith.constant 0 : index
    %get3A_6 = arith.constant 0 : index
    %get3A_7 = vector.load %arg3[%get3A_4, %get3A_5, %get3A_6] : memref<1x1024x3xf32, #tpu.memory_space<vmem>>, vector<1x1024x3xf32>
    %get3A_8 = vector.shape_cast %get3A_7 : vector<1x1024x3xf32> to vector<1024x3xf32>
    %mul3A = arith.mulf %get3A_3, %get3A_3 : vector<4096x3xf32>
    %reduce_sum3A = arith.constant dense<0.000000e+00> : vector<4096xf32>
    %reduce_sum3A_9 = vector.multi_reduction <add>, %mul3A, %reduce_sum3A [1] : vector<4096x3xf32> to vector<4096xf32>
    %broadcast_in_dim3A = vector.shape_cast %reduce_sum3A_9 : vector<4096xf32> to vector<4096x1xf32>
    %mul3A_10 = arith.mulf %get3A_8, %get3A_8 : vector<1024x3xf32>
    %reduce_sum3A_11 = arith.constant dense<0.000000e+00> : vector<1024xf32>
    %reduce_sum3A_12 = vector.multi_reduction <add>, %mul3A_10, %reduce_sum3A_11 [1] : vector<1024x3xf32> to vector<1024xf32>
    %broadcast_in_dim3A_13 = vector.shape_cast %reduce_sum3A_12 : vector<1024xf32> to vector<1x1024xf32>
    %dot_general3A = arith.constant dense<0.000000e+00> : vector<4096x1024xf32>
    %dot_general3A_14 = tpu.matmul %get3A_3, %get3A_8, %dot_general3A {dimension_numbers = #tpu.dot_dimension_numbers<[1], [1], [0], [0], [0, 0, 1, 0], [], []>, transpose_lhs_hint = false} : vector<4096x3xf32>, vector<1024x3xf32>, vector<4096x1024xf32> -> vector<4096x1024xf32>
    %add3A = vector.broadcast %broadcast_in_dim3A : vector<4096x1xf32> to vector<4096x1024xf32>
    %add3A_15 = vector.broadcast %broadcast_in_dim3A_13 : vector<1x1024xf32> to vector<4096x1024xf32>
    %add3A_16 = arith.addf %add3A, %add3A_15 : vector<4096x1024xf32>
    %mul3A_17 = arith.constant 2.000000e+00 : f32
    %mul3A_18 = vector.broadcast %mul3A_17 : f32 to vector<4096x1024xf32>
    %mul3A_19 = arith.mulf %mul3A_18, %dot_general3A_14 : vector<4096x1024xf32>
    %sub3A = arith.subf %add3A_16, %mul3A_19 : vector<4096x1024xf32>
    %max3A = arith.constant 9.99999996E-13 : f32
    %max3A_20 = vector.broadcast %max3A : f32 to vector<4096x1024xf32>
    %max3A_21 = arith.maximumf %sub3A, %max3A_20 : vector<4096x1024xf32>
    %sqrt3A = math.sqrt %max3A_21 : vector<4096x1024xf32>
    %swap3A = arith.constant 0 : index
    %swap3A_22 = arith.constant 0 : index
    %swap3A_23 = vector.load %arg5[%swap3A, %swap3A_22] : memref<4096x1024xf32, #tpu.memory_space<vmem>>, vector<4096x1024xf32>
    tpu.vector_store %arg5[%swap3A, %swap3A_22], %sqrt3A {strides = array<i32>} : memref<4096x1024xf32, #tpu.memory_space<vmem>>, vector<4096x1024xf32>,
    %mul3A_24 = arith.constant 4096 : i32
    %mul3A_25 = arith.muli %arg0, %mul3A_24 : i32
    %broadcast_in_dim3A_26 = arith.constant -1 : i32
    %broadcast_in_dim3A_27 = vector.broadcast %broadcast_in_dim3A_26 : i32 to vector<4096x1xi32>
    %scan3A = arith.constant 0 : i32
    %scan3A_28 = arith.constant 121 : i32
    %scan3A_29 = arith.addi %scan3A, %scan3A_28 : i32
    %scan3A_30 = arith.constant 1 : i32
    %scan3A_31 = scf.for %scan3A_33 = %scan3A to %scan3A_29 step %scan3A_30 iter_args(%scan3A_34 = %broadcast_in_dim3A_27) -> (vector<4096x1xi32>)  : i32 {
      %iota3A = tpu.iota {dimensions = array<i32: 1>} : vector<4096x1024xi32>
      %eq3A = vector.broadcast %scan3A_34 : vector<4096x1xi32> to vector<4096x1024xi32>
      %eq3A_35 = arith.cmpi eq, %iota3A, %eq3A : vector<4096x1024xi32>
      %get3A_36 = arith.constant 0 : index
      %get3A_37 = arith.constant 0 : index
      %get3A_38 = vector.load %arg5[%get3A_36, %get3A_37] : memref<4096x1024xf32, #tpu.memory_space<vmem>>, vector<4096x1024xf32>
      %jit3A = arith.constant 0x7F800000 : f32
      %broadcast_in_dim3A_39 = vector.broadcast %jit3A : f32 to vector<4096x1024xf32>
      %select_n3A = arith.select %eq3A_35, %broadcast_in_dim3A_39, %get3A_38 : vector<4096x1024xi1>, vector<4096x1024xf32>
      %swap3A_40 = arith.constant 0 : index
      %swap3A_41 = arith.constant 0 : index
      %swap3A_42 = vector.load %arg5[%swap3A_40, %swap3A_41] : memref<4096x1024xf32, #tpu.memory_space<vmem>>, vector<4096x1024xf32>
      tpu.vector_store %arg5[%swap3A_40, %swap3A_41], %select_n3A {strides = array<i32>} : memref<4096x1024xf32, #tpu.memory_space<vmem>>, vector<4096x1024xf32>,
      %reduce_min3A = arith.constant dense<0x7F800000> : vector<4096xf32>
      %reduce_min3A_43 = vector.multi_reduction <minimumf>, %select_n3A, %reduce_min3A [1] : vector<4096x1024xf32> to vector<4096xf32>
      %broadcast_in_dim3A_44 = vector.shape_cast %reduce_min3A_43 : vector<4096xf32> to vector<4096x1xf32>
      %eq3A_45 = vector.broadcast %broadcast_in_dim3A_44 : vector<4096x1xf32> to vector<4096x1024xf32>
      %eq3A_46 = arith.cmpf oeq, %select_n3A, %eq3A_45 : vector<4096x1024xf32>
      %jit3A_47 = arith.constant 1024 : i32
      %broadcast_in_dim3A_48 = vector.broadcast %jit3A_47 : i32 to vector<4096x1024xi32>
      %select_n3A_49 = arith.select %eq3A_46, %iota3A, %broadcast_in_dim3A_48 : vector<4096x1024xi1>, vector<4096x1024xi32>
      %reduce_min3A_50 = arith.constant dense<2147483647> : vector<4096xi32>
      %reduce_min3A_51 = vector.multi_reduction <minsi>, %select_n3A_49, %reduce_min3A_50 [1] : vector<4096x1024xi32> to vector<4096xi32>
      %broadcast_in_dim3A_52 = vector.shape_cast %reduce_min3A_51 : vector<4096xi32> to vector<4096x1xi32>
      %jit3A_53 = arith.constant 8 : i32
      %eq3A_54 = arith.constant 0 : i32
      %eq3A_55 = arith.cmpi eq, %jit3A_53, %eq3A_54 : i32
      %jit3A_56 = arith.constant 1 : i32
      %select_n3A_57 = arith.select %eq3A_55, %jit3A_56, %jit3A_53 : i32
      %rem3A = arith.remsi %scan3A_33, %select_n3A_57 : i32
      %ne3A = arith.constant 0 : i32
      %ne3A_58 = arith.cmpi ne, %rem3A, %ne3A : i32
      %lt3A = arith.constant 0 : i32
      %lt3A_59 = arith.cmpi slt, %rem3A, %lt3A : i32
      %lt3A_60 = arith.constant 0 : i32
      %lt3A_61 = arith.cmpi slt, %select_n3A_57, %lt3A_60 : i32
      %ne3A_62 = arith.xori %lt3A_59, %lt3A_61 : i1
      %and3A = arith.andi %ne3A_62, %ne3A_58 : i1
      %add3A_63 = arith.addi %rem3A, %select_n3A_57 : i32
      %select_n3A_64 = arith.select %and3A, %add3A_63, %rem3A : i32
      %eq3A_65 = arith.constant 0 : i32
      %eq3A_66 = arith.cmpi eq, %select_n3A_64, %eq3A_65 : i32
      %convert_element_type3A = arith.extui %eq3A_66 : i1 to i32
      %cond3A = arith.constant 0 : i32
      %cond3A_67 = arith.cmpi ne, %convert_element_type3A, %cond3A : i32
      scf.if %cond3A_67 {
        %jit3A_68 = arith.constant 8 : i32
        %div3A = arith.divsi %scan3A_33, %jit3A_68 : i32
        %sign3A = arith.constant 0 : i32
        %sign3A_69 = arith.cmpi sgt, %scan3A_33, %sign3A : i32
        %sign3A_70 = arith.extui %sign3A_69 : i1 to i32
        %sign3A_71 = arith.constant 0 : i32
        %sign3A_72 = arith.cmpi slt, %scan3A_33, %sign3A_71 : i32
        %sign3A_73 = arith.extui %sign3A_72 : i1 to i32
        %sign3A_74 = arith.subi %sign3A_70, %sign3A_73 : i32
        %sign3A_75 = arith.constant 0 : i32
        %sign3A_76 = arith.cmpi sgt, %jit3A_68, %sign3A_75 : i32
        %sign3A_77 = arith.extui %sign3A_76 : i1 to i32
        %sign3A_78 = arith.constant 0 : i32
        %sign3A_79 = arith.cmpi slt, %jit3A_68, %sign3A_78 : i32
        %sign3A_80 = arith.extui %sign3A_79 : i1 to i32
        %sign3A_81 = arith.subi %sign3A_77, %sign3A_80 : i32
        %ne3A_82 = arith.cmpi ne, %sign3A_74, %sign3A_81 : i32
        %rem3A_83 = arith.remsi %scan3A_33, %jit3A_68 : i32
        %ne3A_84 = arith.constant 0 : i32
        %ne3A_85 = arith.cmpi ne, %rem3A_83, %ne3A_84 : i32
        %and3A_86 = arith.andi %ne3A_82, %ne3A_85 : i1
        %sub3A_87 = arith.constant 1 : i32
        %sub3A_88 = arith.subi %div3A, %sub3A_87 : i32
        %select_n3A_89 = arith.select %and3A_86, %sub3A_88, %div3A : i32
        %squeeze3A = vector.shape_cast %broadcast_in_dim3A_52 : vector<4096x1xi32> to vector<4096xi32>
        %mul3A_90 = arith.constant 4 : i32
        %mul3A_91 = vector.broadcast %mul3A_90 : i32 to vector<4096xi32>
        %mul3A_92 = arith.muli %squeeze3A, %mul3A_91 : vector<4096xi32>
        %add3A_93 = vector.broadcast %mul3A_25 : i32 to vector<4096xi32>
        %add3A_94 = arith.addi %add3A_93, %mul3A_92 : vector<4096xi32>
        %broadcast_in_dim3A_95 = vector.shape_cast %add3A_94 : vector<4096xi32> to vector<1x4096xi32>
        %swap3A_96 = arith.constant 0 : index
        %swap3A_97 = arith.index_cast %select_n3A_89 : i32 to index
        %swap3A_98 = arith.constant 0 : index
        %swap3A_99 = vector.load %arg4[%swap3A_96, %swap3A_97, %swap3A_98] : memref<1x16x4096xi32, #tpu.memory_space<vmem>>, vector<1x1x4096xi32>
        %swap3A_100 = vector.shape_cast %swap3A_99 : vector<1x1x4096xi32> to vector<1x4096xi32>
        %swap3A_101 = vector.shape_cast %broadcast_in_dim3A_95 : vector<1x4096xi32> to vector<1x1x4096xi32>
        tpu.vector_store %arg4[%swap3A_96, %swap3A_97, %swap3A_98], %swap3A_101 {strides = array<i32>} : memref<1x16x4096xi32, #tpu.memory_space<vmem>>, vector<1x1x4096xi32>,
      } else {
      }
      scf.yield %broadcast_in_dim3A_52 : vector<4096x1xi32>
    }
    %scan3A_32 = arith.constant 121 : i32
    return
  }
  func.func @transform_0(%arg0: i32, %arg1: i32) -> (i32, i32, i32) {
    %c0_i32 = arith.constant 0 : i32
    %c0_i32_0 = arith.constant 0 : i32
    return %arg0, %arg1, %c0_i32 : i32, i32, i32
  }
  func.func @transform_1(%arg0: i32, %arg1: i32) -> (i32, i32, i32) {
    %c0_i32 = arith.constant 0 : i32
    %c0_i32_0 = arith.constant 0 : i32
    %c0_i32_1 = arith.constant 0 : i32
    return %arg0, %c0_i32, %c0_i32_0 : i32, i32, i32
  }
  func.func @transform_2(%arg0: i32, %arg1: i32) -> (i32, i32, i32) {
    %c0_i32 = arith.constant 0 : i32
    %c0_i32_0 = arith.constant 0 : i32
    return %arg0, %c0_i32, %arg1 : i32, i32, i32
  }
}

module attributes {stable_mosaic.version = 14 : i64} {
  func.func @body(%arg0: i32, %arg1: i32, %arg2: memref<1x256x128xf32, #tpu.memory_space<vmem>>, %arg3: memref<1x256x16x128xf32, #tpu.memory_space<vmem>>, %arg4: memref<48x128xf32, #tpu.memory_space<vmem>>, %arg5: memref<1x128xf32, #tpu.memory_space<vmem>>, %arg6: memref<128x256xf32, #tpu.memory_space<vmem>>, %arg7: memref<1x256xf32, #tpu.memory_space<vmem>>, %arg8: memref<1x256x256xf32, #tpu.memory_space<vmem>>) attributes {dimension_semantics = [#tpu.dimension_semantics<arbitrary>, #tpu.dimension_semantics<arbitrary>], iteration_bounds = array<i64: 2, 16>, scalar_prefetch = 0 : i64, scratch_operands = 0 : i64, tpu.core_type = #tpu.core_type<tc>, window_params = [{transform_indices = @transform_0, window_bounds = array<i64: 1, 256, 128>}, {transform_indices = @transform_1, window_bounds = array<i64: 1, 256, 16, 128>}, {pipeline_mode = #tpu.pipeline_mode<synchronous>, transform_indices = @transform_2, window_bounds = array<i64: 48, 128>}, {pipeline_mode = #tpu.pipeline_mode<synchronous>, transform_indices = @transform_3, window_bounds = array<i64: 1, 128>}, {pipeline_mode = #tpu.pipeline_mode<synchronous>, transform_indices = @transform_4, window_bounds = array<i64: 128, 256>}, {pipeline_mode = #tpu.pipeline_mode<synchronous>, transform_indices = @transform_5, window_bounds = array<i64: 1, 256>}, {transform_indices = @transform_6, window_bounds = array<i64: 1, 256, 256>}]} {
    %get3A = arith.constant 0 : index
    %get3A_0 = arith.constant 0 : index
    %get3A_1 = arith.constant 0 : index
    %get3A_2 = vector.load %arg2[%get3A, %get3A_0, %get3A_1] : memref<1x256x128xf32, #tpu.memory_space<vmem>>, vector<1x256x128xf32>
    %get3A_3 = vector.shape_cast %get3A_2 : vector<1x256x128xf32> to vector<256x128xf32>
    %slice3A = vector.extract_strided_slice %get3A_3 {offsets = [0, 0], sizes = [256, 24], strides = [1, 1]} : vector<256x128xf32> to vector<256x24xf32>
    %broadcast_in_dim3A = vector.shape_cast %slice3A : vector<256x24xf32> to vector<256x1x24xf32>
    %broadcast_in_dim3A_4 = vector.shape_cast %broadcast_in_dim3A : vector<256x1x24xf32> to vector<256x1x24xf32>
    %broadcast_in_dim3A_5 = vector.broadcast %broadcast_in_dim3A_4 : vector<256x1x24xf32> to vector<256x16x24xf32>
    %reshape3A = vector.shape_cast %broadcast_in_dim3A_5 : vector<256x16x24xf32> to vector<4096x24xf32>
    %get3A_6 = arith.constant 0 : index
    %get3A_7 = arith.constant 0 : index
    %get3A_8 = arith.constant 0 : index
    %get3A_9 = arith.constant 0 : index
    %get3A_10 = vector.load %arg3[%get3A_6, %get3A_7, %get3A_8, %get3A_9] : memref<1x256x16x128xf32, #tpu.memory_space<vmem>>, vector<1x256x16x128xf32>
    %get3A_11 = vector.shape_cast %get3A_10 : vector<1x256x16x128xf32> to vector<256x16x128xf32>
    %reshape3A_12 = vector.shape_cast %get3A_11 : vector<256x16x128xf32> to vector<4096x128xf32>
    %slice3A_13 = vector.extract_strided_slice %reshape3A_12 {offsets = [0, 0], sizes = [4096, 24], strides = [1, 1]} : vector<4096x128xf32> to vector<4096x24xf32>
    %sub3A = arith.subf %slice3A_13, %reshape3A : vector<4096x24xf32>
    %concatenate3A = tpu.concatenate %reshape3A, %sub3A in 1 : vector<4096x24xf32>, vector<4096x24xf32> -> vector<4096x48xf32>
    %get3A_14 = arith.constant 0 : index
    %get3A_15 = arith.constant 0 : index
    %get3A_16 = vector.load %arg4[%get3A_14, %get3A_15] : memref<48x128xf32, #tpu.memory_space<vmem>>, vector<48x128xf32>
    %dot_general3A = arith.constant dense<0.000000e+00> : vector<4096x128xf32>
    %dot_general3A_17 = tpu.matmul %concatenate3A, %get3A_16, %dot_general3A {dimension_numbers = #tpu.dot_dimension_numbers<[1], [0], [0], [1], [0, 0, 1, 1], [], []>, transpose_lhs_hint = false} : vector<4096x48xf32>, vector<48x128xf32>, vector<4096x128xf32> -> vector<4096x128xf32>
    %get3A_18 = arith.constant 0 : index
    %get3A_19 = arith.constant 0 : index
    %get3A_20 = vector.load %arg5[%get3A_18, %get3A_19] : memref<1x128xf32, #tpu.memory_space<vmem>>, vector<1x128xf32>
    %add3A = vector.broadcast %get3A_20 : vector<1x128xf32> to vector<4096x128xf32>
    %add3A_21 = arith.addf %dot_general3A_17, %add3A : vector<4096x128xf32>
    %ge3A = arith.constant 0.000000e+00 : f32
    %ge3A_22 = vector.broadcast %ge3A : f32 to vector<4096x128xf32>
    %ge3A_23 = arith.cmpf oge, %add3A_21, %ge3A_22 : vector<4096x128xf32>
    %mul3A = arith.constant 2.000000e-01 : f32
    %mul3A_24 = vector.broadcast %mul3A : f32 to vector<4096x128xf32>
    %mul3A_25 = arith.mulf %mul3A_24, %add3A_21 : vector<4096x128xf32>
    %select_n3A = arith.select %ge3A_23, %add3A_21, %mul3A_25 : vector<4096x128xi1>, vector<4096x128xf32>
    %get3A_26 = arith.constant 0 : index
    %get3A_27 = arith.constant 0 : index
    %get3A_28 = vector.load %arg6[%get3A_26, %get3A_27] : memref<128x256xf32, #tpu.memory_space<vmem>>, vector<128x256xf32>
    %dot_general3A_29 = arith.constant dense<0.000000e+00> : vector<4096x256xf32>
    %dot_general3A_30 = tpu.matmul %select_n3A, %get3A_28, %dot_general3A_29 {dimension_numbers = #tpu.dot_dimension_numbers<[1], [0], [0], [1], [0, 0, 1, 1], [], []>, transpose_lhs_hint = false} : vector<4096x128xf32>, vector<128x256xf32>, vector<4096x256xf32> -> vector<4096x256xf32>
    %get3A_31 = arith.constant 0 : index
    %get3A_32 = arith.constant 0 : index
    %get3A_33 = vector.load %arg7[%get3A_31, %get3A_32] : memref<1x256xf32, #tpu.memory_space<vmem>>, vector<1x256xf32>
    %add3A_34 = vector.broadcast %get3A_33 : vector<1x256xf32> to vector<4096x256xf32>
    %add3A_35 = arith.addf %dot_general3A_30, %add3A_34 : vector<4096x256xf32>
    %ge3A_36 = arith.constant 0.000000e+00 : f32
    %ge3A_37 = vector.broadcast %ge3A_36 : f32 to vector<4096x256xf32>
    %ge3A_38 = arith.cmpf oge, %add3A_35, %ge3A_37 : vector<4096x256xf32>
    %mul3A_39 = arith.constant 2.000000e-01 : f32
    %mul3A_40 = vector.broadcast %mul3A_39 : f32 to vector<4096x256xf32>
    %mul3A_41 = arith.mulf %mul3A_40, %add3A_35 : vector<4096x256xf32>
    %select_n3A_42 = arith.select %ge3A_38, %add3A_35, %mul3A_41 : vector<4096x256xi1>, vector<4096x256xf32>
    %reshape3A_43 = vector.shape_cast %select_n3A_42 : vector<4096x256xf32> to vector<256x16x256xf32>
    %reduce_max3A = arith.constant dense<0xFF800000> : vector<256x256xf32>
    %reduce_max3A_44 = vector.multi_reduction <maximumf>, %reshape3A_43, %reduce_max3A [1] : vector<256x16x256xf32> to vector<256x256xf32>
    %swap3A = arith.constant 0 : index
    %swap3A_45 = arith.constant 0 : index
    %swap3A_46 = arith.constant 0 : index
    %swap3A_47 = vector.load %arg8[%swap3A, %swap3A_45, %swap3A_46] : memref<1x256x256xf32, #tpu.memory_space<vmem>>, vector<1x256x256xf32>
    %swap3A_48 = vector.shape_cast %swap3A_47 : vector<1x256x256xf32> to vector<256x256xf32>
    %swap3A_49 = vector.shape_cast %reduce_max3A_44 : vector<256x256xf32> to vector<1x256x256xf32>
    tpu.vector_store %arg8[%swap3A, %swap3A_45, %swap3A_46], %swap3A_49 {strides = array<i32>} : memref<1x256x256xf32, #tpu.memory_space<vmem>>, vector<1x256x256xf32>,
    return
  }
  func.func @transform_0(%arg0: i32, %arg1: i32) -> (i32, i32, i32) {
    %c0_i32 = arith.constant 0 : i32
    %c0_i32_0 = arith.constant 0 : i32
    return %arg0, %arg1, %c0_i32 : i32, i32, i32
  }
  func.func @transform_1(%arg0: i32, %arg1: i32) -> (i32, i32, i32, i32) {
    %c0_i32 = arith.constant 0 : i32
    %c0_i32_0 = arith.constant 0 : i32
    %c0_i32_1 = arith.constant 0 : i32
    return %arg0, %arg1, %c0_i32, %c0_i32_0 : i32, i32, i32, i32
  }
  func.func @transform_2(%arg0: i32, %arg1: i32) -> (i32, i32) {
    %c0_i32 = arith.constant 0 : i32
    %c0_i32_0 = arith.constant 0 : i32
    %c0_i32_1 = arith.constant 0 : i32
    return %c0_i32, %c0_i32_0 : i32, i32
  }
  func.func @transform_3(%arg0: i32, %arg1: i32) -> (i32, i32) {
    %c0_i32 = arith.constant 0 : i32
    %c0_i32_0 = arith.constant 0 : i32
    %c0_i32_1 = arith.constant 0 : i32
    return %c0_i32, %c0_i32_0 : i32, i32
  }
  func.func @transform_4(%arg0: i32, %arg1: i32) -> (i32, i32) {
    %c0_i32 = arith.constant 0 : i32
    %c0_i32_0 = arith.constant 0 : i32
    %c0_i32_1 = arith.constant 0 : i32
    return %c0_i32, %c0_i32_0 : i32, i32
  }
  func.func @transform_5(%arg0: i32, %arg1: i32) -> (i32, i32) {
    %c0_i32 = arith.constant 0 : i32
    %c0_i32_0 = arith.constant 0 : i32
    %c0_i32_1 = arith.constant 0 : i32
    return %c0_i32, %c0_i32_0 : i32, i32
  }
  func.func @transform_6(%arg0: i32, %arg1: i32) -> (i32, i32, i32) {
    %c0_i32 = arith.constant 0 : i32
    %c0_i32_0 = arith.constant 0 : i32
    return %arg0, %arg1, %c0_i32 : i32, i32, i32
  }
}

module attributes {stable_mosaic.version = 14 : i64} {
  func.func @body(%arg0: i32, %arg1: i32, %arg2: memref<1x4096x3xf32, #tpu.memory_space<vmem>>, %arg3: memref<1x512x3xf32, #tpu.memory_space<vmem>>, %arg4: memref<1x16x4096xi32, #tpu.memory_space<vmem>>, %arg5: memref<4096x512xf32, #tpu.memory_space<vmem>>) attributes {dimension_semantics = [#tpu.dimension_semantics<arbitrary>, #tpu.dimension_semantics<arbitrary>], iteration_bounds = array<i64: 2, 1>, scalar_prefetch = 0 : i64, scratch_operands = 1 : i64, tpu.core_type = #tpu.core_type<tc>, window_params = [{transform_indices = @transform_0, window_bounds = array<i64: 1, 4096, 3>}, {transform_indices = @transform_1, window_bounds = array<i64: 1, 512, 3>}, {transform_indices = @transform_2, window_bounds = array<i64: 1, 16, 4096>}]} {
    %get3A = arith.constant 0 : index
    %get3A_0 = arith.constant 0 : index
    %get3A_1 = arith.constant 0 : index
    %get3A_2 = vector.load %arg2[%get3A, %get3A_0, %get3A_1] : memref<1x4096x3xf32, #tpu.memory_space<vmem>>, vector<1x4096x3xf32>
    %get3A_3 = vector.shape_cast %get3A_2 : vector<1x4096x3xf32> to vector<4096x3xf32>
    %get3A_4 = arith.constant 0 : index
    %get3A_5 = arith.constant 0 : index
    %get3A_6 = arith.constant 0 : index
    %get3A_7 = vector.load %arg3[%get3A_4, %get3A_5, %get3A_6] : memref<1x512x3xf32, #tpu.memory_space<vmem>>, vector<1x512x3xf32>
    %get3A_8 = vector.shape_cast %get3A_7 : vector<1x512x3xf32> to vector<512x3xf32>
    %mul3A = arith.mulf %get3A_3, %get3A_3 : vector<4096x3xf32>
    %reduce_sum3A = arith.constant dense<0.000000e+00> : vector<4096xf32>
    %reduce_sum3A_9 = vector.multi_reduction <add>, %mul3A, %reduce_sum3A [1] : vector<4096x3xf32> to vector<4096xf32>
    %broadcast_in_dim3A = vector.shape_cast %reduce_sum3A_9 : vector<4096xf32> to vector<4096x1xf32>
    %mul3A_10 = arith.mulf %get3A_8, %get3A_8 : vector<512x3xf32>
    %reduce_sum3A_11 = arith.constant dense<0.000000e+00> : vector<512xf32>
    %reduce_sum3A_12 = vector.multi_reduction <add>, %mul3A_10, %reduce_sum3A_11 [1] : vector<512x3xf32> to vector<512xf32>
    %broadcast_in_dim3A_13 = vector.shape_cast %reduce_sum3A_12 : vector<512xf32> to vector<1x512xf32>
    %dot_general3A = arith.constant dense<0.000000e+00> : vector<4096x512xf32>
    %dot_general3A_14 = tpu.matmul %get3A_3, %get3A_8, %dot_general3A {dimension_numbers = #tpu.dot_dimension_numbers<[1], [1], [0], [0], [0, 0, 1, 0], [], []>, transpose_lhs_hint = false} : vector<4096x3xf32>, vector<512x3xf32>, vector<4096x512xf32> -> vector<4096x512xf32>
    %add3A = vector.broadcast %broadcast_in_dim3A : vector<4096x1xf32> to vector<4096x512xf32>
    %add3A_15 = vector.broadcast %broadcast_in_dim3A_13 : vector<1x512xf32> to vector<4096x512xf32>
    %add3A_16 = arith.addf %add3A, %add3A_15 : vector<4096x512xf32>
    %mul3A_17 = arith.constant 2.000000e+00 : f32
    %mul3A_18 = vector.broadcast %mul3A_17 : f32 to vector<4096x512xf32>
    %mul3A_19 = arith.mulf %mul3A_18, %dot_general3A_14 : vector<4096x512xf32>
    %sub3A = arith.subf %add3A_16, %mul3A_19 : vector<4096x512xf32>
    %max3A = arith.constant 9.99999996E-13 : f32
    %max3A_20 = vector.broadcast %max3A : f32 to vector<4096x512xf32>
    %max3A_21 = arith.maximumf %sub3A, %max3A_20 : vector<4096x512xf32>
    %sqrt3A = math.sqrt %max3A_21 : vector<4096x512xf32>
    %swap3A = arith.constant 0 : index
    %swap3A_22 = arith.constant 0 : index
    %swap3A_23 = vector.load %arg5[%swap3A, %swap3A_22] : memref<4096x512xf32, #tpu.memory_space<vmem>>, vector<4096x512xf32>
    tpu.vector_store %arg5[%swap3A, %swap3A_22], %sqrt3A {strides = array<i32>} : memref<4096x512xf32, #tpu.memory_space<vmem>>, vector<4096x512xf32>,
    %mul3A_24 = arith.constant 4096 : i32
    %mul3A_25 = arith.muli %arg0, %mul3A_24 : i32
    %broadcast_in_dim3A_26 = arith.constant -1 : i32
    %broadcast_in_dim3A_27 = vector.broadcast %broadcast_in_dim3A_26 : i32 to vector<4096x1xi32>
    %scan3A = arith.constant 0 : i32
    %scan3A_28 = arith.constant 121 : i32
    %scan3A_29 = arith.addi %scan3A, %scan3A_28 : i32
    %scan3A_30 = arith.constant 1 : i32
    %scan3A_31 = scf.for %scan3A_33 = %scan3A to %scan3A_29 step %scan3A_30 iter_args(%scan3A_34 = %broadcast_in_dim3A_27) -> (vector<4096x1xi32>)  : i32 {
      %iota3A = tpu.iota {dimensions = array<i32: 1>} : vector<4096x512xi32>
      %eq3A = vector.broadcast %scan3A_34 : vector<4096x1xi32> to vector<4096x512xi32>
      %eq3A_35 = arith.cmpi eq, %iota3A, %eq3A : vector<4096x512xi32>
      %get3A_36 = arith.constant 0 : index
      %get3A_37 = arith.constant 0 : index
      %get3A_38 = vector.load %arg5[%get3A_36, %get3A_37] : memref<4096x512xf32, #tpu.memory_space<vmem>>, vector<4096x512xf32>
      %jit3A = arith.constant 0x7F800000 : f32
      %broadcast_in_dim3A_39 = vector.broadcast %jit3A : f32 to vector<4096x512xf32>
      %select_n3A = arith.select %eq3A_35, %broadcast_in_dim3A_39, %get3A_38 : vector<4096x512xi1>, vector<4096x512xf32>
      %swap3A_40 = arith.constant 0 : index
      %swap3A_41 = arith.constant 0 : index
      %swap3A_42 = vector.load %arg5[%swap3A_40, %swap3A_41] : memref<4096x512xf32, #tpu.memory_space<vmem>>, vector<4096x512xf32>
      tpu.vector_store %arg5[%swap3A_40, %swap3A_41], %select_n3A {strides = array<i32>} : memref<4096x512xf32, #tpu.memory_space<vmem>>, vector<4096x512xf32>,
      %reduce_min3A = arith.constant dense<0x7F800000> : vector<4096xf32>
      %reduce_min3A_43 = vector.multi_reduction <minimumf>, %select_n3A, %reduce_min3A [1] : vector<4096x512xf32> to vector<4096xf32>
      %broadcast_in_dim3A_44 = vector.shape_cast %reduce_min3A_43 : vector<4096xf32> to vector<4096x1xf32>
      %eq3A_45 = vector.broadcast %broadcast_in_dim3A_44 : vector<4096x1xf32> to vector<4096x512xf32>
      %eq3A_46 = arith.cmpf oeq, %select_n3A, %eq3A_45 : vector<4096x512xf32>
      %jit3A_47 = arith.constant 512 : i32
      %broadcast_in_dim3A_48 = vector.broadcast %jit3A_47 : i32 to vector<4096x512xi32>
      %select_n3A_49 = arith.select %eq3A_46, %iota3A, %broadcast_in_dim3A_48 : vector<4096x512xi1>, vector<4096x512xi32>
      %reduce_min3A_50 = arith.constant dense<2147483647> : vector<4096xi32>
      %reduce_min3A_51 = vector.multi_reduction <minsi>, %select_n3A_49, %reduce_min3A_50 [1] : vector<4096x512xi32> to vector<4096xi32>
      %broadcast_in_dim3A_52 = vector.shape_cast %reduce_min3A_51 : vector<4096xi32> to vector<4096x1xi32>
      %jit3A_53 = arith.constant 8 : i32
      %eq3A_54 = arith.constant 0 : i32
      %eq3A_55 = arith.cmpi eq, %jit3A_53, %eq3A_54 : i32
      %jit3A_56 = arith.constant 1 : i32
      %select_n3A_57 = arith.select %eq3A_55, %jit3A_56, %jit3A_53 : i32
      %rem3A = arith.remsi %scan3A_33, %select_n3A_57 : i32
      %ne3A = arith.constant 0 : i32
      %ne3A_58 = arith.cmpi ne, %rem3A, %ne3A : i32
      %lt3A = arith.constant 0 : i32
      %lt3A_59 = arith.cmpi slt, %rem3A, %lt3A : i32
      %lt3A_60 = arith.constant 0 : i32
      %lt3A_61 = arith.cmpi slt, %select_n3A_57, %lt3A_60 : i32
      %ne3A_62 = arith.xori %lt3A_59, %lt3A_61 : i1
      %and3A = arith.andi %ne3A_62, %ne3A_58 : i1
      %add3A_63 = arith.addi %rem3A, %select_n3A_57 : i32
      %select_n3A_64 = arith.select %and3A, %add3A_63, %rem3A : i32
      %eq3A_65 = arith.constant 0 : i32
      %eq3A_66 = arith.cmpi eq, %select_n3A_64, %eq3A_65 : i32
      %convert_element_type3A = arith.extui %eq3A_66 : i1 to i32
      %cond3A = arith.constant 0 : i32
      %cond3A_67 = arith.cmpi ne, %convert_element_type3A, %cond3A : i32
      scf.if %cond3A_67 {
        %jit3A_68 = arith.constant 8 : i32
        %div3A = arith.divsi %scan3A_33, %jit3A_68 : i32
        %sign3A = arith.constant 0 : i32
        %sign3A_69 = arith.cmpi sgt, %scan3A_33, %sign3A : i32
        %sign3A_70 = arith.extui %sign3A_69 : i1 to i32
        %sign3A_71 = arith.constant 0 : i32
        %sign3A_72 = arith.cmpi slt, %scan3A_33, %sign3A_71 : i32
        %sign3A_73 = arith.extui %sign3A_72 : i1 to i32
        %sign3A_74 = arith.subi %sign3A_70, %sign3A_73 : i32
        %sign3A_75 = arith.constant 0 : i32
        %sign3A_76 = arith.cmpi sgt, %jit3A_68, %sign3A_75 : i32
        %sign3A_77 = arith.extui %sign3A_76 : i1 to i32
        %sign3A_78 = arith.constant 0 : i32
        %sign3A_79 = arith.cmpi slt, %jit3A_68, %sign3A_78 : i32
        %sign3A_80 = arith.extui %sign3A_79 : i1 to i32
        %sign3A_81 = arith.subi %sign3A_77, %sign3A_80 : i32
        %ne3A_82 = arith.cmpi ne, %sign3A_74, %sign3A_81 : i32
        %rem3A_83 = arith.remsi %scan3A_33, %jit3A_68 : i32
        %ne3A_84 = arith.constant 0 : i32
        %ne3A_85 = arith.cmpi ne, %rem3A_83, %ne3A_84 : i32
        %and3A_86 = arith.andi %ne3A_82, %ne3A_85 : i1
        %sub3A_87 = arith.constant 1 : i32
        %sub3A_88 = arith.subi %div3A, %sub3A_87 : i32
        %select_n3A_89 = arith.select %and3A_86, %sub3A_88, %div3A : i32
        %squeeze3A = vector.shape_cast %broadcast_in_dim3A_52 : vector<4096x1xi32> to vector<4096xi32>
        %mul3A_90 = arith.constant 8 : i32
        %mul3A_91 = vector.broadcast %mul3A_90 : i32 to vector<4096xi32>
        %mul3A_92 = arith.muli %squeeze3A, %mul3A_91 : vector<4096xi32>
        %add3A_93 = vector.broadcast %mul3A_25 : i32 to vector<4096xi32>
        %add3A_94 = arith.addi %add3A_93, %mul3A_92 : vector<4096xi32>
        %broadcast_in_dim3A_95 = vector.shape_cast %add3A_94 : vector<4096xi32> to vector<1x4096xi32>
        %swap3A_96 = arith.constant 0 : index
        %swap3A_97 = arith.index_cast %select_n3A_89 : i32 to index
        %swap3A_98 = arith.constant 0 : index
        %swap3A_99 = vector.load %arg4[%swap3A_96, %swap3A_97, %swap3A_98] : memref<1x16x4096xi32, #tpu.memory_space<vmem>>, vector<1x1x4096xi32>
        %swap3A_100 = vector.shape_cast %swap3A_99 : vector<1x1x4096xi32> to vector<1x4096xi32>
        %swap3A_101 = vector.shape_cast %broadcast_in_dim3A_95 : vector<1x4096xi32> to vector<1x1x4096xi32>
        tpu.vector_store %arg4[%swap3A_96, %swap3A_97, %swap3A_98], %swap3A_101 {strides = array<i32>} : memref<1x16x4096xi32, #tpu.memory_space<vmem>>, vector<1x1x4096xi32>,
      } else {
      }
      scf.yield %broadcast_in_dim3A_52 : vector<4096x1xi32>
    }
    %scan3A_32 = arith.constant 121 : i32
    return
  }
  func.func @transform_0(%arg0: i32, %arg1: i32) -> (i32, i32, i32) {
    %c0_i32 = arith.constant 0 : i32
    %c0_i32_0 = arith.constant 0 : i32
    return %arg0, %arg1, %c0_i32 : i32, i32, i32
  }
  func.func @transform_1(%arg0: i32, %arg1: i32) -> (i32, i32, i32) {
    %c0_i32 = arith.constant 0 : i32
    %c0_i32_0 = arith.constant 0 : i32
    %c0_i32_1 = arith.constant 0 : i32
    return %arg0, %c0_i32, %c0_i32_0 : i32, i32, i32
  }
  func.func @transform_2(%arg0: i32, %arg1: i32) -> (i32, i32, i32) {
    %c0_i32 = arith.constant 0 : i32
    %c0_i32_0 = arith.constant 0 : i32
    return %arg0, %c0_i32, %arg1 : i32, i32, i32
  }
}

module attributes {stable_mosaic.version = 14 : i64} {
  func.func @body(%arg0: i32, %arg1: i32, %arg2: memref<1x256x256xf32, #tpu.memory_space<vmem>>, %arg3: memref<1x256x16x256xf32, #tpu.memory_space<vmem>>, %arg4: memref<512x256xf32, #tpu.memory_space<vmem>>, %arg5: memref<1x256xf32, #tpu.memory_space<vmem>>, %arg6: memref<256x256xf32, #tpu.memory_space<vmem>>, %arg7: memref<1x256xf32, #tpu.memory_space<vmem>>, %arg8: memref<1x256x256xf32, #tpu.memory_space<vmem>>) attributes {dimension_semantics = [#tpu.dimension_semantics<arbitrary>, #tpu.dimension_semantics<arbitrary>], iteration_bounds = array<i64: 2, 16>, scalar_prefetch = 0 : i64, scratch_operands = 0 : i64, tpu.core_type = #tpu.core_type<tc>, window_params = [{transform_indices = @transform_0, window_bounds = array<i64: 1, 256, 256>}, {transform_indices = @transform_1, window_bounds = array<i64: 1, 256, 16, 256>}, {pipeline_mode = #tpu.pipeline_mode<synchronous>, transform_indices = @transform_2, window_bounds = array<i64: 512, 256>}, {pipeline_mode = #tpu.pipeline_mode<synchronous>, transform_indices = @transform_3, window_bounds = array<i64: 1, 256>}, {pipeline_mode = #tpu.pipeline_mode<synchronous>, transform_indices = @transform_4, window_bounds = array<i64: 256, 256>}, {pipeline_mode = #tpu.pipeline_mode<synchronous>, transform_indices = @transform_5, window_bounds = array<i64: 1, 256>}, {transform_indices = @transform_6, window_bounds = array<i64: 1, 256, 256>}]} {
    %get3A = arith.constant 0 : index
    %get3A_0 = arith.constant 0 : index
    %get3A_1 = arith.constant 0 : index
    %get3A_2 = vector.load %arg2[%get3A, %get3A_0, %get3A_1] : memref<1x256x256xf32, #tpu.memory_space<vmem>>, vector<1x256x256xf32>
    %get3A_3 = vector.shape_cast %get3A_2 : vector<1x256x256xf32> to vector<256x256xf32>
    %broadcast_in_dim3A = vector.shape_cast %get3A_3 : vector<256x256xf32> to vector<256x1x256xf32>
    %broadcast_in_dim3A_4 = vector.shape_cast %broadcast_in_dim3A : vector<256x1x256xf32> to vector<256x1x256xf32>
    %broadcast_in_dim3A_5 = vector.broadcast %broadcast_in_dim3A_4 : vector<256x1x256xf32> to vector<256x16x256xf32>
    %reshape3A = vector.shape_cast %broadcast_in_dim3A_5 : vector<256x16x256xf32> to vector<4096x256xf32>
    %get3A_6 = arith.constant 0 : index
    %get3A_7 = arith.constant 0 : index
    %get3A_8 = arith.constant 0 : index
    %get3A_9 = arith.constant 0 : index
    %get3A_10 = vector.load %arg3[%get3A_6, %get3A_7, %get3A_8, %get3A_9] : memref<1x256x16x256xf32, #tpu.memory_space<vmem>>, vector<1x256x16x256xf32>
    %get3A_11 = vector.shape_cast %get3A_10 : vector<1x256x16x256xf32> to vector<256x16x256xf32>
    %reshape3A_12 = vector.shape_cast %get3A_11 : vector<256x16x256xf32> to vector<4096x256xf32>
    %sub3A = arith.subf %reshape3A_12, %reshape3A : vector<4096x256xf32>
    %concatenate3A = tpu.concatenate %reshape3A, %sub3A in 1 : vector<4096x256xf32>, vector<4096x256xf32> -> vector<4096x512xf32>
    %get3A_13 = arith.constant 0 : index
    %get3A_14 = arith.constant 0 : index
    %get3A_15 = vector.load %arg4[%get3A_13, %get3A_14] : memref<512x256xf32, #tpu.memory_space<vmem>>, vector<512x256xf32>
    %dot_general3A = arith.constant dense<0.000000e+00> : vector<4096x256xf32>
    %dot_general3A_16 = tpu.matmul %concatenate3A, %get3A_15, %dot_general3A {dimension_numbers = #tpu.dot_dimension_numbers<[1], [0], [0], [1], [0, 0, 1, 1], [], []>, transpose_lhs_hint = false} : vector<4096x512xf32>, vector<512x256xf32>, vector<4096x256xf32> -> vector<4096x256xf32>
    %get3A_17 = arith.constant 0 : index
    %get3A_18 = arith.constant 0 : index
    %get3A_19 = vector.load %arg5[%get3A_17, %get3A_18] : memref<1x256xf32, #tpu.memory_space<vmem>>, vector<1x256xf32>
    %add3A = vector.broadcast %get3A_19 : vector<1x256xf32> to vector<4096x256xf32>
    %add3A_20 = arith.addf %dot_general3A_16, %add3A : vector<4096x256xf32>
    %ge3A = arith.constant 0.000000e+00 : f32
    %ge3A_21 = vector.broadcast %ge3A : f32 to vector<4096x256xf32>
    %ge3A_22 = arith.cmpf oge, %add3A_20, %ge3A_21 : vector<4096x256xf32>
    %mul3A = arith.constant 2.000000e-01 : f32
    %mul3A_23 = vector.broadcast %mul3A : f32 to vector<4096x256xf32>
    %mul3A_24 = arith.mulf %mul3A_23, %add3A_20 : vector<4096x256xf32>
    %select_n3A = arith.select %ge3A_22, %add3A_20, %mul3A_24 : vector<4096x256xi1>, vector<4096x256xf32>
    %get3A_25 = arith.constant 0 : index
    %get3A_26 = arith.constant 0 : index
    %get3A_27 = vector.load %arg6[%get3A_25, %get3A_26] : memref<256x256xf32, #tpu.memory_space<vmem>>, vector<256x256xf32>
    %dot_general3A_28 = arith.constant dense<0.000000e+00> : vector<4096x256xf32>
    %dot_general3A_29 = tpu.matmul %select_n3A, %get3A_27, %dot_general3A_28 {dimension_numbers = #tpu.dot_dimension_numbers<[1], [0], [0], [1], [0, 0, 1, 1], [], []>, transpose_lhs_hint = false} : vector<4096x256xf32>, vector<256x256xf32>, vector<4096x256xf32> -> vector<4096x256xf32>
    %get3A_30 = arith.constant 0 : index
    %get3A_31 = arith.constant 0 : index
    %get3A_32 = vector.load %arg7[%get3A_30, %get3A_31] : memref<1x256xf32, #tpu.memory_space<vmem>>, vector<1x256xf32>
    %add3A_33 = vector.broadcast %get3A_32 : vector<1x256xf32> to vector<4096x256xf32>
    %add3A_34 = arith.addf %dot_general3A_29, %add3A_33 : vector<4096x256xf32>
    %ge3A_35 = arith.constant 0.000000e+00 : f32
    %ge3A_36 = vector.broadcast %ge3A_35 : f32 to vector<4096x256xf32>
    %ge3A_37 = arith.cmpf oge, %add3A_34, %ge3A_36 : vector<4096x256xf32>
    %mul3A_38 = arith.constant 2.000000e-01 : f32
    %mul3A_39 = vector.broadcast %mul3A_38 : f32 to vector<4096x256xf32>
    %mul3A_40 = arith.mulf %mul3A_39, %add3A_34 : vector<4096x256xf32>
    %select_n3A_41 = arith.select %ge3A_37, %add3A_34, %mul3A_40 : vector<4096x256xi1>, vector<4096x256xf32>
    %reshape3A_42 = vector.shape_cast %select_n3A_41 : vector<4096x256xf32> to vector<256x16x256xf32>
    %reduce_max3A = arith.constant dense<0xFF800000> : vector<256x256xf32>
    %reduce_max3A_43 = vector.multi_reduction <maximumf>, %reshape3A_42, %reduce_max3A [1] : vector<256x16x256xf32> to vector<256x256xf32>
    %swap3A = arith.constant 0 : index
    %swap3A_44 = arith.constant 0 : index
    %swap3A_45 = arith.constant 0 : index
    %swap3A_46 = vector.load %arg8[%swap3A, %swap3A_44, %swap3A_45] : memref<1x256x256xf32, #tpu.memory_space<vmem>>, vector<1x256x256xf32>
    %swap3A_47 = vector.shape_cast %swap3A_46 : vector<1x256x256xf32> to vector<256x256xf32>
    %swap3A_48 = vector.shape_cast %reduce_max3A_43 : vector<256x256xf32> to vector<1x256x256xf32>
    tpu.vector_store %arg8[%swap3A, %swap3A_44, %swap3A_45], %swap3A_48 {strides = array<i32>} : memref<1x256x256xf32, #tpu.memory_space<vmem>>, vector<1x256x256xf32>,
    return
  }
  func.func @transform_0(%arg0: i32, %arg1: i32) -> (i32, i32, i32) {
    %c0_i32 = arith.constant 0 : i32
    %c0_i32_0 = arith.constant 0 : i32
    return %arg0, %arg1, %c0_i32 : i32, i32, i32
  }
  func.func @transform_1(%arg0: i32, %arg1: i32) -> (i32, i32, i32, i32) {
    %c0_i32 = arith.constant 0 : i32
    %c0_i32_0 = arith.constant 0 : i32
    %c0_i32_1 = arith.constant 0 : i32
    return %arg0, %arg1, %c0_i32, %c0_i32_0 : i32, i32, i32, i32
  }
  func.func @transform_2(%arg0: i32, %arg1: i32) -> (i32, i32) {
    %c0_i32 = arith.constant 0 : i32
    %c0_i32_0 = arith.constant 0 : i32
    %c0_i32_1 = arith.constant 0 : i32
    return %c0_i32, %c0_i32_0 : i32, i32
  }
  func.func @transform_3(%arg0: i32, %arg1: i32) -> (i32, i32) {
    %c0_i32 = arith.constant 0 : i32
    %c0_i32_0 = arith.constant 0 : i32
    %c0_i32_1 = arith.constant 0 : i32
    return %c0_i32, %c0_i32_0 : i32, i32
  }
  func.func @transform_4(%arg0: i32, %arg1: i32) -> (i32, i32) {
    %c0_i32 = arith.constant 0 : i32
    %c0_i32_0 = arith.constant 0 : i32
    %c0_i32_1 = arith.constant 0 : i32
    return %c0_i32, %c0_i32_0 : i32, i32
  }
  func.func @transform_5(%arg0: i32, %arg1: i32) -> (i32, i32) {
    %c0_i32 = arith.constant 0 : i32
    %c0_i32_0 = arith.constant 0 : i32
    %c0_i32_1 = arith.constant 0 : i32
    return %c0_i32, %c0_i32_0 : i32, i32
  }
  func.func @transform_6(%arg0: i32, %arg1: i32) -> (i32, i32, i32) {
    %c0_i32 = arith.constant 0 : i32
    %c0_i32_0 = arith.constant 0 : i32
    return %arg0, %arg1, %c0_i32 : i32, i32, i32
  }
}

module attributes {stable_mosaic.version = 14 : i64} {
  func.func @body(%arg0: i32, %arg1: i32, %arg2: memref<1x4096x3xf32, #tpu.memory_space<vmem>>, %arg3: memref<1x256x3xf32, #tpu.memory_space<vmem>>, %arg4: memref<1x16x4096xi32, #tpu.memory_space<vmem>>, %arg5: memref<4096x256xf32, #tpu.memory_space<vmem>>) attributes {dimension_semantics = [#tpu.dimension_semantics<arbitrary>, #tpu.dimension_semantics<arbitrary>], iteration_bounds = array<i64: 2, 1>, scalar_prefetch = 0 : i64, scratch_operands = 1 : i64, tpu.core_type = #tpu.core_type<tc>, window_params = [{transform_indices = @transform_0, window_bounds = array<i64: 1, 4096, 3>}, {transform_indices = @transform_1, window_bounds = array<i64: 1, 256, 3>}, {transform_indices = @transform_2, window_bounds = array<i64: 1, 16, 4096>}]} {
    %get3A = arith.constant 0 : index
    %get3A_0 = arith.constant 0 : index
    %get3A_1 = arith.constant 0 : index
    %get3A_2 = vector.load %arg2[%get3A, %get3A_0, %get3A_1] : memref<1x4096x3xf32, #tpu.memory_space<vmem>>, vector<1x4096x3xf32>
    %get3A_3 = vector.shape_cast %get3A_2 : vector<1x4096x3xf32> to vector<4096x3xf32>
    %get3A_4 = arith.constant 0 : index
    %get3A_5 = arith.constant 0 : index
    %get3A_6 = arith.constant 0 : index
    %get3A_7 = vector.load %arg3[%get3A_4, %get3A_5, %get3A_6] : memref<1x256x3xf32, #tpu.memory_space<vmem>>, vector<1x256x3xf32>
    %get3A_8 = vector.shape_cast %get3A_7 : vector<1x256x3xf32> to vector<256x3xf32>
    %mul3A = arith.mulf %get3A_3, %get3A_3 : vector<4096x3xf32>
    %reduce_sum3A = arith.constant dense<0.000000e+00> : vector<4096xf32>
    %reduce_sum3A_9 = vector.multi_reduction <add>, %mul3A, %reduce_sum3A [1] : vector<4096x3xf32> to vector<4096xf32>
    %broadcast_in_dim3A = vector.shape_cast %reduce_sum3A_9 : vector<4096xf32> to vector<4096x1xf32>
    %mul3A_10 = arith.mulf %get3A_8, %get3A_8 : vector<256x3xf32>
    %reduce_sum3A_11 = arith.constant dense<0.000000e+00> : vector<256xf32>
    %reduce_sum3A_12 = vector.multi_reduction <add>, %mul3A_10, %reduce_sum3A_11 [1] : vector<256x3xf32> to vector<256xf32>
    %broadcast_in_dim3A_13 = vector.shape_cast %reduce_sum3A_12 : vector<256xf32> to vector<1x256xf32>
    %dot_general3A = arith.constant dense<0.000000e+00> : vector<4096x256xf32>
    %dot_general3A_14 = tpu.matmul %get3A_3, %get3A_8, %dot_general3A {dimension_numbers = #tpu.dot_dimension_numbers<[1], [1], [0], [0], [0, 0, 1, 0], [], []>, transpose_lhs_hint = false} : vector<4096x3xf32>, vector<256x3xf32>, vector<4096x256xf32> -> vector<4096x256xf32>
    %add3A = vector.broadcast %broadcast_in_dim3A : vector<4096x1xf32> to vector<4096x256xf32>
    %add3A_15 = vector.broadcast %broadcast_in_dim3A_13 : vector<1x256xf32> to vector<4096x256xf32>
    %add3A_16 = arith.addf %add3A, %add3A_15 : vector<4096x256xf32>
    %mul3A_17 = arith.constant 2.000000e+00 : f32
    %mul3A_18 = vector.broadcast %mul3A_17 : f32 to vector<4096x256xf32>
    %mul3A_19 = arith.mulf %mul3A_18, %dot_general3A_14 : vector<4096x256xf32>
    %sub3A = arith.subf %add3A_16, %mul3A_19 : vector<4096x256xf32>
    %max3A = arith.constant 9.99999996E-13 : f32
    %max3A_20 = vector.broadcast %max3A : f32 to vector<4096x256xf32>
    %max3A_21 = arith.maximumf %sub3A, %max3A_20 : vector<4096x256xf32>
    %sqrt3A = math.sqrt %max3A_21 : vector<4096x256xf32>
    %swap3A = arith.constant 0 : index
    %swap3A_22 = arith.constant 0 : index
    %swap3A_23 = vector.load %arg5[%swap3A, %swap3A_22] : memref<4096x256xf32, #tpu.memory_space<vmem>>, vector<4096x256xf32>
    tpu.vector_store %arg5[%swap3A, %swap3A_22], %sqrt3A {strides = array<i32>} : memref<4096x256xf32, #tpu.memory_space<vmem>>, vector<4096x256xf32>,
    %mul3A_24 = arith.constant 4096 : i32
    %mul3A_25 = arith.muli %arg0, %mul3A_24 : i32
    %broadcast_in_dim3A_26 = arith.constant -1 : i32
    %broadcast_in_dim3A_27 = vector.broadcast %broadcast_in_dim3A_26 : i32 to vector<4096x1xi32>
    %scan3A = arith.constant 0 : i32
    %scan3A_28 = arith.constant 121 : i32
    %scan3A_29 = arith.addi %scan3A, %scan3A_28 : i32
    %scan3A_30 = arith.constant 1 : i32
    %scan3A_31 = scf.for %scan3A_33 = %scan3A to %scan3A_29 step %scan3A_30 iter_args(%scan3A_34 = %broadcast_in_dim3A_27) -> (vector<4096x1xi32>)  : i32 {
      %iota3A = tpu.iota {dimensions = array<i32: 1>} : vector<4096x256xi32>
      %eq3A = vector.broadcast %scan3A_34 : vector<4096x1xi32> to vector<4096x256xi32>
      %eq3A_35 = arith.cmpi eq, %iota3A, %eq3A : vector<4096x256xi32>
      %get3A_36 = arith.constant 0 : index
      %get3A_37 = arith.constant 0 : index
      %get3A_38 = vector.load %arg5[%get3A_36, %get3A_37] : memref<4096x256xf32, #tpu.memory_space<vmem>>, vector<4096x256xf32>
      %jit3A = arith.constant 0x7F800000 : f32
      %broadcast_in_dim3A_39 = vector.broadcast %jit3A : f32 to vector<4096x256xf32>
      %select_n3A = arith.select %eq3A_35, %broadcast_in_dim3A_39, %get3A_38 : vector<4096x256xi1>, vector<4096x256xf32>
      %swap3A_40 = arith.constant 0 : index
      %swap3A_41 = arith.constant 0 : index
      %swap3A_42 = vector.load %arg5[%swap3A_40, %swap3A_41] : memref<4096x256xf32, #tpu.memory_space<vmem>>, vector<4096x256xf32>
      tpu.vector_store %arg5[%swap3A_40, %swap3A_41], %select_n3A {strides = array<i32>} : memref<4096x256xf32, #tpu.memory_space<vmem>>, vector<4096x256xf32>,
      %reduce_min3A = arith.constant dense<0x7F800000> : vector<4096xf32>
      %reduce_min3A_43 = vector.multi_reduction <minimumf>, %select_n3A, %reduce_min3A [1] : vector<4096x256xf32> to vector<4096xf32>
      %broadcast_in_dim3A_44 = vector.shape_cast %reduce_min3A_43 : vector<4096xf32> to vector<4096x1xf32>
      %eq3A_45 = vector.broadcast %broadcast_in_dim3A_44 : vector<4096x1xf32> to vector<4096x256xf32>
      %eq3A_46 = arith.cmpf oeq, %select_n3A, %eq3A_45 : vector<4096x256xf32>
      %jit3A_47 = arith.constant 256 : i32
      %broadcast_in_dim3A_48 = vector.broadcast %jit3A_47 : i32 to vector<4096x256xi32>
      %select_n3A_49 = arith.select %eq3A_46, %iota3A, %broadcast_in_dim3A_48 : vector<4096x256xi1>, vector<4096x256xi32>
      %reduce_min3A_50 = arith.constant dense<2147483647> : vector<4096xi32>
      %reduce_min3A_51 = vector.multi_reduction <minsi>, %select_n3A_49, %reduce_min3A_50 [1] : vector<4096x256xi32> to vector<4096xi32>
      %broadcast_in_dim3A_52 = vector.shape_cast %reduce_min3A_51 : vector<4096xi32> to vector<4096x1xi32>
      %jit3A_53 = arith.constant 8 : i32
      %eq3A_54 = arith.constant 0 : i32
      %eq3A_55 = arith.cmpi eq, %jit3A_53, %eq3A_54 : i32
      %jit3A_56 = arith.constant 1 : i32
      %select_n3A_57 = arith.select %eq3A_55, %jit3A_56, %jit3A_53 : i32
      %rem3A = arith.remsi %scan3A_33, %select_n3A_57 : i32
      %ne3A = arith.constant 0 : i32
      %ne3A_58 = arith.cmpi ne, %rem3A, %ne3A : i32
      %lt3A = arith.constant 0 : i32
      %lt3A_59 = arith.cmpi slt, %rem3A, %lt3A : i32
      %lt3A_60 = arith.constant 0 : i32
      %lt3A_61 = arith.cmpi slt, %select_n3A_57, %lt3A_60 : i32
      %ne3A_62 = arith.xori %lt3A_59, %lt3A_61 : i1
      %and3A = arith.andi %ne3A_62, %ne3A_58 : i1
      %add3A_63 = arith.addi %rem3A, %select_n3A_57 : i32
      %select_n3A_64 = arith.select %and3A, %add3A_63, %rem3A : i32
      %eq3A_65 = arith.constant 0 : i32
      %eq3A_66 = arith.cmpi eq, %select_n3A_64, %eq3A_65 : i32
      %convert_element_type3A = arith.extui %eq3A_66 : i1 to i32
      %cond3A = arith.constant 0 : i32
      %cond3A_67 = arith.cmpi ne, %convert_element_type3A, %cond3A : i32
      scf.if %cond3A_67 {
        %jit3A_68 = arith.constant 8 : i32
        %div3A = arith.divsi %scan3A_33, %jit3A_68 : i32
        %sign3A = arith.constant 0 : i32
        %sign3A_69 = arith.cmpi sgt, %scan3A_33, %sign3A : i32
        %sign3A_70 = arith.extui %sign3A_69 : i1 to i32
        %sign3A_71 = arith.constant 0 : i32
        %sign3A_72 = arith.cmpi slt, %scan3A_33, %sign3A_71 : i32
        %sign3A_73 = arith.extui %sign3A_72 : i1 to i32
        %sign3A_74 = arith.subi %sign3A_70, %sign3A_73 : i32
        %sign3A_75 = arith.constant 0 : i32
        %sign3A_76 = arith.cmpi sgt, %jit3A_68, %sign3A_75 : i32
        %sign3A_77 = arith.extui %sign3A_76 : i1 to i32
        %sign3A_78 = arith.constant 0 : i32
        %sign3A_79 = arith.cmpi slt, %jit3A_68, %sign3A_78 : i32
        %sign3A_80 = arith.extui %sign3A_79 : i1 to i32
        %sign3A_81 = arith.subi %sign3A_77, %sign3A_80 : i32
        %ne3A_82 = arith.cmpi ne, %sign3A_74, %sign3A_81 : i32
        %rem3A_83 = arith.remsi %scan3A_33, %jit3A_68 : i32
        %ne3A_84 = arith.constant 0 : i32
        %ne3A_85 = arith.cmpi ne, %rem3A_83, %ne3A_84 : i32
        %and3A_86 = arith.andi %ne3A_82, %ne3A_85 : i1
        %sub3A_87 = arith.constant 1 : i32
        %sub3A_88 = arith.subi %div3A, %sub3A_87 : i32
        %select_n3A_89 = arith.select %and3A_86, %sub3A_88, %div3A : i32
        %squeeze3A = vector.shape_cast %broadcast_in_dim3A_52 : vector<4096x1xi32> to vector<4096xi32>
        %mul3A_90 = arith.constant 16 : i32
        %mul3A_91 = vector.broadcast %mul3A_90 : i32 to vector<4096xi32>
        %mul3A_92 = arith.muli %squeeze3A, %mul3A_91 : vector<4096xi32>
        %add3A_93 = vector.broadcast %mul3A_25 : i32 to vector<4096xi32>
        %add3A_94 = arith.addi %add3A_93, %mul3A_92 : vector<4096xi32>
        %broadcast_in_dim3A_95 = vector.shape_cast %add3A_94 : vector<4096xi32> to vector<1x4096xi32>
        %swap3A_96 = arith.constant 0 : index
        %swap3A_97 = arith.index_cast %select_n3A_89 : i32 to index
        %swap3A_98 = arith.constant 0 : index
        %swap3A_99 = vector.load %arg4[%swap3A_96, %swap3A_97, %swap3A_98] : memref<1x16x4096xi32, #tpu.memory_space<vmem>>, vector<1x1x4096xi32>
        %swap3A_100 = vector.shape_cast %swap3A_99 : vector<1x1x4096xi32> to vector<1x4096xi32>
        %swap3A_101 = vector.shape_cast %broadcast_in_dim3A_95 : vector<1x4096xi32> to vector<1x1x4096xi32>
        tpu.vector_store %arg4[%swap3A_96, %swap3A_97, %swap3A_98], %swap3A_101 {strides = array<i32>} : memref<1x16x4096xi32, #tpu.memory_space<vmem>>, vector<1x1x4096xi32>,
      } else {
      }
      scf.yield %broadcast_in_dim3A_52 : vector<4096x1xi32>
    }
    %scan3A_32 = arith.constant 121 : i32
    return
  }
  func.func @transform_0(%arg0: i32, %arg1: i32) -> (i32, i32, i32) {
    %c0_i32 = arith.constant 0 : i32
    %c0_i32_0 = arith.constant 0 : i32
    return %arg0, %arg1, %c0_i32 : i32, i32, i32
  }
  func.func @transform_1(%arg0: i32, %arg1: i32) -> (i32, i32, i32) {
    %c0_i32 = arith.constant 0 : i32
    %c0_i32_0 = arith.constant 0 : i32
    %c0_i32_1 = arith.constant 0 : i32
    return %arg0, %c0_i32, %c0_i32_0 : i32, i32, i32
  }
  func.func @transform_2(%arg0: i32, %arg1: i32) -> (i32, i32, i32) {
    %c0_i32 = arith.constant 0 : i32
    %c0_i32_0 = arith.constant 0 : i32
    return %arg0, %c0_i32, %arg1 : i32, i32, i32
  }
}

module attributes {stable_mosaic.version = 14 : i64} {
  func.func @body(%arg0: i32, %arg1: i32, %arg2: memref<1x256x256xf32, #tpu.memory_space<vmem>>, %arg3: memref<1x256x16x256xf32, #tpu.memory_space<vmem>>, %arg4: memref<512x256xf32, #tpu.memory_space<vmem>>, %arg5: memref<1x256xf32, #tpu.memory_space<vmem>>, %arg6: memref<256x512xf32, #tpu.memory_space<vmem>>, %arg7: memref<1x512xf32, #tpu.memory_space<vmem>>, %arg8: memref<1x256x512xf32, #tpu.memory_space<vmem>>) attributes {dimension_semantics = [#tpu.dimension_semantics<arbitrary>, #tpu.dimension_semantics<arbitrary>], iteration_bounds = array<i64: 2, 16>, scalar_prefetch = 0 : i64, scratch_operands = 0 : i64, tpu.core_type = #tpu.core_type<tc>, window_params = [{transform_indices = @transform_0, window_bounds = array<i64: 1, 256, 256>}, {transform_indices = @transform_1, window_bounds = array<i64: 1, 256, 16, 256>}, {pipeline_mode = #tpu.pipeline_mode<synchronous>, transform_indices = @transform_2, window_bounds = array<i64: 512, 256>}, {pipeline_mode = #tpu.pipeline_mode<synchronous>, transform_indices = @transform_3, window_bounds = array<i64: 1, 256>}, {pipeline_mode = #tpu.pipeline_mode<synchronous>, transform_indices = @transform_4, window_bounds = array<i64: 256, 512>}, {pipeline_mode = #tpu.pipeline_mode<synchronous>, transform_indices = @transform_5, window_bounds = array<i64: 1, 512>}, {transform_indices = @transform_6, window_bounds = array<i64: 1, 256, 512>}]} {
    %get3A = arith.constant 0 : index
    %get3A_0 = arith.constant 0 : index
    %get3A_1 = arith.constant 0 : index
    %get3A_2 = vector.load %arg2[%get3A, %get3A_0, %get3A_1] : memref<1x256x256xf32, #tpu.memory_space<vmem>>, vector<1x256x256xf32>
    %get3A_3 = vector.shape_cast %get3A_2 : vector<1x256x256xf32> to vector<256x256xf32>
    %broadcast_in_dim3A = vector.shape_cast %get3A_3 : vector<256x256xf32> to vector<256x1x256xf32>
    %broadcast_in_dim3A_4 = vector.shape_cast %broadcast_in_dim3A : vector<256x1x256xf32> to vector<256x1x256xf32>
    %broadcast_in_dim3A_5 = vector.broadcast %broadcast_in_dim3A_4 : vector<256x1x256xf32> to vector<256x16x256xf32>
    %reshape3A = vector.shape_cast %broadcast_in_dim3A_5 : vector<256x16x256xf32> to vector<4096x256xf32>
    %get3A_6 = arith.constant 0 : index
    %get3A_7 = arith.constant 0 : index
    %get3A_8 = arith.constant 0 : index
    %get3A_9 = arith.constant 0 : index
    %get3A_10 = vector.load %arg3[%get3A_6, %get3A_7, %get3A_8, %get3A_9] : memref<1x256x16x256xf32, #tpu.memory_space<vmem>>, vector<1x256x16x256xf32>
    %get3A_11 = vector.shape_cast %get3A_10 : vector<1x256x16x256xf32> to vector<256x16x256xf32>
    %reshape3A_12 = vector.shape_cast %get3A_11 : vector<256x16x256xf32> to vector<4096x256xf32>
    %sub3A = arith.subf %reshape3A_12, %reshape3A : vector<4096x256xf32>
    %concatenate3A = tpu.concatenate %reshape3A, %sub3A in 1 : vector<4096x256xf32>, vector<4096x256xf32> -> vector<4096x512xf32>
    %get3A_13 = arith.constant 0 : index
    %get3A_14 = arith.constant 0 : index
    %get3A_15 = vector.load %arg4[%get3A_13, %get3A_14] : memref<512x256xf32, #tpu.memory_space<vmem>>, vector<512x256xf32>
    %dot_general3A = arith.constant dense<0.000000e+00> : vector<4096x256xf32>
    %dot_general3A_16 = tpu.matmul %concatenate3A, %get3A_15, %dot_general3A {dimension_numbers = #tpu.dot_dimension_numbers<[1], [0], [0], [1], [0, 0, 1, 1], [], []>, transpose_lhs_hint = false} : vector<4096x512xf32>, vector<512x256xf32>, vector<4096x256xf32> -> vector<4096x256xf32>
    %get3A_17 = arith.constant 0 : index
    %get3A_18 = arith.constant 0 : index
    %get3A_19 = vector.load %arg5[%get3A_17, %get3A_18] : memref<1x256xf32, #tpu.memory_space<vmem>>, vector<1x256xf32>
    %add3A = vector.broadcast %get3A_19 : vector<1x256xf32> to vector<4096x256xf32>
    %add3A_20 = arith.addf %dot_general3A_16, %add3A : vector<4096x256xf32>
    %ge3A = arith.constant 0.000000e+00 : f32
    %ge3A_21 = vector.broadcast %ge3A : f32 to vector<4096x256xf32>
    %ge3A_22 = arith.cmpf oge, %add3A_20, %ge3A_21 : vector<4096x256xf32>
    %mul3A = arith.constant 2.000000e-01 : f32
    %mul3A_23 = vector.broadcast %mul3A : f32 to vector<4096x256xf32>
    %mul3A_24 = arith.mulf %mul3A_23, %add3A_20 : vector<4096x256xf32>
    %select_n3A = arith.select %ge3A_22, %add3A_20, %mul3A_24 : vector<4096x256xi1>, vector<4096x256xf32>
    %get3A_25 = arith.constant 0 : index
    %get3A_26 = arith.constant 0 : index
    %get3A_27 = vector.load %arg6[%get3A_25, %get3A_26] : memref<256x512xf32, #tpu.memory_space<vmem>>, vector<256x512xf32>
    %dot_general3A_28 = arith.constant dense<0.000000e+00> : vector<4096x512xf32>
    %dot_general3A_29 = tpu.matmul %select_n3A, %get3A_27, %dot_general3A_28 {dimension_numbers = #tpu.dot_dimension_numbers<[1], [0], [0], [1], [0, 0, 1, 1], [], []>, transpose_lhs_hint = false} : vector<4096x256xf32>, vector<256x512xf32>, vector<4096x512xf32> -> vector<4096x512xf32>
    %get3A_30 = arith.constant 0 : index
    %get3A_31 = arith.constant 0 : index
    %get3A_32 = vector.load %arg7[%get3A_30, %get3A_31] : memref<1x512xf32, #tpu.memory_space<vmem>>, vector<1x512xf32>
    %add3A_33 = vector.broadcast %get3A_32 : vector<1x512xf32> to vector<4096x512xf32>
    %add3A_34 = arith.addf %dot_general3A_29, %add3A_33 : vector<4096x512xf32>
    %ge3A_35 = arith.constant 0.000000e+00 : f32
    %ge3A_36 = vector.broadcast %ge3A_35 : f32 to vector<4096x512xf32>
    %ge3A_37 = arith.cmpf oge, %add3A_34, %ge3A_36 : vector<4096x512xf32>
    %mul3A_38 = arith.constant 2.000000e-01 : f32
    %mul3A_39 = vector.broadcast %mul3A_38 : f32 to vector<4096x512xf32>
    %mul3A_40 = arith.mulf %mul3A_39, %add3A_34 : vector<4096x512xf32>
    %select_n3A_41 = arith.select %ge3A_37, %add3A_34, %mul3A_40 : vector<4096x512xi1>, vector<4096x512xf32>
    %reshape3A_42 = vector.shape_cast %select_n3A_41 : vector<4096x512xf32> to vector<256x16x512xf32>
    %reduce_max3A = arith.constant dense<0xFF800000> : vector<256x512xf32>
    %reduce_max3A_43 = vector.multi_reduction <maximumf>, %reshape3A_42, %reduce_max3A [1] : vector<256x16x512xf32> to vector<256x512xf32>
    %swap3A = arith.constant 0 : index
    %swap3A_44 = arith.constant 0 : index
    %swap3A_45 = arith.constant 0 : index
    %swap3A_46 = vector.load %arg8[%swap3A, %swap3A_44, %swap3A_45] : memref<1x256x512xf32, #tpu.memory_space<vmem>>, vector<1x256x512xf32>
    %swap3A_47 = vector.shape_cast %swap3A_46 : vector<1x256x512xf32> to vector<256x512xf32>
    %swap3A_48 = vector.shape_cast %reduce_max3A_43 : vector<256x512xf32> to vector<1x256x512xf32>
    tpu.vector_store %arg8[%swap3A, %swap3A_44, %swap3A_45], %swap3A_48 {strides = array<i32>} : memref<1x256x512xf32, #tpu.memory_space<vmem>>, vector<1x256x512xf32>,
    return
  }
  func.func @transform_0(%arg0: i32, %arg1: i32) -> (i32, i32, i32) {
    %c0_i32 = arith.constant 0 : i32
    %c0_i32_0 = arith.constant 0 : i32
    return %arg0, %arg1, %c0_i32 : i32, i32, i32
  }
  func.func @transform_1(%arg0: i32, %arg1: i32) -> (i32, i32, i32, i32) {
    %c0_i32 = arith.constant 0 : i32
    %c0_i32_0 = arith.constant 0 : i32
    %c0_i32_1 = arith.constant 0 : i32
    return %arg0, %arg1, %c0_i32, %c0_i32_0 : i32, i32, i32, i32
  }
  func.func @transform_2(%arg0: i32, %arg1: i32) -> (i32, i32) {
    %c0_i32 = arith.constant 0 : i32
    %c0_i32_0 = arith.constant 0 : i32
    %c0_i32_1 = arith.constant 0 : i32
    return %c0_i32, %c0_i32_0 : i32, i32
  }
  func.func @transform_3(%arg0: i32, %arg1: i32) -> (i32, i32) {
    %c0_i32 = arith.constant 0 : i32
    %c0_i32_0 = arith.constant 0 : i32
    %c0_i32_1 = arith.constant 0 : i32
    return %c0_i32, %c0_i32_0 : i32, i32
  }
  func.func @transform_4(%arg0: i32, %arg1: i32) -> (i32, i32) {
    %c0_i32 = arith.constant 0 : i32
    %c0_i32_0 = arith.constant 0 : i32
    %c0_i32_1 = arith.constant 0 : i32
    return %c0_i32, %c0_i32_0 : i32, i32
  }
  func.func @transform_5(%arg0: i32, %arg1: i32) -> (i32, i32) {
    %c0_i32 = arith.constant 0 : i32
    %c0_i32_0 = arith.constant 0 : i32
    %c0_i32_1 = arith.constant 0 : i32
    return %c0_i32, %c0_i32_0 : i32, i32
  }
  func.func @transform_6(%arg0: i32, %arg1: i32) -> (i32, i32, i32) {
    %c0_i32 = arith.constant 0 : i32
    %c0_i32_0 = arith.constant 0 : i32
    return %arg0, %arg1, %c0_i32 : i32, i32, i32
  }
}

module attributes {stable_mosaic.version = 14 : i64} {
  func.func @body(%arg0: i32, %arg1: i32, %arg2: memref<1x256x512xf32, #tpu.memory_space<vmem>>, %arg3: memref<1x512xf32, #tpu.memory_space<vmem>>, %arg4: memref<1x1xf32, #tpu.memory_space<vmem>>, %arg5: memref<512x512xf32, #tpu.memory_space<vmem>>, %arg6: memref<1x512xf32, #tpu.memory_space<vmem>>, %arg7: memref<512x512xf32, #tpu.memory_space<vmem>>, %arg8: memref<1x512xf32, #tpu.memory_space<vmem>>, %arg9: memref<512x256xf32, #tpu.memory_space<vmem>>, %arg10: memref<1x256xf32, #tpu.memory_space<vmem>>, %arg11: memref<256x256xf32, #tpu.memory_space<vmem>>, %arg12: memref<1x256xf32, #tpu.memory_space<vmem>>, %arg13: memref<512x256xf32, #tpu.memory_space<vmem>>, %arg14: memref<1x256xf32, #tpu.memory_space<vmem>>, %arg15: memref<256x17xf32, #tpu.memory_space<vmem>>, %arg16: memref<1x17xf32, #tpu.memory_space<vmem>>, %arg17: memref<1x256x17xf32, #tpu.memory_space<vmem>>) attributes {dimension_semantics = [#tpu.dimension_semantics<arbitrary>, #tpu.dimension_semantics<arbitrary>], iteration_bounds = array<i64: 2, 16>, scalar_prefetch = 0 : i64, scratch_operands = 0 : i64, tpu.core_type = #tpu.core_type<tc>, window_params = [{transform_indices = @transform_0, window_bounds = array<i64: 1, 256, 512>}, {pipeline_mode = #tpu.pipeline_mode<synchronous>, transform_indices = @transform_1, window_bounds = array<i64: 1, 512>}, {pipeline_mode = #tpu.pipeline_mode<synchronous>, transform_indices = @transform_2, window_bounds = array<i64: 1, 1>}, {pipeline_mode = #tpu.pipeline_mode<synchronous>, transform_indices = @transform_3, window_bounds = array<i64: 512, 512>}, {pipeline_mode = #tpu.pipeline_mode<synchronous>, transform_indices = @transform_4, window_bounds = array<i64: 1, 512>}, {pipeline_mode = #tpu.pipeline_mode<synchronous>, transform_indices = @transform_5, window_bounds = array<i64: 512, 512>}, {pipeline_mode = #tpu.pipeline_mode<synchronous>, transform_indices = @transform_6, window_bounds = array<i64: 1, 512>}, {pipeline_mode = #tpu.pipeline_mode<synchronous>, transform_indices = @transform_7, window_bounds = array<i64: 512, 256>}, {pipeline_mode = #tpu.pipeline_mode<synchronous>, transform_indices = @transform_8, window_bounds = array<i64: 1, 256>}, {pipeline_mode = #tpu.pipeline_mode<synchronous>, transform_indices = @transform_9, window_bounds = array<i64: 256, 256>}, {pipeline_mode = #tpu.pipeline_mode<synchronous>, transform_indices = @transform_10, window_bounds = array<i64: 1, 256>}, {pipeline_mode = #tpu.pipeline_mode<synchronous>, transform_indices = @transform_11, window_bounds = array<i64: 512, 256>}, {pipeline_mode = #tpu.pipeline_mode<synchronous>, transform_indices = @transform_12, window_bounds = array<i64: 1, 256>}, {pipeline_mode = #tpu.pipeline_mode<synchronous>, transform_indices = @transform_13, window_bounds = array<i64: 256, 17>}, {pipeline_mode = #tpu.pipeline_mode<synchronous>, transform_indices = @transform_14, window_bounds = array<i64: 1, 17>}, {transform_indices = @transform_15, window_bounds = array<i64: 1, 256, 17>}]} {
    %get3A = arith.constant 0 : index
    %get3A_0 = arith.constant 0 : index
    %get3A_1 = arith.constant 0 : index
    %get3A_2 = vector.load %arg2[%get3A, %get3A_0, %get3A_1] : memref<1x256x512xf32, #tpu.memory_space<vmem>>, vector<1x256x512xf32>
    %get3A_3 = vector.shape_cast %get3A_2 : vector<1x256x512xf32> to vector<256x512xf32>
    %get3A_4 = arith.constant 0 : index
    %get3A_5 = arith.constant 0 : index
    %get3A_6 = vector.load %arg3[%get3A_4, %get3A_5] : memref<1x512xf32, #tpu.memory_space<vmem>>, vector<1x512xf32>
    %mul3A = vector.broadcast %get3A_6 : vector<1x512xf32> to vector<256x512xf32>
    %mul3A_7 = arith.mulf %get3A_3, %mul3A : vector<256x512xf32>
    %reduce_sum3A = arith.constant dense<0.000000e+00> : vector<256xf32>
    %reduce_sum3A_8 = vector.multi_reduction <add>, %mul3A_7, %reduce_sum3A [1] : vector<256x512xf32> to vector<256xf32>
    %broadcast_in_dim3A = vector.shape_cast %reduce_sum3A_8 : vector<256xf32> to vector<256x1xf32>
    %get3A_9 = arith.constant 0 : index
    %get3A_10 = arith.constant 0 : index
    %get3A_11 = vector.load %arg4[%get3A_9, %get3A_10] : memref<1x1xf32, #tpu.memory_space<vmem>>, vector<1x1xf32>
    %add3A = vector.broadcast %get3A_11 : vector<1x1xf32> to vector<256x1xf32>
    %add3A_12 = arith.addf %broadcast_in_dim3A, %add3A : vector<256x1xf32>
    %neg3A = arith.constant 0.000000e+00 : f32
    %neg3A_13 = vector.broadcast %neg3A : f32 to vector<256x1xf32>
    %neg3A_14 = arith.subf %neg3A_13, %add3A_12 : vector<256x1xf32>
    %exp3A = math.exp %neg3A_14 : vector<256x1xf32>
    %add3A_15 = arith.constant 1.000000e+00 : f32
    %add3A_16 = vector.broadcast %add3A_15 : f32 to vector<256x1xf32>
    %add3A_17 = arith.addf %add3A_16, %exp3A : vector<256x1xf32>
    %div3A = arith.constant 1.000000e+00 : f32
    %div3A_18 = vector.broadcast %div3A : f32 to vector<256x1xf32>
    %div3A_19 = arith.divf %div3A_18, %add3A_17 : vector<256x1xf32>
    %mul3A_20 = vector.broadcast %div3A_19 : vector<256x1xf32> to vector<256x512xf32>
    %mul3A_21 = arith.mulf %get3A_3, %mul3A_20 : vector<256x512xf32>
    %get3A_22 = arith.constant 0 : index
    %get3A_23 = arith.constant 0 : index
    %get3A_24 = vector.load %arg5[%get3A_22, %get3A_23] : memref<512x512xf32, #tpu.memory_space<vmem>>, vector<512x512xf32>
    %dot_general3A = arith.constant dense<0.000000e+00> : vector<256x512xf32>
    %dot_general3A_25 = tpu.matmul %mul3A_21, %get3A_24, %dot_general3A {dimension_numbers = #tpu.dot_dimension_numbers<[1], [0], [0], [1], [0, 0, 1, 1], [], []>, transpose_lhs_hint = false} : vector<256x512xf32>, vector<512x512xf32>, vector<256x512xf32> -> vector<256x512xf32>
    %get3A_26 = arith.constant 0 : index
    %get3A_27 = arith.constant 0 : index
    %get3A_28 = vector.load %arg6[%get3A_26, %get3A_27] : memref<1x512xf32, #tpu.memory_space<vmem>>, vector<1x512xf32>
    %add3A_29 = vector.broadcast %get3A_28 : vector<1x512xf32> to vector<256x512xf32>
    %add3A_30 = arith.addf %dot_general3A_25, %add3A_29 : vector<256x512xf32>
    %ge3A = arith.constant 0.000000e+00 : f32
    %ge3A_31 = vector.broadcast %ge3A : f32 to vector<256x512xf32>
    %ge3A_32 = arith.cmpf oge, %add3A_30, %ge3A_31 : vector<256x512xf32>
    %mul3A_33 = arith.constant 2.000000e-01 : f32
    %mul3A_34 = vector.broadcast %mul3A_33 : f32 to vector<256x512xf32>
    %mul3A_35 = arith.mulf %mul3A_34, %add3A_30 : vector<256x512xf32>
    %select_n3A = arith.select %ge3A_32, %add3A_30, %mul3A_35 : vector<256x512xi1>, vector<256x512xf32>
    %get3A_36 = arith.constant 0 : index
    %get3A_37 = arith.constant 0 : index
    %get3A_38 = vector.load %arg7[%get3A_36, %get3A_37] : memref<512x512xf32, #tpu.memory_space<vmem>>, vector<512x512xf32>
    %dot_general3A_39 = arith.constant dense<0.000000e+00> : vector<256x512xf32>
    %dot_general3A_40 = tpu.matmul %select_n3A, %get3A_38, %dot_general3A_39 {dimension_numbers = #tpu.dot_dimension_numbers<[1], [0], [0], [1], [0, 0, 1, 1], [], []>, transpose_lhs_hint = false} : vector<256x512xf32>, vector<512x512xf32>, vector<256x512xf32> -> vector<256x512xf32>
    %get3A_41 = arith.constant 0 : index
    %get3A_42 = arith.constant 0 : index
    %get3A_43 = vector.load %arg8[%get3A_41, %get3A_42] : memref<1x512xf32, #tpu.memory_space<vmem>>, vector<1x512xf32>
    %add3A_44 = vector.broadcast %get3A_43 : vector<1x512xf32> to vector<256x512xf32>
    %add3A_45 = arith.addf %dot_general3A_40, %add3A_44 : vector<256x512xf32>
    %ge3A_46 = arith.constant 0.000000e+00 : f32
    %ge3A_47 = vector.broadcast %ge3A_46 : f32 to vector<256x512xf32>
    %ge3A_48 = arith.cmpf oge, %add3A_45, %ge3A_47 : vector<256x512xf32>
    %mul3A_49 = arith.constant 2.000000e-01 : f32
    %mul3A_50 = vector.broadcast %mul3A_49 : f32 to vector<256x512xf32>
    %mul3A_51 = arith.mulf %mul3A_50, %add3A_45 : vector<256x512xf32>
    %select_n3A_52 = arith.select %ge3A_48, %add3A_45, %mul3A_51 : vector<256x512xi1>, vector<256x512xf32>
    %add3A_53 = arith.addf %select_n3A_52, %mul3A_21 : vector<256x512xf32>
    %get3A_54 = arith.constant 0 : index
    %get3A_55 = arith.constant 0 : index
    %get3A_56 = vector.load %arg9[%get3A_54, %get3A_55] : memref<512x256xf32, #tpu.memory_space<vmem>>, vector<512x256xf32>
    %dot_general3A_57 = arith.constant dense<0.000000e+00> : vector<256x256xf32>
    %dot_general3A_58 = tpu.matmul %add3A_53, %get3A_56, %dot_general3A_57 {dimension_numbers = #tpu.dot_dimension_numbers<[1], [0], [0], [1], [0, 0, 1, 1], [], []>, transpose_lhs_hint = false} : vector<256x512xf32>, vector<512x256xf32>, vector<256x256xf32> -> vector<256x256xf32>
    %get3A_59 = arith.constant 0 : index
    %get3A_60 = arith.constant 0 : index
    %get3A_61 = vector.load %arg10[%get3A_59, %get3A_60] : memref<1x256xf32, #tpu.memory_space<vmem>>, vector<1x256xf32>
    %add3A_62 = vector.broadcast %get3A_61 : vector<1x256xf32> to vector<256x256xf32>
    %add3A_63 = arith.addf %dot_general3A_58, %add3A_62 : vector<256x256xf32>
    %ge3A_64 = arith.constant 0.000000e+00 : f32
    %ge3A_65 = vector.broadcast %ge3A_64 : f32 to vector<256x256xf32>
    %ge3A_66 = arith.cmpf oge, %add3A_63, %ge3A_65 : vector<256x256xf32>
    %mul3A_67 = arith.constant 2.000000e-01 : f32
    %mul3A_68 = vector.broadcast %mul3A_67 : f32 to vector<256x256xf32>
    %mul3A_69 = arith.mulf %mul3A_68, %add3A_63 : vector<256x256xf32>
    %select_n3A_70 = arith.select %ge3A_66, %add3A_63, %mul3A_69 : vector<256x256xi1>, vector<256x256xf32>
    %get3A_71 = arith.constant 0 : index
    %get3A_72 = arith.constant 0 : index
    %get3A_73 = vector.load %arg11[%get3A_71, %get3A_72] : memref<256x256xf32, #tpu.memory_space<vmem>>, vector<256x256xf32>
    %dot_general3A_74 = arith.constant dense<0.000000e+00> : vector<256x256xf32>
    %dot_general3A_75 = tpu.matmul %select_n3A_70, %get3A_73, %dot_general3A_74 {dimension_numbers = #tpu.dot_dimension_numbers<[1], [0], [0], [1], [0, 0, 1, 1], [], []>, transpose_lhs_hint = false} : vector<256x256xf32>, vector<256x256xf32>, vector<256x256xf32> -> vector<256x256xf32>
    %get3A_76 = arith.constant 0 : index
    %get3A_77 = arith.constant 0 : index
    %get3A_78 = vector.load %arg12[%get3A_76, %get3A_77] : memref<1x256xf32, #tpu.memory_space<vmem>>, vector<1x256xf32>
    %add3A_79 = vector.broadcast %get3A_78 : vector<1x256xf32> to vector<256x256xf32>
    %add3A_80 = arith.addf %dot_general3A_75, %add3A_79 : vector<256x256xf32>
    %ge3A_81 = arith.constant 0.000000e+00 : f32
    %ge3A_82 = vector.broadcast %ge3A_81 : f32 to vector<256x256xf32>
    %ge3A_83 = arith.cmpf oge, %add3A_80, %ge3A_82 : vector<256x256xf32>
    %mul3A_84 = arith.constant 2.000000e-01 : f32
    %mul3A_85 = vector.broadcast %mul3A_84 : f32 to vector<256x256xf32>
    %mul3A_86 = arith.mulf %mul3A_85, %add3A_80 : vector<256x256xf32>
    %select_n3A_87 = arith.select %ge3A_83, %add3A_80, %mul3A_86 : vector<256x256xi1>, vector<256x256xf32>
    %get3A_88 = arith.constant 0 : index
    %get3A_89 = arith.constant 0 : index
    %get3A_90 = vector.load %arg13[%get3A_88, %get3A_89] : memref<512x256xf32, #tpu.memory_space<vmem>>, vector<512x256xf32>
    %dot_general3A_91 = arith.constant dense<0.000000e+00> : vector<256x256xf32>
    %dot_general3A_92 = tpu.matmul %add3A_53, %get3A_90, %dot_general3A_91 {dimension_numbers = #tpu.dot_dimension_numbers<[1], [0], [0], [1], [0, 0, 1, 1], [], []>, transpose_lhs_hint = false} : vector<256x512xf32>, vector<512x256xf32>, vector<256x256xf32> -> vector<256x256xf32>
    %add3A_93 = arith.addf %select_n3A_87, %dot_general3A_92 : vector<256x256xf32>
    %get3A_94 = arith.constant 0 : index
    %get3A_95 = arith.constant 0 : index
    %get3A_96 = vector.load %arg14[%get3A_94, %get3A_95] : memref<1x256xf32, #tpu.memory_space<vmem>>, vector<1x256xf32>
    %add3A_97 = vector.broadcast %get3A_96 : vector<1x256xf32> to vector<256x256xf32>
    %add3A_98 = arith.addf %add3A_93, %add3A_97 : vector<256x256xf32>
    %get3A_99 = arith.constant 0 : index
    %get3A_100 = arith.constant 0 : index
    %get3A_101 = vector.load %arg15[%get3A_99, %get3A_100] : memref<256x17xf32, #tpu.memory_space<vmem>>, vector<256x17xf32>
    %dot_general3A_102 = arith.constant dense<0.000000e+00> : vector<256x17xf32>
    %dot_general3A_103 = tpu.matmul %add3A_98, %get3A_101, %dot_general3A_102 {dimension_numbers = #tpu.dot_dimension_numbers<[1], [0], [0], [1], [0, 0, 1, 1], [], []>, transpose_lhs_hint = false} : vector<256x256xf32>, vector<256x17xf32>, vector<256x17xf32> -> vector<256x17xf32>
    %get3A_104 = arith.constant 0 : index
    %get3A_105 = arith.constant 0 : index
    %get3A_106 = vector.load %arg16[%get3A_104, %get3A_105] : memref<1x17xf32, #tpu.memory_space<vmem>>, vector<1x17xf32>
    %add3A_107 = vector.broadcast %get3A_106 : vector<1x17xf32> to vector<256x17xf32>
    %add3A_108 = arith.addf %dot_general3A_103, %add3A_107 : vector<256x17xf32>
    %swap3A = arith.constant 0 : index
    %swap3A_109 = arith.constant 0 : index
    %swap3A_110 = arith.constant 0 : index
    %swap3A_111 = vector.load %arg17[%swap3A, %swap3A_109, %swap3A_110] : memref<1x256x17xf32, #tpu.memory_space<vmem>>, vector<1x256x17xf32>
    %swap3A_112 = vector.shape_cast %swap3A_111 : vector<1x256x17xf32> to vector<256x17xf32>
    %swap3A_113 = vector.shape_cast %add3A_108 : vector<256x17xf32> to vector<1x256x17xf32>
    tpu.vector_store %arg17[%swap3A, %swap3A_109, %swap3A_110], %swap3A_113 {strides = array<i32>} : memref<1x256x17xf32, #tpu.memory_space<vmem>>, vector<1x256x17xf32>,
    return
  }
  func.func @transform_0(%arg0: i32, %arg1: i32) -> (i32, i32, i32) {
    %c0_i32 = arith.constant 0 : i32
    %c0_i32_0 = arith.constant 0 : i32
    return %arg0, %arg1, %c0_i32 : i32, i32, i32
  }
  func.func @transform_1(%arg0: i32, %arg1: i32) -> (i32, i32) {
    %c0_i32 = arith.constant 0 : i32
    %c0_i32_0 = arith.constant 0 : i32
    %c0_i32_1 = arith.constant 0 : i32
    return %c0_i32, %c0_i32_0 : i32, i32
  }
  func.func @transform_2(%arg0: i32, %arg1: i32) -> (i32, i32) {
    %c0_i32 = arith.constant 0 : i32
    %c0_i32_0 = arith.constant 0 : i32
    %c0_i32_1 = arith.constant 0 : i32
    return %c0_i32, %c0_i32_0 : i32, i32
  }
  func.func @transform_3(%arg0: i32, %arg1: i32) -> (i32, i32) {
    %c0_i32 = arith.constant 0 : i32
    %c0_i32_0 = arith.constant 0 : i32
    %c0_i32_1 = arith.constant 0 : i32
    return %c0_i32, %c0_i32_0 : i32, i32
  }
  func.func @transform_4(%arg0: i32, %arg1: i32) -> (i32, i32) {
    %c0_i32 = arith.constant 0 : i32
    %c0_i32_0 = arith.constant 0 : i32
    %c0_i32_1 = arith.constant 0 : i32
    return %c0_i32, %c0_i32_0 : i32, i32
  }
  func.func @transform_5(%arg0: i32, %arg1: i32) -> (i32, i32) {
    %c0_i32 = arith.constant 0 : i32
    %c0_i32_0 = arith.constant 0 : i32
    %c0_i32_1 = arith.constant 0 : i32
    return %c0_i32, %c0_i32_0 : i32, i32
  }
  func.func @transform_6(%arg0: i32, %arg1: i32) -> (i32, i32) {
    %c0_i32 = arith.constant 0 : i32
    %c0_i32_0 = arith.constant 0 : i32
    %c0_i32_1 = arith.constant 0 : i32
    return %c0_i32, %c0_i32_0 : i32, i32
  }
  func.func @transform_7(%arg0: i32, %arg1: i32) -> (i32, i32) {
    %c0_i32 = arith.constant 0 : i32
    %c0_i32_0 = arith.constant 0 : i32
    %c0_i32_1 = arith.constant 0 : i32
    return %c0_i32, %c0_i32_0 : i32, i32
  }
  func.func @transform_8(%arg0: i32, %arg1: i32) -> (i32, i32) {
    %c0_i32 = arith.constant 0 : i32
    %c0_i32_0 = arith.constant 0 : i32
    %c0_i32_1 = arith.constant 0 : i32
    return %c0_i32, %c0_i32_0 : i32, i32
  }
  func.func @transform_9(%arg0: i32, %arg1: i32) -> (i32, i32) {
    %c0_i32 = arith.constant 0 : i32
    %c0_i32_0 = arith.constant 0 : i32
    %c0_i32_1 = arith.constant 0 : i32
    return %c0_i32, %c0_i32_0 : i32, i32
  }
  func.func @transform_10(%arg0: i32, %arg1: i32) -> (i32, i32) {
    %c0_i32 = arith.constant 0 : i32
    %c0_i32_0 = arith.constant 0 : i32
    %c0_i32_1 = arith.constant 0 : i32
    return %c0_i32, %c0_i32_0 : i32, i32
  }
  func.func @transform_11(%arg0: i32, %arg1: i32) -> (i32, i32) {
    %c0_i32 = arith.constant 0 : i32
    %c0_i32_0 = arith.constant 0 : i32
    %c0_i32_1 = arith.constant 0 : i32
    return %c0_i32, %c0_i32_0 : i32, i32
  }
  func.func @transform_12(%arg0: i32, %arg1: i32) -> (i32, i32) {
    %c0_i32 = arith.constant 0 : i32
    %c0_i32_0 = arith.constant 0 : i32
    %c0_i32_1 = arith.constant 0 : i32
    return %c0_i32, %c0_i32_0 : i32, i32
  }
  func.func @transform_13(%arg0: i32, %arg1: i32) -> (i32, i32) {
    %c0_i32 = arith.constant 0 : i32
    %c0_i32_0 = arith.constant 0 : i32
    %c0_i32_1 = arith.constant 0 : i32
    return %c0_i32, %c0_i32_0 : i32, i32
  }
  func.func @transform_14(%arg0: i32, %arg1: i32) -> (i32, i32) {
    %c0_i32 = arith.constant 0 : i32
    %c0_i32_0 = arith.constant 0 : i32
    %c0_i32_1 = arith.constant 0 : i32
    return %c0_i32, %c0_i32_0 : i32, i32
  }
  func.func @transform_15(%arg0: i32, %arg1: i32) -> (i32, i32, i32) {
    %c0_i32 = arith.constant 0 : i32
    %c0_i32_0 = arith.constant 0 : i32
    return %arg0, %arg1, %c0_i32 : i32, i32, i32
  }
}

</mosaic_0001>

<sc_bundles>
// kernel: kernel.18.cloned.1.call-start
scs
__scs_entry_jumppad:
0x0: {  	(pc) =	sbr.rel $0x88, $3  }
0x1: {  	(tag) =	ssettag $0x0;
	lr =	simm.s32 $0x1  }
0x2: {  	[smem:$0x3F75] =	sst lr;
	_ =	strace $0xD0000000  }
0x3: {  	_ = 	snop  }
0x4: {  	_ = 	snop  }
0x5: {  	_ = 	snop  }
0x6: {  	_ = 	snop  }
0x7: {  	_ = 	snop  }
__scs_overlays_trampoline_lowered:
0x8: {  	[smem:$0x3F84] =	sst s0  }
0x9: {  	[smem:$0x3F85] =	sst s1  }
0xa: {  	[smem:$0x3F86] =	sst s2  }
0xb: {  	[smem:$0x3F87] =	sst s3  }
0xc: {  	[smem:$0x3F88] =	sst s4  }
0xd: {  	[smem:$0x3F89] =	sst s5  }
0xe: {  	[smem:$0x3F8A] =	sst s6  }
0xf: {  	[smem:$0x3F8B] =	sst s7  }
0x10: {  	[smem:$0x3F8C] =	sst s8  }
0x11: {  	[smem:$0x3F8D] =	sst s9;
	s0 =	simm.s32 @!p0 $0x0  }
0x12: {  	s1 =	sld [smem:$0x3F73];
	s0 =	simm.s32 @p0 $0x1  }
0x13: {  	[smem:$0x3F8E] =	sst s0;
	s0 =	simm.s32 @!p1 $0x0  }
0x14: {  	s2 =	sld [smem:$0x3F72];
	s0 =	simm.s32 @p1 $0x1  }
0x15: {  	[smem:$0x3F8F] =	sst s0;
	s0 =	simm.s32 @!p2 $0x0  }
0x16: {  	s3 =	sld [smem:$0x3FDB];
	s0 =	simm.s32 @p2 $0x1  }
0x17: {  	s4 =	simm.s32 $0x1BF5;
	[smem:$0x3F91] =	sst s0  }
0x18: {  	s0 =	sld [smem:$0x3F74];
	_ =	swait.ge [sflag:s4], $0x0  }
0x19: {  	s7 =	sld [smem:$0x3F75]  }
0x1a: {  	s8 =	sadd.s32 $0xFFFFE003, lr  }
0x1b: {  	s9 =	sadd.s32 $0xFFFFFEF7, lr;
	s5 =	simm.s32 $0xFFFFFFFF;
	p2 =	slt.u32 s8, $0xFFFFF086  }
0x1c: {  	p1 =	slt.u32 s9, $0xF7A;
	s5 =	simm.s32 @!p2 $0x0  }
0x1d: {  	s5 =	simm.s32 @p1 $0x1;
	p0 =	seq.s32 s7, s2  }
0x1e: {  	s7 =	smul.u32 @!p0 $0xF7A, s2;
	p2 =	seq.s32 @!p0 s5, $0x0  }
0x1f: {  	s9 =	smul.u32 $0xF7A, s1;
	s8 =	simm.s32 @!p0 $0x1BF5;
	p2 =	por !p2, p0  }
0x20: {  	[sflag:s8] =	ssyncset.s32 @!p0 $0xFFFFF086;
	s6 =	sadd.s32 @!p0 s3, s7;
	s7 =	simm.s32 @!p0 $0x108  }
0x21: {  	s3 =	sadd.s32 s3, s9;
	s6 =	sadd.s32 @!p0 $0x88, s6;
	s7 =	simm.s32 @p2 $0x1082  }
0x22: {  	[simem:s7], [sflag:s8] =	dma.local @!p0 [hbm:s6], $0xF7A  }
0x23: {  	s9 =	sor.u32 $0xD0000000, s2;
	s6 =	simm.s32 $0x108;
	_ =	swait.ge @!p0 [sflag:s8], $0x0  }
0x24: {  	s3 =	sadd.s32 $0x88, s3;
	s6 =	simm.s32 @!p1 $0x1082;
	[sflag:s4] =	ssyncset.s32 $0xFFFFF086  }
0x25: {  	[simem:s6], [sflag:s4] =	dma.local [hbm:s3], $0xF7A  }
0x26: {  	[smem:$0x3F75] =	sst s1;
	(tag) =	ssettag s2;
	_ =	strace s9  }
0x27: {  	s1 =	sld [smem:$0x3F85]  }
0x28: {  	s2 =	sld [smem:$0x3F86]  }
0x29: {  	s4 =	sld [smem:$0x3F88]  }
0x2a: {  	p0 =	seq.s32 s5, $0x0;
	s5 =	sld [smem:$0x3F89]  }
0x2b: {  	s6 =	sld [smem:$0x3F8A]  }
0x2c: {  	s7 =	sld [smem:$0x3F8B]  }
0x2d: {  	s3 =	simm.s32 $0x108;
	s8 =	sld [smem:$0x3F8C]  }
0x2e: {  	s3 =	simm.s32 @!p0 $0x1082;
	s9 =	sld [smem:$0x3F8D]  }
0x2f: {  	lr =	sadd.s32 s0, s3;
	s0 =	sld [smem:$0x3F84]  }
0x30: {  	s3 =	sld [smem:$0x3F87]  }
0x31: {  	[smem:$0x3F90] =	sst s10  }
0x32: {  	s10 =	sld [smem:$0x3F8E];
	_ =	sdelay $0x3  }
0x33: {  	p0 =	seq.s32 s10, $0x1;
	s10 =	sld [smem:$0x3F90];
	_ =	sdelay $0x3  }
0x34: {  	[smem:$0x3F90] =	sst s10  }
0x35: {  	s10 =	sld [smem:$0x3F8F];
	_ =	sdelay $0x3  }
0x36: {  	p1 =	seq.s32 s10, $0x1;
	s10 =	sld [smem:$0x3F90];
	_ =	sdelay $0x3  }
0x37: {  	[smem:$0x3F90] =	sst s10  }
0x38: {  	s10 =	sld [smem:$0x3F91]  }
0x39: {  	_ = 	snop;
	(pc) =	sbr.ind lr, $3  }
0x3a: {  	_ = 	snop  }
0x3b: {  	_ = 	snop  }
0x3c: {  	p2 =	seq.s32 s10, $0x1;
	s10 =	sld [smem:$0x3F90]  }
0x3d: {  	_ =	shalt  }
0x3e: {  	_ =	shalt  }
0x3f: {  	_ =	shalt  }
0x40: {  	_ =	shalt  }
0x41: {  	_ =	shalt  }
0x42: {  	_ =	shalt  }
0x43: {  	_ =	shalt  }
0x44: {  	_ =	shalt  }
0x45: {  	_ =	shalt  }
0x46: {  	_ =	shalt  }
0x47: {  	_ =	shalt  }
0x48: {  	_ =	shalt  }
0x49: {  	_ =	shalt  }
0x4a: {  	_ =	shalt  }
0x4b: {  	_ =	shalt  }
0x4c: {  	_ =	shalt  }
0x4d: {  	_ =	shalt  }
0x4e: {  	_ =	shalt  }
0x4f: {  	_ =	shalt  }
0x50: {  	_ =	shalt  }
0x51: {  	_ =	shalt  }
0x52: {  	_ =	shalt  }
0x53: {  	_ =	shalt  }
0x54: {  	_ =	shalt  }
0x55: {  	_ =	shalt  }
0x56: {  	_ =	shalt  }
0x57: {  	_ =	shalt  }
0x58: {  	_ =	shalt  }
0x59: {  	_ =	shalt  }
0x5a: {  	_ =	shalt  }
0x5b: {  	_ =	shalt  }
0x5c: {  	_ =	shalt  }
0x5d: {  	_ =	shalt  }
0x5e: {  	_ =	shalt  }
0x5f: {  	_ =	shalt  }
0x60: {  	_ =	shalt  }
0x61: {  	_ =	shalt  }
0x62: {  	_ =	shalt  }
0x63: {  	_ =	shalt  }
0x64: {  	_ =	shalt  }
0x65: {  	_ =	shalt  }
0x66: {  	_ =	shalt  }
0x67: {  	_ =	shalt  }
0x68: {  	_ =	shalt  }
0x69: {  	_ =	shalt  }
0x6a: {  	_ =	shalt  }
0x6b: {  	_ =	shalt  }
0x6c: {  	_ =	shalt  }
0x6d: {  	_ =	shalt  }
0x6e: {  	_ =	shalt  }
0x6f: {  	_ =	shalt  }
0x70: {  	_ =	shalt  }
0x71: {  	_ =	shalt  }
0x72: {  	_ =	shalt  }
0x73: {  	_ =	shalt  }
0x74: {  	_ =	shalt  }
0x75: {  	_ =	shalt  }
0x76: {  	_ =	shalt  }
0x77: {  	_ =	shalt  }
0x78: {  	_ =	shalt  }
0x79: {  	_ =	shalt  }
0x7a: {  	_ =	shalt  }
0x7b: {  	_ =	shalt  }
0x7c: {  	_ =	shalt  }
0x7d: {  	_ =	shalt  }
0x7e: {  	_ =	shalt  }
0x7f: {  	_ =	shalt  }
0x80: {  	_ =	shalt  }
0x81: {  	_ =	shalt  }
0x82: {  	_ =	shalt  }
0x83: {  	_ =	shalt  }
0x84: {  	_ =	shalt  }
0x85: {  	_ =	shalt  }
0x86: {  	_ =	shalt  }
0x87: {  	_ =	shalt  }
.Lfunc_end0:
.L_simem_size_0:
called_computation_lowered:
.L_overlay_start_0:
0x88: {  	s2 =	sld [smem:$0x3FD9]  }
0x89: {  	s3 =	sld [smem:$0x3FFE];
	_ =	sdelay $0x1  }
0x8a: {  	s1 =	srdreg.scid  }
0x8b: {  	s0 =	sand.u32 $0x1, s1  }
0x8c: {  	s17 =	sshll.u32 s0, $0xA;
	s2 =	sadd.s32 s3, s2  }
0x8d: {  	s2 =	sadd.s32 s2, s17  }
0x8e: {  	[smem:$0x3F9C] =	sst s2  }
0x8f: {  	_ = 	snop  }
0x90: {  	s2 =	sld [smem:$0x3FD0];
	(tm) =	ssettm $0x1  }
0x91: {  	s18 =	sld [smem:$0x3FFB];
	_ =	sdelay $0x3  }
0x92: {  	_ =	strace s18  }
0x93: {  	s3 =	sld [smem:$0x3FFC];
	_ =	sdelay $0x3  }
0x94: {  	_ =	strace s3  }
0x95: {  	s3 =	sld [smem:$0x3FFD];
	_ =	sdelay $0x3  }
0x96: {  	_ =	strace s3  }
0x97: {  	_ =	strace $0x8FFFFFFF  }
0x98: {  	s19 =	sld [smem:$0x3FDB];
	_ =	sdelay $0x1  }
0x99: {  	s4 =	simm.s32 $_scs_section_size  }
0x9a: {  	s5 =	simm.s32 $_size__tile_overlayer_lowered;
	s6 =	simm.s32 $_tile_overlayer_lowered  }
0x9b: {  	s22 =	simm.s32 $0x1BFF;
	s21 =	sshll.u32 s6, $0x1;
	s3 =	sadd.s32 s4, s19  }
0x9c: {  	s7 =	simm.s32 $0x0;
	s20 =	sshll.u32 s5, $0x1;
	s5 =	sadd.s32 s21, s3  }
0x9d: {  	[timem:s7], [sflag:s22] =	dma.local [hbm:s5], s20  }
0x9e: {  	_ =	swait.ge [sflag:s22], s20  }
0x9f: {  	s4 =	ssub.s32 $0x0, s20;
	[sflag:s22] =	ssyncset.done $0x0  }
0xa0: {  	[sflag:s22] =	ssyncadd.s32 s4;
	_ =	sdelay $0x1  }
0xa1: {  	s23 =	simm.s32 $0x1B8B  }
0xa2: {  	_ =	swait.ge [sflag:s23], $0x1  }
0xa3: {  	[sflag:s23] =	ssyncset.done $0x0  }
0xa4: {  	s25 =	simm.s32 $0x1B8E;
	s24 =	sld [smem:$0x3FFE];
	[sflag:s23] =	ssyncadd.s32 $0xFFFFFFFF  }
0xa5: {  	s26 =	simm.s32 $execute0_lowered;
	[smem:$0x3FD2] =	sst s25  }
0xa6: {  	s5 =	sshll.u32 s26, $0x1;
	_ =	strace $0x80000046;
	[dreg:$0x1] =	wrdreg $0xFFFFFFFF  }
0xa7: {  	s28 =	simm.s32 $_size_execute0_lowered;
	s3 =	sadd.s32 s3, s5;
	[dreg:$0x0] =	wrdreg $0x0  }
0xa8: {  	s5 =	sshll.u32 s28, $0x1;
	[dreg:$0x2] =	wrdreg s3  }
0xa9: {  	[dreg:$0x3] =	wrdreg s5  }
0xaa: {  	[dreg:$0x4] =	wrdreg $0xC0  }
0xab: {  	_ =	task [dreg:s7], $0x5FFFF  }
0xac: {  	[dreg:$0x1] =	wrdreg $0xFFFFFFFF  }
0xad: {  	[dreg:$0x0] =	wrdreg $0x60  }
0xae: {  	[dreg:$0x2] =	wrdreg s24  }
0xaf: {  	[dreg:$0x3] =	wrdreg s2  }
0xb0: {  	[dreg:$0x4] =	wrdreg $0x9  }
0xb1: {  	_ =	task.clear_ibuf [dreg:s7], $0x5FFFF;
	_ =	strace $0x90000046  }
0xb2: {  	s29 =	simm.s32 $0x9;
	_ =	strace $0x80000048  }
0xb3: {  	_ =	swait.ge [sflag:s29], $0x1  }
0xb4: {  	[sflag:s29] =	ssyncadd.s32 $0xFFFFFFFF  }
0xb5: {  	_ =	strace $0x90000048  }
0xb6: {  	_ =	sfence  }
0xb7: {  	s30 =	sld [smem:$0x0];
	_ =	sdelay $0x2  }
0xb8: {  	s31 =	sshll.u32 s1, $0xD;
	s1 =	sshrl.u32 s1, $0x2  }
0xb9: {  	s3 =	sand.u32 $0x4000, s31;
	s1 =	sadd.s32 s1, s30  }
0xba: {  	s0 =	sor.u32 s3, s0;
	s1 =	sshll.u32 s1, $0x11  }
0xbb: {  	s0 =	sor.u32 s1, s0  }
0xbc: {  	s0 =	sadd.s32 $0x8F2B, s0  }
0xbd: {  	[sflag:s0] =	ssyncadd.remote.s32 $0x1  }
0xbe: {  	_ =	sfence.sel $0xFFFF  }
0xbf: {  	[dreg:$0x0] =	wrdreg $0xFFFFFFFF;
	(pc) =	sbr.abs _section_cstart, $3  }
0xc0: {  	[dreg:$0x1] =	wrdreg $0xFFFFFFFF  }
0xc1: {  	_ =	task.clear_ibuf [dreg:s7], $0x2FFFF;
	_ =	strace $0x9FFFFFFF  }
0xc2: {  	(tm) =	ssettm $0x7FFFFFFF  }
0xc3: {  	_ =	shalt  }
tec
execute0_lowered:
.L_overlay_start_1:
0x0: {  	(tag) =	ssettag $0x1  }
0x1: {  	s4 =	rddreg [dreg:$0x0]  }
0x2: {  	s11 =	rddreg [dreg:$0x1]  }
0x3: {  	s0 =	rddreg [dreg:$0x2]  }
0x4: {  	s2 =	simm.s32 $0x0;
	s3 =	srdreg.scid;
	s1 =	stileid.u32  }
0x5: {  	s15 =	simm.s32 $0x4100;
	s16 =	simm.s32 $0x1;
	s17 =	simm.s32 $0x2  }
0x6: {  	s18 =	simm.s32 $0x0;
	[smem:$0x7FF] =	sst s2;
	s9 =	sand.u32 $0x1, s3  }
0x7: {  	s3 =	sadd.s32 $0x28000, s4;
	s5 =	sshll.u32 s1, $0xD;
	s10 =	sadd.s32 $0x48000, s4  }
0x8: {  	s14 =	sshll.u32 s1, $0x11;
	_ =	strace $0x80000047;
	s6 =	sshll.u32 s9, $0xC  }
0x9: {  	s26 =	ssub.s32 $0x2, s9;
	s9 =	sshll.u32 s9, $0x10;
	s12 =	sor.u32 s6, s5  }
0xa: {  	s28 =	sshrl.u32 s26, $0x1;
	s6 =	sshrl.u32 s12, $0x3;
	s7 =	sor.u32 $0xF80, s12  }
0xb: {  	s5 =	ssub.s32 s26, s28;
	s8 =	sshll.u32 s12, $0x4;
	s30 =	sor.u32 $0x80, s12  }
0xc: {  	s12 =	sor.u32 $0x100, s12;
	s4 =	sadd.s32 s11, s6;
	s29 =	sshrl.u32 s7, $0x3  }
0xd: {  	s5 =	smax.u32 s5, $0x1;
	s8 =	sadd.s32 s8, s10;
	s13 =	sshll.u32 s7, $0x4  }
0xe: {  	s31 =	sshrl.u32 s30, $0x3;
	s12 =	sshrl.u32 s12, $0x3;
	s6 =	sadd.s32 s11, s29  }
0xf: {  	s7 =	sadd.s32 $0xF000, s8;
	s8 =	sadd.s32 s10, s13;
	s10 =	sadd.s32 s14, s10  }
0x10: {  	s13 =	simm.s32 $0x80;
	s14 =	simm.s32 $0x100;
	s9 =	sadd.s32 s9, s10  }
0x11: {  	s10 =	sadd.s32 s31, s11;
	s11 =	sadd.s32 s12, s11;
	s12 =	simm.s32 $0x3  }
.LBB2_1:
0x12: {  	[tilespmem:s2], [sflag:$0x3] =	stream.linear.gather [hbm4b:s4+s2], $0x80, $0x38;
	[tilespmem:$0x8100] =	vst v63  }
0x13: {  	_ =	swait.ge [sflag:s12], $0x80  }
0x14: {  	[sflag:s12] =	ssyncset.done $0x0  }
0x15: {  	[sflag:s12] =	ssyncadd.s32 $0xFFFFFF80  }
0x16: {  	[tilespmem:s14], [sflag:$0x1] =	stream.indirect.gather [hbm4b:s3+s13], $0x80, s2, s13, $0xb8;
	[tilespmem:$0x8100] =	vst v63  }
0x17: {  	s19 =	sadd.s32 $0x0, s10  }
0x18: {  	[tilespmem:s13], [sflag:$0x3] =	stream.linear.gather [hbm4b:s19+s2], $0x80, $0x38;
	[tilespmem:$0x8100] =	vst v63  }
0x19: {  	_ =	swait.ge [sflag:s12], $0x80  }
0x1a: {  	[sflag:s12] =	ssyncset.done $0x0  }
0x1b: {  	[sflag:s12] =	ssyncadd.s32 $0xFFFFFF80  }
0x1c: {  	[tilespmem:s15], [sflag:$0x2] =	stream.indirect.gather [hbm4b:s3+s13], $0x80, s13, s13, $0xb8;
	[tilespmem:$0x8100] =	vst v63  }
0x1d: {  	_ =	swait.ge [sflag:s16], $0x4000  }
0x1e: {  	[sflag:s16] =	ssyncset.done $0x0  }
0x1f: {  	[sflag:s16] =	ssyncadd.s32 $0xFFFFC000  }
0x20: {  	[hbm4b:s9+s2] =	stream.linear.scatter [tilespmem:s14], [sflag:$0x3], $0x4000, $0x38;
	[tilespmem:$0x8100] =	vst v63  }
0x21: {  	_ =	swait.ge [sflag:s12], $0x4000  }
0x22: {  	[sflag:s12] =	ssyncset.done $0x0  }
0x23: {  	s30 =	sadd.s32 $0x0, s11;
	[sflag:s12] =	ssyncadd.s32 $0xFFFFC000  }
0x24: {  	[tilespmem:s2], [sflag:$0x3] =	stream.linear.gather [hbm4b:s30+s2], $0x80, $0x38;
	[tilespmem:$0x8100] =	vst v63  }
0x25: {  	_ =	swait.ge [sflag:s12], $0x80  }
0x26: {  	[sflag:s12] =	ssyncset.done $0x0  }
0x27: {  	[sflag:s12] =	ssyncadd.s32 $0xFFFFFF80  }
0x28: {  	[tilespmem:s14], [sflag:$0x1] =	stream.indirect.gather [hbm4b:s3+s13], $0x80, s2, s13, $0xb8;
	[tilespmem:$0x8100] =	vst v63  }
0x29: {  	_ =	swait.ge [sflag:s17], $0x4000  }
0x2a: {  	[sflag:s17] =	ssyncset.done $0x0  }
0x2b: {  	s31 =	sadd.s32 $0x800, s9;
	[sflag:s17] =	ssyncadd.s32 $0xFFFFC000  }
0x2c: {  	[hbm4b:s31+s2] =	stream.linear.scatter [tilespmem:s15], [sflag:$0x3], $0x4000, $0x38;
	[tilespmem:$0x8100] =	vst v63  }
0x2d: {  	s20 =	simm.s32 $0x20;
	_ =	swait.ge [sflag:s12], $0x4000  }
0x2e: {  	s21 =	simm.s32 $0x40;
	s19 =	sadd.s32 $0x1000, s9;
	[sflag:s12] =	ssyncset.done $0x0  }
.LBB2_2:
0x2f: {  	s22 =	sadd.s32 s20, s10  }
0x30: {  	[sflag:s12] =	ssyncadd.s32 $0xFFFFC000;
	s23 =	smov.u32 s21;
	s24 =	sadd.s32 $0x20, s21  }
0x31: {  	[tilespmem:s13], [sflag:$0x3] =	stream.linear.gather [hbm4b:s22+s2], $0x80, $0x38;
	[tilespmem:$0x8100] =	vst v63  }
0x32: {  	p0 =	sne.s32 s21, $0x1C0;
	_ =	swait.ge [sflag:s12], $0x80  }
0x33: {  	[sflag:s12] =	ssyncset.done $0x0  }
0x34: {  	[sflag:s12] =	ssyncadd.s32 $0xFFFFFF80  }
0x35: {  	[tilespmem:s15], [sflag:$0x2] =	stream.indirect.gather [hbm4b:s3+s13], $0x80, s13, s13, $0xb8;
	[tilespmem:$0x8100] =	vst v63  }
0x36: {  	_ =	swait.ge [sflag:s16], $0x4000  }
0x37: {  	[sflag:s16] =	ssyncset.done $0x0  }
0x38: {  	[sflag:s16] =	ssyncadd.s32 $0xFFFFC000  }
0x39: {  	[hbm4b:s19+s2] =	stream.linear.scatter [tilespmem:s14], [sflag:$0x3], $0x4000, $0x38;
	[tilespmem:$0x8100] =	vst v63  }
0x3a: {  	_ =	swait.ge [sflag:s12], $0x4000  }
0x3b: {  	[sflag:s12] =	ssyncset.done $0x0  }
0x3c: {  	s21 =	sadd.s32 s20, s11;
	s20 =	smov.u32 s23;
	[sflag:s12] =	ssyncadd.s32 $0xFFFFC000  }
0x3d: {  	[tilespmem:s2], [sflag:$0x3] =	stream.linear.gather [hbm4b:s21+s2], $0x80, $0x38;
	[tilespmem:$0x8100] =	vst v63  }
0x3e: {  	_ =	swait.ge [sflag:s12], $0x80  }
0x3f: {  	[sflag:s12] =	ssyncset.done $0x0  }
0x40: {  	[sflag:s12] =	ssyncadd.s32 $0xFFFFFF80  }
0x41: {  	[tilespmem:s14], [sflag:$0x1] =	stream.indirect.gather [hbm4b:s3+s13], $0x80, s2, s13, $0xb8;
	[tilespmem:$0x8100] =	vst v63  }
0x42: {  	_ =	swait.ge [sflag:s17], $0x4000  }
.Ltmp0:
0x43: {  	[sflag:s17] =	ssyncset.done $0x0;
	(pc) =	sbr.rel @p0 .LBB2_2-.Ltmp0, $4  }
0x44: {  	s21 =	sadd.s32 $0x800, s19;
	[sflag:s17] =	ssyncadd.s32 $0xFFFFC000  }
0x45: {  	[hbm4b:s21+s2] =	stream.linear.scatter [tilespmem:s15], [sflag:$0x3], $0x4000, $0x38;
	[tilespmem:$0x8100] =	vst v63  }
0x46: {  	_ =	swait.ge [sflag:s12], $0x4000  }
0x47: {  	s19 =	sadd.s32 $0x1000, s19;
	s21 =	smov.u32 s24;
	[sflag:s12] =	ssyncset.done $0x0  }
0x48: {  	s21 =	sadd.s32 s20, s10;
	[sflag:s12] =	ssyncadd.s32 $0xFFFFC000  }
0x49: {  	[tilespmem:s13], [sflag:$0x3] =	stream.linear.gather [hbm4b:s21+s2], $0x80, $0x38;
	[tilespmem:$0x8100] =	vst v63  }
0x4a: {  	_ =	swait.ge [sflag:s12], $0x80  }
0x4b: {  	[sflag:s12] =	ssyncset.done $0x0  }
0x4c: {  	[sflag:s12] =	ssyncadd.s32 $0xFFFFFF80  }
0x4d: {  	[tilespmem:s15], [sflag:$0x2] =	stream.indirect.gather [hbm4b:s3+s13], $0x80, s13, s13, $0xb8;
	[tilespmem:$0x8100] =	vst v63  }
0x4e: {  	_ =	swait.ge [sflag:s16], $0x4000  }
0x4f: {  	[sflag:s16] =	ssyncset.done $0x0  }
0x50: {  	[sflag:s16] =	ssyncadd.s32 $0xFFFFC000  }
0x51: {  	[hbm4b:s19+s2] =	stream.linear.scatter [tilespmem:s14], [sflag:$0x3], $0x4000, $0x38;
	[tilespmem:$0x8100] =	vst v63  }
0x52: {  	_ =	swait.ge [sflag:s12], $0x4000  }
0x53: {  	[sflag:s12] =	ssyncset.done $0x0  }
0x54: {  	s30 =	sadd.s32 s20, s11;
	[sflag:s12] =	ssyncadd.s32 $0xFFFFC000  }
0x55: {  	[tilespmem:s2], [sflag:$0x3] =	stream.linear.gather [hbm4b:s30+s2], $0x80, $0x38;
	[tilespmem:$0x8100] =	vst v63  }
0x56: {  	_ =	swait.ge [sflag:s12], $0x80  }
0x57: {  	[sflag:s12] =	ssyncset.done $0x0  }
0x58: {  	[sflag:s12] =	ssyncadd.s32 $0xFFFFFF80  }
0x59: {  	[tilespmem:s14], [sflag:$0x1] =	stream.indirect.gather [hbm4b:s3+s13], $0x80, s2, s13, $0xb8;
	[tilespmem:$0x8100] =	vst v63  }
0x5a: {  	_ =	swait.ge [sflag:s17], $0x4000  }
0x5b: {  	[sflag:s17] =	ssyncset.done $0x0  }
0x5c: {  	s31 =	sadd.s32 $0x800, s19;
	[sflag:s17] =	ssyncadd.s32 $0xFFFFC000  }
0x5d: {  	[hbm4b:s31+s2] =	stream.linear.scatter [tilespmem:s15], [sflag:$0x3], $0x4000, $0x38;
	[tilespmem:$0x8100] =	vst v63  }
0x5e: {  	_ =	swait.ge [sflag:s12], $0x4000  }
0x5f: {  	[sflag:s12] =	ssyncset.done $0x0  }
0x60: {  	[sflag:s12] =	ssyncadd.s32 $0xFFFFC000  }
0x61: {  	[tilespmem:s13], [sflag:$0x3] =	stream.linear.gather [hbm4b:s6+s2], $0x80, $0x38;
	[tilespmem:$0x8100] =	vst v63  }
0x62: {  	_ =	swait.ge [sflag:s12], $0x80  }
0x63: {  	[sflag:s12] =	ssyncset.done $0x0  }
0x64: {  	[sflag:s12] =	ssyncadd.s32 $0xFFFFFF80  }
0x65: {  	[tilespmem:s15], [sflag:$0x2] =	stream.indirect.gather [hbm4b:s3+s13], $0x80, s13, s13, $0xb8;
	[tilespmem:$0x8100] =	vst v63  }
0x66: {  	_ =	swait.ge [sflag:s16], $0x4000  }
0x67: {  	[sflag:s16] =	ssyncset.done $0x0  }
0x68: {  	[sflag:s16] =	ssyncadd.s32 $0xFFFFC000  }
0x69: {  	[hbm4b:s7+s2] =	stream.linear.scatter [tilespmem:s14], [sflag:$0x3], $0x4000, $0x38;
	[tilespmem:$0x8100] =	vst v63  }
0x6a: {  	_ =	swait.ge [sflag:s12], $0x4000  }
0x6b: {  	[sflag:s12] =	ssyncset.done $0x0  }
0x6c: {  	[sflag:s12] =	ssyncadd.s32 $0xFFFFC000  }
0x6d: {  	s18 =	sadd.s32 $0x1, s18;
	_ =	swait.ge [sflag:s17], $0x4000  }
0x6e: {  	p0 =	sne.s32 s18, s5;
	[sflag:s17] =	ssyncset.done $0x0  }
.Ltmp1:
0x6f: {  	[sflag:s17] =	ssyncadd.s32 $0xFFFFC000;
	(pc) =	sbr.rel @p0 .LBB2_1-.Ltmp1, $4  }
0x70: {  	[hbm4b:s8+s2] =	stream.linear.scatter [tilespmem:s15], [sflag:$0x3], $0x4000, $0x38;
	[tilespmem:$0x8100] =	vst v63  }
0x71: {  	_ =	swait.ge [sflag:s12], $0x4000  }
0x72: {  	[sflag:s12] =	ssyncset.done $0x0  }
0x73: {  	[sflag:s12] =	ssyncadd.s32 $0xFFFFC000  }
0x74: {  	_ =	sfence.sel $0x180000  }
0x75: {  	[bflag:$0x0] =	sbarrier.arrive $0xFFFF  }
0x76: {  	p0 =	sne.s32 s1, $0x0;
	_ =	strace $0x90000047  }
0x77: {  	s0 =	sadd.s32 @!p0 $0x100000, s0;
	[bflag:$0x2] =	sbarrier.arrive $0xFFFF  }
0x78: {  	[sflag:s0] =	ssyncadd.tile.s32 @!p0 $0x1;
	_ =	shalt  }
.Lfunc_end2:
_tile_overlayer_lowered:
.L_overlay_start_2:
0x79: {  	(tag) =	ssettag $0x2  }
0x7a: {  	s0 =	rddreg [dreg:$0x0];
	s2 =	stileid.u32  }
0x7b: {  	s1 =	rddreg [dreg:$0x1];
	p0 =	sne.s32 s2, $0x0  }
0x7c: {  	s3 =	rddreg [dreg:$0x2];
	[bflag:$0x3] =	sbarrier.arrive $0xFFFF;
	s2 =	simm.s32 @!p0 $0x1C03  }
0x7d: {  	[timem:s3], [sflag:s2] =	dma.local @!p0 [hbm:s0], s1  }
0x7e: {  	s0 =	simm.s32 @!p0 $0x3  }
0x7f: {  	_ =	swait.ge @!p0 [sflag:s0], s1  }
0x80: {  	s1 =	ssub.s32 @!p0 $0x0, s1;
	[sflag:s0] =	ssyncset.done @!p0 $0x0  }
0x81: {  	[sflag:s0] =	ssyncadd.s32 @!p0 s1  }
0x82: {  	[bflag:$0x3] =	sbarrier.arrive $0xFFFF  }
0x83: {  	_ =	shalt  }

// kernel: kernel.21.cloned.1.call-start
scs
__scs_entry_jumppad:
0x0: {  	(pc) =	sbr.rel $0x88, $3  }
0x1: {  	(tag) =	ssettag $0x0;
	lr =	simm.s32 $0x1  }
0x2: {  	[smem:$0x3F75] =	sst lr;
	_ =	strace $0xD0000000  }
0x3: {  	_ = 	snop  }
0x4: {  	_ = 	snop  }
0x5: {  	_ = 	snop  }
0x6: {  	_ = 	snop  }
0x7: {  	_ = 	snop  }
__scs_overlays_trampoline_lowered:
0x8: {  	[smem:$0x3F84] =	sst s0  }
0x9: {  	[smem:$0x3F85] =	sst s1  }
0xa: {  	[smem:$0x3F86] =	sst s2  }
0xb: {  	[smem:$0x3F87] =	sst s3  }
0xc: {  	[smem:$0x3F88] =	sst s4  }
0xd: {  	[smem:$0x3F89] =	sst s5  }
0xe: {  	[smem:$0x3F8A] =	sst s6  }
0xf: {  	[smem:$0x3F8B] =	sst s7  }
0x10: {  	[smem:$0x3F8C] =	sst s8  }
0x11: {  	[smem:$0x3F8D] =	sst s9;
	s0 =	simm.s32 @!p0 $0x0  }
0x12: {  	s1 =	sld [smem:$0x3F73];
	s0 =	simm.s32 @p0 $0x1  }
0x13: {  	[smem:$0x3F8E] =	sst s0;
	s0 =	simm.s32 @!p1 $0x0  }
0x14: {  	s2 =	sld [smem:$0x3F72];
	s0 =	simm.s32 @p1 $0x1  }
0x15: {  	[smem:$0x3F8F] =	sst s0;
	s0 =	simm.s32 @!p2 $0x0  }
0x16: {  	s3 =	sld [smem:$0x3FDB];
	s0 =	simm.s32 @p2 $0x1  }
0x17: {  	s4 =	simm.s32 $0x1BF5;
	[smem:$0x3F91] =	sst s0  }
0x18: {  	s0 =	sld [smem:$0x3F74];
	_ =	swait.ge [sflag:s4], $0x0  }
0x19: {  	s7 =	sld [smem:$0x3F75]  }
0x1a: {  	s8 =	sadd.s32 $0xFFFFE003, lr  }
0x1b: {  	s9 =	sadd.s32 $0xFFFFFEF7, lr;
	s5 =	simm.s32 $0xFFFFFFFF;
	p2 =	slt.u32 s8, $0xFFFFF086  }
0x1c: {  	p1 =	slt.u32 s9, $0xF7A;
	s5 =	simm.s32 @!p2 $0x0  }
0x1d: {  	s5 =	simm.s32 @p1 $0x1;
	p0 =	seq.s32 s7, s2  }
0x1e: {  	s7 =	smul.u32 @!p0 $0xF7A, s2;
	p2 =	seq.s32 @!p0 s5, $0x0  }
0x1f: {  	s9 =	smul.u32 $0xF7A, s1;
	s8 =	simm.s32 @!p0 $0x1BF5;
	p2 =	por !p2, p0  }
0x20: {  	[sflag:s8] =	ssyncset.s32 @!p0 $0xFFFFF086;
	s6 =	sadd.s32 @!p0 s3, s7;
	s7 =	simm.s32 @!p0 $0x108  }
0x21: {  	s3 =	sadd.s32 s3, s9;
	s6 =	sadd.s32 @!p0 $0x88, s6;
	s7 =	simm.s32 @p2 $0x1082  }
0x22: {  	[simem:s7], [sflag:s8] =	dma.local @!p0 [hbm:s6], $0xF7A  }
0x23: {  	s9 =	sor.u32 $0xD0000000, s2;
	s6 =	simm.s32 $0x108;
	_ =	swait.ge @!p0 [sflag:s8], $0x0  }
0x24: {  	s3 =	sadd.s32 $0x88, s3;
	s6 =	simm.s32 @!p1 $0x1082;
	[sflag:s4] =	ssyncset.s32 $0xFFFFF086  }
0x25: {  	[simem:s6], [sflag:s4] =	dma.local [hbm:s3], $0xF7A  }
0x26: {  	[smem:$0x3F75] =	sst s1;
	(tag) =	ssettag s2;
	_ =	strace s9  }
0x27: {  	s1 =	sld [smem:$0x3F85]  }
0x28: {  	s2 =	sld [smem:$0x3F86]  }
0x29: {  	s4 =	sld [smem:$0x3F88]  }
0x2a: {  	p0 =	seq.s32 s5, $0x0;
	s5 =	sld [smem:$0x3F89]  }
0x2b: {  	s6 =	sld [smem:$0x3F8A]  }
0x2c: {  	s7 =	sld [smem:$0x3F8B]  }
0x2d: {  	s3 =	simm.s32 $0x108;
	s8 =	sld [smem:$0x3F8C]  }
0x2e: {  	s3 =	simm.s32 @!p0 $0x1082;
	s9 =	sld [smem:$0x3F8D]  }
0x2f: {  	lr =	sadd.s32 s0, s3;
	s0 =	sld [smem:$0x3F84]  }
0x30: {  	s3 =	sld [smem:$0x3F87]  }
0x31: {  	[smem:$0x3F90] =	sst s10  }
0x32: {  	s10 =	sld [smem:$0x3F8E];
	_ =	sdelay $0x3  }
0x33: {  	p0 =	seq.s32 s10, $0x1;
	s10 =	sld [smem:$0x3F90];
	_ =	sdelay $0x3  }
0x34: {  	[smem:$0x3F90] =	sst s10  }
0x35: {  	s10 =	sld [smem:$0x3F8F];
	_ =	sdelay $0x3  }
0x36: {  	p1 =	seq.s32 s10, $0x1;
	s10 =	sld [smem:$0x3F90];
	_ =	sdelay $0x3  }
0x37: {  	[smem:$0x3F90] =	sst s10  }
0x38: {  	s10 =	sld [smem:$0x3F91]  }
0x39: {  	_ = 	snop;
	(pc) =	sbr.ind lr, $3  }
0x3a: {  	_ = 	snop  }
0x3b: {  	_ = 	snop  }
0x3c: {  	p2 =	seq.s32 s10, $0x1;
	s10 =	sld [smem:$0x3F90]  }
0x3d: {  	_ =	shalt  }
0x3e: {  	_ =	shalt  }
0x3f: {  	_ =	shalt  }
0x40: {  	_ =	shalt  }
0x41: {  	_ =	shalt  }
0x42: {  	_ =	shalt  }
0x43: {  	_ =	shalt  }
0x44: {  	_ =	shalt  }
0x45: {  	_ =	shalt  }
0x46: {  	_ =	shalt  }
0x47: {  	_ =	shalt  }
0x48: {  	_ =	shalt  }
0x49: {  	_ =	shalt  }
0x4a: {  	_ =	shalt  }
0x4b: {  	_ =	shalt  }
0x4c: {  	_ =	shalt  }
0x4d: {  	_ =	shalt  }
0x4e: {  	_ =	shalt  }
0x4f: {  	_ =	shalt  }
0x50: {  	_ =	shalt  }
0x51: {  	_ =	shalt  }
0x52: {  	_ =	shalt  }
0x53: {  	_ =	shalt  }
0x54: {  	_ =	shalt  }
0x55: {  	_ =	shalt  }
0x56: {  	_ =	shalt  }
0x57: {  	_ =	shalt  }
0x58: {  	_ =	shalt  }
0x59: {  	_ =	shalt  }
0x5a: {  	_ =	shalt  }
0x5b: {  	_ =	shalt  }
0x5c: {  	_ =	shalt  }
0x5d: {  	_ =	shalt  }
0x5e: {  	_ =	shalt  }
0x5f: {  	_ =	shalt  }
0x60: {  	_ =	shalt  }
0x61: {  	_ =	shalt  }
0x62: {  	_ =	shalt  }
0x63: {  	_ =	shalt  }
0x64: {  	_ =	shalt  }
0x65: {  	_ =	shalt  }
0x66: {  	_ =	shalt  }
0x67: {  	_ =	shalt  }
0x68: {  	_ =	shalt  }
0x69: {  	_ =	shalt  }
0x6a: {  	_ =	shalt  }
0x6b: {  	_ =	shalt  }
0x6c: {  	_ =	shalt  }
0x6d: {  	_ =	shalt  }
0x6e: {  	_ =	shalt  }
0x6f: {  	_ =	shalt  }
0x70: {  	_ =	shalt  }
0x71: {  	_ =	shalt  }
0x72: {  	_ =	shalt  }
0x73: {  	_ =	shalt  }
0x74: {  	_ =	shalt  }
0x75: {  	_ =	shalt  }
0x76: {  	_ =	shalt  }
0x77: {  	_ =	shalt  }
0x78: {  	_ =	shalt  }
0x79: {  	_ =	shalt  }
0x7a: {  	_ =	shalt  }
0x7b: {  	_ =	shalt  }
0x7c: {  	_ =	shalt  }
0x7d: {  	_ =	shalt  }
0x7e: {  	_ =	shalt  }
0x7f: {  	_ =	shalt  }
0x80: {  	_ =	shalt  }
0x81: {  	_ =	shalt  }
0x82: {  	_ =	shalt  }
0x83: {  	_ =	shalt  }
0x84: {  	_ =	shalt  }
0x85: {  	_ =	shalt  }
0x86: {  	_ =	shalt  }
0x87: {  	_ =	shalt  }
.Lfunc_end0:
.L_simem_size_0:
called_computation.1_lowered:
.L_overlay_start_0:
0x88: {  	s2 =	sld [smem:$0x3FD9]  }
0x89: {  	s3 =	sld [smem:$0x3FFE];
	_ =	sdelay $0x1  }
0x8a: {  	s1 =	srdreg.scid  }
0x8b: {  	s0 =	sand.u32 $0x1, s1  }
0x8c: {  	s16 =	sshll.u32 s0, $0xA;
	s2 =	sadd.s32 s3, s2  }
0x8d: {  	s2 =	sadd.s32 s2, s16  }
0x8e: {  	[smem:$0x3F9C] =	sst s2  }
0x8f: {  	_ = 	snop  }
0x90: {  	(tm) =	ssettm $0x1  }
0x91: {  	s17 =	sld [smem:$0x3FFB];
	_ =	sdelay $0x3  }
0x92: {  	_ =	strace s17  }
0x93: {  	s2 =	sld [smem:$0x3FFC];
	_ =	sdelay $0x3  }
0x94: {  	_ =	strace s2  }
0x95: {  	s2 =	sld [smem:$0x3FFD];
	_ =	sdelay $0x3  }
0x96: {  	_ =	strace s2  }
0x97: {  	_ =	strace $0x8FFFFFFF  }
0x98: {  	s18 =	sld [smem:$0x3FDB];
	_ =	sdelay $0x1  }
0x99: {  	s19 =	simm.s32 $_scs_section_size  }
0x9a: {  	s4 =	simm.s32 $_size__tile_overlayer_lowered;
	s5 =	simm.s32 $_tile_overlayer_lowered  }
0x9b: {  	s22 =	simm.s32 $0x1BFF;
	s21 =	sshll.u32 s5, $0x1;
	s2 =	sadd.s32 s19, s18  }
0x9c: {  	s6 =	simm.s32 $0x0;
	s20 =	sshll.u32 s4, $0x1;
	s4 =	sadd.s32 s21, s2  }
0x9d: {  	[timem:s6], [sflag:s22] =	dma.local [hbm:s4], s20  }
0x9e: {  	_ =	swait.ge [sflag:s22], s20  }
0x9f: {  	s3 =	ssub.s32 $0x0, s20;
	[sflag:s22] =	ssyncset.done $0x0  }
0xa0: {  	[sflag:s22] =	ssyncadd.s32 s3;
	_ =	sdelay $0x1  }
0xa1: {  	s23 =	simm.s32 $0x1B8B  }
0xa2: {  	_ =	swait.ge [sflag:s23], $0x1  }
0xa3: {  	[sflag:s23] =	ssyncset.done $0x0  }
0xa4: {  	s25 =	simm.s32 $0x1B8E;
	s24 =	sld [smem:$0x3FFE];
	[sflag:s23] =	ssyncadd.s32 $0xFFFFFFFF  }
0xa5: {  	s26 =	simm.s32 $execute0_lowered;
	[smem:$0x3FD2] =	sst s25  }
0xa6: {  	s4 =	sshll.u32 s26, $0x1;
	_ =	strace $0x80000049;
	[dreg:$0x1] =	wrdreg $0xFFFFFFFF  }
0xa7: {  	s28 =	simm.s32 $_size_execute0_lowered;
	s2 =	sadd.s32 s2, s4;
	[dreg:$0x0] =	wrdreg $0x0  }
0xa8: {  	s4 =	sshll.u32 s28, $0x1;
	[dreg:$0x2] =	wrdreg s2  }
0xa9: {  	[dreg:$0x3] =	wrdreg s4  }
0xaa: {  	[dreg:$0x4] =	wrdreg $0xC0  }
0xab: {  	_ =	task [dreg:s6], $0x5FFFF  }
0xac: {  	[dreg:$0x1] =	wrdreg $0xFFFFFFFF  }
0xad: {  	[dreg:$0x0] =	wrdreg $0x60  }
0xae: {  	[dreg:$0x2] =	wrdreg s24  }
0xaf: {  	[dreg:$0x3] =	wrdreg $0x9  }
0xb0: {  	_ =	task.clear_ibuf [dreg:s6], $0x4FFFF;
	_ =	strace $0x90000049  }
0xb1: {  	s29 =	simm.s32 $0x9;
	_ =	strace $0x8000004B  }
0xb2: {  	_ =	swait.ge [sflag:s29], $0x1  }
0xb3: {  	[sflag:s29] =	ssyncadd.s32 $0xFFFFFFFF  }
0xb4: {  	_ =	strace $0x9000004B  }
0xb5: {  	_ =	sfence  }
0xb6: {  	s30 =	sld [smem:$0x0];
	_ =	sdelay $0x2  }
0xb7: {  	s31 =	sshll.u32 s1, $0xD;
	s1 =	sshrl.u32 s1, $0x2  }
0xb8: {  	s3 =	sand.u32 $0x4000, s31;
	s1 =	sadd.s32 s1, s30  }
0xb9: {  	s0 =	sor.u32 s3, s0;
	s1 =	sshll.u32 s1, $0x11  }
0xba: {  	s0 =	sor.u32 s1, s0  }
0xbb: {  	s0 =	sadd.s32 $0x8F2B, s0  }
0xbc: {  	[sflag:s0] =	ssyncadd.remote.s32 $0x1  }
0xbd: {  	_ =	sfence.sel $0xFFFF  }
0xbe: {  	[dreg:$0x0] =	wrdreg $0xFFFFFFFF;
	(pc) =	sbr.abs _section_cstart, $3  }
0xbf: {  	[dreg:$0x1] =	wrdreg $0xFFFFFFFF  }
0xc0: {  	_ =	task.clear_ibuf [dreg:s6], $0x2FFFF;
	_ =	strace $0x9FFFFFFF  }
0xc1: {  	(tm) =	ssettm $0x7FFFFFFF  }
tec
execute0_lowered:
.L_overlay_start_1:
0x0: {  	(tag) =	ssettag $0x1  }
0x1: {  	s0 =	rddreg [dreg:$0x0]  }
0x2: {  	s1 =	simm.s32 $0x0;
	s2 =	srdreg.scid;
	s8 =	stileid.u32  }
0x3: {  	s10 =	simm.s32 $0x100;
	s28 =	simm.s32 $0x8100;
	s29 =	simm.s32 $0x8900  }
0x4: {  	s30 =	simm.s32 $0x9100;
	s31 =	simm.s32 $0x9900;
	s11 =	simm.s32 $0xD100  }
0x5: {  	s12 =	simm.s32 $0xD900;
	s13 =	simm.s32 $0xE100;
	s14 =	simm.s32 $0xE900  }
0x6: {  	s15 =	simm.s32 $0xF100;
	s16 =	simm.s32 $0xF900;
	s17 =	simm.s32 $0x1  }
0x7: {  	s18 =	simm.s32 $0x2;
	s20 =	simm.s32 $0x0;
	[smem:$0x7FF] =	sst s1  }
0x8: {  	s3 =	sadd.s32 $0x28000, s0;
	s4 =	sadd.s32 $0x248000, s0;
	s2 =	sand.u32 $0x1, s2  }
0x9: {  	s6 =	sshll.u32 s8, $0xD;
	s8 =	sshll.u32 s8, $0x12;
	_ =	strace $0x8000004A  }
0xa: {  	s5 =	ssub.s32 $0x2, s2;
	s7 =	sshll.u32 s2, $0xC;
	s0 =	sadd.s32 s8, s0  }
0xb: {  	s2 =	sshll.u32 s2, $0x11;
	s8 =	simm.s32 $0xC900;
	s9 =	sshrl.u32 s5, $0x1  }
0xc: {  	s6 =	sor.u32 s7, s6;
	s0 =	sadd.s32 s2, s0;
	s2 =	simm.s32 $0xA900  }
0xd: {  	s5 =	ssub.s32 s5, s9;
	s7 =	sshrl.u32 s6, $0x3;
	s22 =	sor.u32 $0x80, s6  }
0xe: {  	s23 =	sor.u32 $0x100, s6;
	s6 =	sadd.s32 $0x24C000, s0;
	s9 =	simm.s32 $0x3  }
0xf: {  	s7 =	sadd.s32 s4, s7;
	s5 =	smax.u32 s5, $0x1;
	s24 =	sshrl.u32 s22, $0x3  }
.Ltmp0:
0x10: {  	s25 =	sshrl.u32 s23, $0x3;
	[dreg:$0x2] =	wrdreg s7;
	(pc) =	sbr.rel .LBB2_1-.Ltmp0, $4  }
0x11: {  	[dreg:$0x3] =	wrdreg s5;
	s0 =	sadd.s32 s24, s4;
	s26 =	sadd.s32 s25, s4  }
0x12: {  	v2 =	vlaneseq.u32;
	s24 =	simm.s32 $0x7100;
	s25 =	simm.s32 $0x7900;
	s4 =	simm.s32 $0xB100  }
0x13: {  	vm0 =	vmmov $0xffff;
	v1 =	vshrl.u32 v2, $0x3;
	s5 =	simm.s32 $0xB900;
	s7 =	simm.s32 $0xC100;
	[dreg:$0x4] =	wrdreg s0  }
0x14: {  	v0 =	vand.u32 $0x7, v2;
	v2 =	vor.u32 $0x8, v2;
	v1 =	vmul.u32 $0x8, v1;
	[dreg:$0x5] =	wrdreg s26;
	s26 =	simm.s32 $0x80;
	s0 =	simm.s32 $0xA100  }
.LBB2_5:
0x15: {  	s20 =	rddreg [dreg:$0x6]  }
0x16: {  	s19 =	rddreg [dreg:$0x3];
	s20 =	sadd.s32 $0x1, s20  }
0x17: {  	p0 =	sne.s32 s20, s19  }
.Ltmp1:
0x18: {  	_ = 	snop;
	(pc) =	sbr.rel @!p0 .LBB2_6-.Ltmp1, $1  }
0x19: {  	_ =	sdelay $0x3  }
.LBB2_1:
0x1a: {  	[dreg:$0x6] =	wrdreg s20  }
0x1b: {  	s19 =	rddreg [dreg:$0x2]  }
0x1c: {  	[tilespmem:s1], [sflag:$0x3] =	stream.linear.gather [hbm4b:s19+s1], $0x80, $0x38;
	[tilespmem:$0x10100] =	vst v63  }
0x1d: {  	_ =	swait.ge [sflag:s9], $0x80  }
0x1e: {  	[sflag:s9] =	ssyncset.done $0x0  }
0x1f: {  	[sflag:s9] =	ssyncadd.s32 $0xFFFFFF80  }
0x20: {  	v3 =	vld [tilespmem:$0x0];
	_ =	sdelay $0x4  }
0x21: {  	v4 =	vshll.u32 v3, $0x1  }
0x22: {  	v3 =	vand.u32 $0x7, v3;
	v4 =	vand.u32 $0xFFFFFFF0, v4  }
0x23: {  	v3 =	vor.u32 v3, v4  }
0x24: {  	v4 =	vperm.xlane v3, v0;
	_ =	sdelay $0x1  }
0x25: {  	v3 =	vperm.xlane v3, v2;
	v4 =	vadd.s32 v1, v4;
	_ =	sdelay $0x1  }
0x26: {  	v3 =	vadd.s32 v1, v3;
	_ =	sdelay $0x2  }
0x27: {  	[tilespmem:s10], [sflag:$0x1] =	stream.indirect_vreg.gather [hbm4b:s3+s1], $0x80, v4, vm0, $0xb8;
	[tilespmem:$0x10100] =	vst v63  }
0x28: {  	s23 =	simm.s32 $0x900  }
0x29: {  	[tilespmem:s23], [sflag:$0x1] =	stream.indirect_vreg.gather [hbm4b:s3+s1], $0x80, v3, vm0, $0xb8;
	[tilespmem:$0x10100] =	vst v63  }
0x2a: {  	v3 =	vld [tilespmem:$0x10];
	_ =	sdelay $0x4  }
0x2b: {  	v57 =	vshll.u32 v3, $0x1  }
0x2c: {  	v3 =	vand.u32 $0x7, v3;
	v4 =	vand.u32 $0xFFFFFFF0, v57  }
0x2d: {  	v3 =	vor.u32 v3, v4  }
0x2e: {  	v4 =	vperm.xlane v3, v0;
	_ =	sdelay $0x1  }
0x2f: {  	v3 =	vperm.xlane v3, v2;
	v4 =	vadd.s32 v1, v4;
	_ =	sdelay $0x1  }
0x30: {  	v3 =	vadd.s32 v1, v3;
	_ =	sdelay $0x1  }
0x31: {  	s20 =	simm.s32 $0x1100  }
0x32: {  	[tilespmem:s20], [sflag:$0x1] =	stream.indirect_vreg.gather [hbm4b:s3+s1], $0x80, v4, vm0, $0xb8;
	[tilespmem:$0x10100] =	vst v63  }
0x33: {  	s21 =	simm.s32 $0x1900  }
0x34: {  	[tilespmem:s21], [sflag:$0x1] =	stream.indirect_vreg.gather [hbm4b:s3+s1], $0x80, v3, vm0, $0xb8;
	[tilespmem:$0x10100] =	vst v63  }
0x35: {  	v3 =	vld [tilespmem:$0x20];
	_ =	sdelay $0x4  }
0x36: {  	v58 =	vshll.u32 v3, $0x1  }
0x37: {  	v3 =	vand.u32 $0x7, v3;
	v4 =	vand.u32 $0xFFFFFFF0, v58  }
0x38: {  	v3 =	vor.u32 v3, v4  }
0x39: {  	v4 =	vperm.xlane v3, v0;
	_ =	sdelay $0x1  }
0x3a: {  	v3 =	vperm.xlane v3, v2;
	v4 =	vadd.s32 v1, v4;
	_ =	sdelay $0x1  }
0x3b: {  	v3 =	vadd.s32 v1, v3;
	_ =	sdelay $0x1  }
0x3c: {  	s22 =	simm.s32 $0x2100  }
0x3d: {  	[tilespmem:s22], [sflag:$0x1] =	stream.indirect_vreg.gather [hbm4b:s3+s1], $0x80, v4, vm0, $0xb8;
	[tilespmem:$0x10100] =	vst v63  }
0x3e: {  	s23 =	simm.s32 $0x2900  }
0x3f: {  	[tilespmem:s23], [sflag:$0x1] =	stream.indirect_vreg.gather [hbm4b:s3+s1], $0x80, v3, vm0, $0xb8;
	[tilespmem:$0x10100] =	vst v63  }
0x40: {  	v3 =	vld [tilespmem:$0x30];
	_ =	sdelay $0x4  }
0x41: {  	v59 =	vshll.u32 v3, $0x1  }
0x42: {  	v3 =	vand.u32 $0x7, v3;
	v4 =	vand.u32 $0xFFFFFFF0, v59  }
0x43: {  	v3 =	vor.u32 v3, v4  }
0x44: {  	v4 =	vperm.xlane v3, v0;
	_ =	sdelay $0x1  }
0x45: {  	v3 =	vperm.xlane v3, v2;
	v4 =	vadd.s32 v1, v4;
	_ =	sdelay $0x1  }
0x46: {  	v3 =	vadd.s32 v1, v3;
	_ =	sdelay $0x1  }
0x47: {  	s20 =	simm.s32 $0x3100  }
0x48: {  	[tilespmem:s20], [sflag:$0x1] =	stream.indirect_vreg.gather [hbm4b:s3+s1], $0x80, v4, vm0, $0xb8;
	[tilespmem:$0x10100] =	vst v63  }
0x49: {  	s21 =	simm.s32 $0x3900  }
0x4a: {  	[tilespmem:s21], [sflag:$0x1] =	stream.indirect_vreg.gather [hbm4b:s3+s1], $0x80, v3, vm0, $0xb8;
	[tilespmem:$0x10100] =	vst v63  }
0x4b: {  	v3 =	vld [tilespmem:$0x40];
	_ =	sdelay $0x4  }
0x4c: {  	v60 =	vshll.u32 v3, $0x1  }
0x4d: {  	v3 =	vand.u32 $0x7, v3;
	v4 =	vand.u32 $0xFFFFFFF0, v60  }
0x4e: {  	v3 =	vor.u32 v3, v4  }
0x4f: {  	v4 =	vperm.xlane v3, v0;
	_ =	sdelay $0x1  }
0x50: {  	v3 =	vperm.xlane v3, v2;
	v4 =	vadd.s32 v1, v4;
	_ =	sdelay $0x1  }
0x51: {  	v3 =	vadd.s32 v1, v3;
	_ =	sdelay $0x1  }
0x52: {  	s22 =	simm.s32 $0x4100  }
0x53: {  	[tilespmem:s22], [sflag:$0x1] =	stream.indirect_vreg.gather [hbm4b:s3+s1], $0x80, v4, vm0, $0xb8;
	[tilespmem:$0x10100] =	vst v63  }
0x54: {  	s23 =	simm.s32 $0x4900  }
0x55: {  	[tilespmem:s23], [sflag:$0x1] =	stream.indirect_vreg.gather [hbm4b:s3+s1], $0x80, v3, vm0, $0xb8;
	[tilespmem:$0x10100] =	vst v63  }
0x56: {  	v3 =	vld [tilespmem:$0x50];
	_ =	sdelay $0x4  }
0x57: {  	v61 =	vshll.u32 v3, $0x1  }
0x58: {  	v3 =	vand.u32 $0x7, v3;
	v4 =	vand.u32 $0xFFFFFFF0, v61  }
0x59: {  	v3 =	vor.u32 v3, v4  }
0x5a: {  	v4 =	vperm.xlane v3, v0;
	_ =	sdelay $0x1  }
0x5b: {  	v3 =	vperm.xlane v3, v2;
	v4 =	vadd.s32 v1, v4;
	_ =	sdelay $0x1  }
0x5c: {  	v3 =	vadd.s32 v1, v3;
	_ =	sdelay $0x1  }
0x5d: {  	s20 =	simm.s32 $0x5100  }
0x5e: {  	[tilespmem:s20], [sflag:$0x1] =	stream.indirect_vreg.gather [hbm4b:s3+s1], $0x80, v4, vm0, $0xb8;
	[tilespmem:$0x10100] =	vst v63  }
0x5f: {  	s21 =	simm.s32 $0x5900  }
0x60: {  	[tilespmem:s21], [sflag:$0x1] =	stream.indirect_vreg.gather [hbm4b:s3+s1], $0x80, v3, vm0, $0xb8;
	[tilespmem:$0x10100] =	vst v63  }
0x61: {  	v3 =	vld [tilespmem:$0x60];
	_ =	sdelay $0x4  }
0x62: {  	v62 =	vshll.u32 v3, $0x1  }
0x63: {  	v3 =	vand.u32 $0x7, v3;
	v4 =	vand.u32 $0xFFFFFFF0, v62  }
0x64: {  	v3 =	vor.u32 v3, v4  }
0x65: {  	v4 =	vperm.xlane v3, v0;
	_ =	sdelay $0x1  }
0x66: {  	v3 =	vperm.xlane v3, v2;
	v4 =	vadd.s32 v1, v4;
	_ =	sdelay $0x1  }
0x67: {  	v3 =	vadd.s32 v1, v3;
	_ =	sdelay $0x1  }
0x68: {  	s22 =	simm.s32 $0x6100  }
0x69: {  	[tilespmem:s22], [sflag:$0x1] =	stream.indirect_vreg.gather [hbm4b:s3+s1], $0x80, v4, vm0, $0xb8;
	[tilespmem:$0x10100] =	vst v63  }
0x6a: {  	s23 =	simm.s32 $0x6900  }
0x6b: {  	[tilespmem:s23], [sflag:$0x1] =	stream.indirect_vreg.gather [hbm4b:s3+s1], $0x80, v3, vm0, $0xb8;
	[tilespmem:$0x10100] =	vst v63  }
0x6c: {  	v3 =	vld [tilespmem:$0x70];
	_ =	sdelay $0x4  }
0x6d: {  	v63 =	vshll.u32 v3, $0x1  }
0x6e: {  	v3 =	vand.u32 $0x7, v3;
	v4 =	vand.u32 $0xFFFFFFF0, v63  }
0x6f: {  	v3 =	vor.u32 v3, v4  }
0x70: {  	v4 =	vperm.xlane v3, v0;
	_ =	sdelay $0x1  }
0x71: {  	v3 =	vperm.xlane v3, v2;
	v4 =	vadd.s32 v1, v4;
	_ =	sdelay $0x1  }
0x72: {  	v3 =	vadd.s32 v1, v3  }
.Ltmp2:
0x73: {  	_ = 	snop;
	(pc) =	sbr.rel .LBB2_2-.Ltmp2, $4  }
0x74: {  	s19 =	rddreg [dreg:$0x5]  }
0x75: {  	[tilespmem:s24], [sflag:$0x1] =	stream.indirect_vreg.gather [hbm4b:s3+s1], $0x80, v4, vm0, $0xb8;
	[tilespmem:$0x10100] =	vst v63  }
0x76: {  	s20 =	rddreg [dreg:$0x4];
	s21 =	simm.s32 $0x0  }
0x77: {  	[tilespmem:s25], [sflag:$0x1] =	stream.indirect_vreg.gather [hbm4b:s3+s1], $0x80, v3, vm0, $0xb8;
	[tilespmem:$0x10100] =	vst v63  }
.LBB2_4:
0x78: {  	_ =	swait.ge [sflag:s18], $0x8000;
	s21 =	sadd.s32 $0x2000, s21  }
0x79: {  	[sflag:s18] =	ssyncset.done $0x0;
	p0 =	sne.s32 s21, $0x20000  }
.Ltmp3:
0x7a: {  	s22 =	sadd.s32 $0x1000, s22;
	[sflag:s18] =	ssyncadd.s32 $0xFFFF8000;
	(pc) =	sbr.rel @!p0 .LBB2_5-.Ltmp3, $4  }
0x7b: {  	[hbm4b:s22+s1] =	stream.linear.scatter [tilespmem:s28], [sflag:$0x3], $0x8000, $0x38;
	[tilespmem:$0x10100] =	vst v63  }
0x7c: {  	_ =	swait.ge [sflag:s9], $0x8000  }
0x7d: {  	[sflag:s9] =	ssyncset.done $0x0  }
0x7e: {  	s20 =	sadd.s32 $0x20, s20;
	s19 =	sadd.s32 $0x20, s19;
	[sflag:s9] =	ssyncadd.s32 $0xFFFF8000  }
.LBB2_2:
0x7f: {  	[tilespmem:s26], [sflag:$0x3] =	stream.linear.gather [hbm4b:s20+s1], $0x80, $0x38;
	[tilespmem:$0x10100] =	vst v63  }
0x80: {  	_ =	swait.ge [sflag:s9], $0x80  }
0x81: {  	[sflag:s9] =	ssyncset.done $0x0  }
0x82: {  	[sflag:s9] =	ssyncadd.s32 $0xFFFFFF80  }
0x83: {  	v3 =	vld [tilespmem:$0x80];
	_ =	sdelay $0x4  }
0x84: {  	v4 =	vshll.u32 v3, $0x1  }
0x85: {  	v3 =	vand.u32 $0x7, v3;
	v4 =	vand.u32 $0xFFFFFFF0, v4  }
0x86: {  	v3 =	vor.u32 v3, v4  }
0x87: {  	v4 =	vperm.xlane v3, v0;
	_ =	sdelay $0x1  }
0x88: {  	v3 =	vperm.xlane v3, v2;
	v4 =	vadd.s32 v1, v4;
	_ =	sdelay $0x1  }
0x89: {  	v3 =	vadd.s32 v1, v3;
	_ =	sdelay $0x2  }
0x8a: {  	[tilespmem:s28], [sflag:$0x2] =	stream.indirect_vreg.gather [hbm4b:s3+s1], $0x80, v4, vm0, $0xb8;
	[tilespmem:$0x10100] =	vst v63  }
0x8b: {  	_ = 	snop  }
0x8c: {  	[tilespmem:s29], [sflag:$0x2] =	stream.indirect_vreg.gather [hbm4b:s3+s1], $0x80, v3, vm0, $0xb8;
	[tilespmem:$0x10100] =	vst v63  }
0x8d: {  	v3 =	vld [tilespmem:$0x90];
	_ =	sdelay $0x4  }
0x8e: {  	v57 =	vshll.u32 v3, $0x1  }
0x8f: {  	v3 =	vand.u32 $0x7, v3;
	v4 =	vand.u32 $0xFFFFFFF0, v57  }
0x90: {  	v3 =	vor.u32 v3, v4  }
0x91: {  	v4 =	vperm.xlane v3, v0;
	_ =	sdelay $0x1  }
0x92: {  	v3 =	vperm.xlane v3, v2;
	v4 =	vadd.s32 v1, v4;
	_ =	sdelay $0x1  }
0x93: {  	v3 =	vadd.s32 v1, v3;
	_ =	sdelay $0x2  }
0x94: {  	[tilespmem:s30], [sflag:$0x2] =	stream.indirect_vreg.gather [hbm4b:s3+s1], $0x80, v4, vm0, $0xb8;
	[tilespmem:$0x10100] =	vst v63  }
0x95: {  	_ = 	snop  }
0x96: {  	[tilespmem:s31], [sflag:$0x2] =	stream.indirect_vreg.gather [hbm4b:s3+s1], $0x80, v3, vm0, $0xb8;
	[tilespmem:$0x10100] =	vst v63  }
0x97: {  	v3 =	vld [tilespmem:$0xA0];
	_ =	sdelay $0x4  }
0x98: {  	v58 =	vshll.u32 v3, $0x1  }
0x99: {  	v3 =	vand.u32 $0x7, v3;
	v4 =	vand.u32 $0xFFFFFFF0, v58  }
0x9a: {  	v3 =	vor.u32 v3, v4  }
0x9b: {  	v4 =	vperm.xlane v3, v0;
	_ =	sdelay $0x1  }
0x9c: {  	v3 =	vperm.xlane v3, v2;
	v4 =	vadd.s32 v1, v4;
	_ =	sdelay $0x1  }
0x9d: {  	v3 =	vadd.s32 v1, v3;
	_ =	sdelay $0x2  }
0x9e: {  	[tilespmem:s0], [sflag:$0x2] =	stream.indirect_vreg.gather [hbm4b:s3+s1], $0x80, v4, vm0, $0xb8;
	[tilespmem:$0x10100] =	vst v63  }
0x9f: {  	_ = 	snop  }
0xa0: {  	[tilespmem:s2], [sflag:$0x2] =	stream.indirect_vreg.gather [hbm4b:s3+s1], $0x80, v3, vm0, $0xb8;
	[tilespmem:$0x10100] =	vst v63  }
0xa1: {  	v3 =	vld [tilespmem:$0xB0];
	_ =	sdelay $0x4  }
0xa2: {  	v59 =	vshll.u32 v3, $0x1  }
0xa3: {  	v3 =	vand.u32 $0x7, v3;
	v4 =	vand.u32 $0xFFFFFFF0, v59  }
0xa4: {  	v3 =	vor.u32 v3, v4  }
0xa5: {  	v4 =	vperm.xlane v3, v0;
	_ =	sdelay $0x1  }
0xa6: {  	v3 =	vperm.xlane v3, v2;
	v4 =	vadd.s32 v1, v4;
	_ =	sdelay $0x1  }
0xa7: {  	v3 =	vadd.s32 v1, v3;
	_ =	sdelay $0x2  }
0xa8: {  	[tilespmem:s4], [sflag:$0x2] =	stream.indirect_vreg.gather [hbm4b:s3+s1], $0x80, v4, vm0, $0xb8;
	[tilespmem:$0x10100] =	vst v63  }
0xa9: {  	_ = 	snop  }
0xaa: {  	[tilespmem:s5], [sflag:$0x2] =	stream.indirect_vreg.gather [hbm4b:s3+s1], $0x80, v3, vm0, $0xb8;
	[tilespmem:$0x10100] =	vst v63  }
0xab: {  	v3 =	vld [tilespmem:$0xC0];
	_ =	sdelay $0x4  }
0xac: {  	v60 =	vshll.u32 v3, $0x1  }
0xad: {  	v3 =	vand.u32 $0x7, v3;
	v4 =	vand.u32 $0xFFFFFFF0, v60  }
0xae: {  	v3 =	vor.u32 v3, v4  }
0xaf: {  	v4 =	vperm.xlane v3, v0;
	_ =	sdelay $0x1  }
0xb0: {  	v3 =	vperm.xlane v3, v2;
	v4 =	vadd.s32 v1, v4;
	_ =	sdelay $0x1  }
0xb1: {  	v3 =	vadd.s32 v1, v3;
	_ =	sdelay $0x2  }
0xb2: {  	[tilespmem:s7], [sflag:$0x2] =	stream.indirect_vreg.gather [hbm4b:s3+s1], $0x80, v4, vm0, $0xb8;
	[tilespmem:$0x10100] =	vst v63  }
0xb3: {  	_ = 	snop  }
0xb4: {  	[tilespmem:s8], [sflag:$0x2] =	stream.indirect_vreg.gather [hbm4b:s3+s1], $0x80, v3, vm0, $0xb8;
	[tilespmem:$0x10100] =	vst v63  }
0xb5: {  	v3 =	vld [tilespmem:$0xD0];
	_ =	sdelay $0x4  }
0xb6: {  	v61 =	vshll.u32 v3, $0x1  }
0xb7: {  	v3 =	vand.u32 $0x7, v3;
	v4 =	vand.u32 $0xFFFFFFF0, v61  }
0xb8: {  	v3 =	vor.u32 v3, v4  }
0xb9: {  	v4 =	vperm.xlane v3, v0;
	_ =	sdelay $0x1  }
0xba: {  	v3 =	vperm.xlane v3, v2;
	v4 =	vadd.s32 v1, v4;
	_ =	sdelay $0x1  }
0xbb: {  	v3 =	vadd.s32 v1, v3;
	_ =	sdelay $0x2  }
0xbc: {  	[tilespmem:s11], [sflag:$0x2] =	stream.indirect_vreg.gather [hbm4b:s3+s1], $0x80, v4, vm0, $0xb8;
	[tilespmem:$0x10100] =	vst v63  }
0xbd: {  	_ = 	snop  }
0xbe: {  	[tilespmem:s12], [sflag:$0x2] =	stream.indirect_vreg.gather [hbm4b:s3+s1], $0x80, v3, vm0, $0xb8;
	[tilespmem:$0x10100] =	vst v63  }
0xbf: {  	v3 =	vld [tilespmem:$0xE0];
	_ =	sdelay $0x4  }
0xc0: {  	v62 =	vshll.u32 v3, $0x1  }
0xc1: {  	v3 =	vand.u32 $0x7, v3;
	v4 =	vand.u32 $0xFFFFFFF0, v62  }
0xc2: {  	v3 =	vor.u32 v3, v4  }
0xc3: {  	v4 =	vperm.xlane v3, v0;
	_ =	sdelay $0x1  }
0xc4: {  	v3 =	vperm.xlane v3, v2;
	v4 =	vadd.s32 v1, v4;
	_ =	sdelay $0x1  }
0xc5: {  	v3 =	vadd.s32 v1, v3;
	_ =	sdelay $0x2  }
0xc6: {  	[tilespmem:s13], [sflag:$0x2] =	stream.indirect_vreg.gather [hbm4b:s3+s1], $0x80, v4, vm0, $0xb8;
	[tilespmem:$0x10100] =	vst v63  }
0xc7: {  	_ = 	snop  }
0xc8: {  	[tilespmem:s14], [sflag:$0x2] =	stream.indirect_vreg.gather [hbm4b:s3+s1], $0x80, v3, vm0, $0xb8;
	[tilespmem:$0x10100] =	vst v63  }
0xc9: {  	v3 =	vld [tilespmem:$0xF0];
	_ =	sdelay $0x4  }
0xca: {  	v63 =	vshll.u32 v3, $0x1  }
0xcb: {  	v3 =	vand.u32 $0x7, v3;
	v4 =	vand.u32 $0xFFFFFFF0, v63  }
0xcc: {  	v3 =	vor.u32 v3, v4  }
0xcd: {  	v4 =	vperm.xlane v3, v0;
	_ =	sdelay $0x1  }
0xce: {  	v3 =	vperm.xlane v3, v2;
	v4 =	vadd.s32 v1, v4;
	_ =	sdelay $0x1  }
0xcf: {  	v3 =	vadd.s32 v1, v3;
	_ =	sdelay $0x2  }
0xd0: {  	[tilespmem:s15], [sflag:$0x2] =	stream.indirect_vreg.gather [hbm4b:s3+s1], $0x80, v4, vm0, $0xb8;
	[tilespmem:$0x10100] =	vst v63  }
0xd1: {  	_ = 	snop  }
0xd2: {  	[tilespmem:s16], [sflag:$0x2] =	stream.indirect_vreg.gather [hbm4b:s3+s1], $0x80, v3, vm0, $0xb8;
	[tilespmem:$0x10100] =	vst v63  }
0xd3: {  	_ =	swait.ge [sflag:s17], $0x8000  }
0xd4: {  	p0 =	seq.s32 s21, $0x1E000;
	[sflag:s17] =	ssyncset.done $0x0  }
.Ltmp4:
0xd5: {  	s22 =	sadd.s32 s21, s6;
	[sflag:s17] =	ssyncadd.s32 $0xFFFF8000;
	(pc) =	sbr.rel @p0 .LBB2_4-.Ltmp4, $4  }
0xd6: {  	[hbm4b:s22+s1] =	stream.linear.scatter [tilespmem:s10], [sflag:$0x3], $0x8000, $0x38;
	[tilespmem:$0x10100] =	vst v63  }
0xd7: {  	_ =	swait.ge [sflag:s9], $0x8000  }
0xd8: {  	[sflag:s9] =	ssyncset.done $0x0  }
0xd9: {  	[sflag:s9] =	ssyncadd.s32 $0xFFFF8000  }
0xda: {  	[tilespmem:s1], [sflag:$0x3] =	stream.linear.gather [hbm4b:s19+s1], $0x80, $0x38;
	[tilespmem:$0x10100] =	vst v63  }
0xdb: {  	_ =	swait.ge [sflag:s9], $0x80  }
0xdc: {  	[sflag:s9] =	ssyncset.done $0x0  }
0xdd: {  	[sflag:s9] =	ssyncadd.s32 $0xFFFFFF80  }
0xde: {  	v3 =	vld [tilespmem:$0x0];
	_ =	sdelay $0x4  }
0xdf: {  	v4 =	vshll.u32 v3, $0x1  }
0xe0: {  	v3 =	vand.u32 $0x7, v3;
	v4 =	vand.u32 $0xFFFFFFF0, v4  }
0xe1: {  	v3 =	vor.u32 v3, v4  }
0xe2: {  	v4 =	vperm.xlane v3, v0;
	_ =	sdelay $0x1  }
0xe3: {  	v3 =	vperm.xlane v3, v2;
	v4 =	vadd.s32 v1, v4;
	_ =	sdelay $0x1  }
0xe4: {  	v3 =	vadd.s32 v1, v3;
	_ =	sdelay $0x2  }
0xe5: {  	[tilespmem:s10], [sflag:$0x1] =	stream.indirect_vreg.gather [hbm4b:s3+s1], $0x80, v4, vm0, $0xb8;
	[tilespmem:$0x10100] =	vst v63  }
0xe6: {  	s23 =	simm.s32 $0x900  }
0xe7: {  	[tilespmem:s23], [sflag:$0x1] =	stream.indirect_vreg.gather [hbm4b:s3+s1], $0x80, v3, vm0, $0xb8;
	[tilespmem:$0x10100] =	vst v63  }
0xe8: {  	v3 =	vld [tilespmem:$0x10];
	_ =	sdelay $0x4  }
0xe9: {  	v57 =	vshll.u32 v3, $0x1  }
0xea: {  	v3 =	vand.u32 $0x7, v3;
	v4 =	vand.u32 $0xFFFFFFF0, v57  }
0xeb: {  	v3 =	vor.u32 v3, v4  }
0xec: {  	v4 =	vperm.xlane v3, v0;
	_ =	sdelay $0x1  }
0xed: {  	v3 =	vperm.xlane v3, v2;
	v4 =	vadd.s32 v1, v4;
	_ =	sdelay $0x1  }
0xee: {  	v3 =	vadd.s32 v1, v3;
	_ =	sdelay $0x1  }
0xef: {  	s23 =	simm.s32 $0x1100  }
0xf0: {  	[tilespmem:s23], [sflag:$0x1] =	stream.indirect_vreg.gather [hbm4b:s3+s1], $0x80, v4, vm0, $0xb8;
	[tilespmem:$0x10100] =	vst v63  }
0xf1: {  	s23 =	simm.s32 $0x1900  }
0xf2: {  	[tilespmem:s23], [sflag:$0x1] =	stream.indirect_vreg.gather [hbm4b:s3+s1], $0x80, v3, vm0, $0xb8;
	[tilespmem:$0x10100] =	vst v63  }
0xf3: {  	v3 =	vld [tilespmem:$0x20];
	_ =	sdelay $0x4  }
0xf4: {  	v58 =	vshll.u32 v3, $0x1  }
0xf5: {  	v3 =	vand.u32 $0x7, v3;
	v4 =	vand.u32 $0xFFFFFFF0, v58  }
0xf6: {  	v3 =	vor.u32 v3, v4  }
0xf7: {  	v4 =	vperm.xlane v3, v0;
	_ =	sdelay $0x1  }
0xf8: {  	v3 =	vperm.xlane v3, v2;
	v4 =	vadd.s32 v1, v4;
	_ =	sdelay $0x1  }
0xf9: {  	v3 =	vadd.s32 v1, v3;
	_ =	sdelay $0x1  }
0xfa: {  	s23 =	simm.s32 $0x2100  }
0xfb: {  	[tilespmem:s23], [sflag:$0x1] =	stream.indirect_vreg.gather [hbm4b:s3+s1], $0x80, v4, vm0, $0xb8;
	[tilespmem:$0x10100] =	vst v63  }
0xfc: {  	s23 =	simm.s32 $0x2900  }
0xfd: {  	[tilespmem:s23], [sflag:$0x1] =	stream.indirect_vreg.gather [hbm4b:s3+s1], $0x80, v3, vm0, $0xb8;
	[tilespmem:$0x10100] =	vst v63  }
0xfe: {  	v3 =	vld [tilespmem:$0x30];
	_ =	sdelay $0x4  }
0xff: {  	v59 =	vshll.u32 v3, $0x1  }
0x100: {  	v3 =	vand.u32 $0x7, v3;
	v4 =	vand.u32 $0xFFFFFFF0, v59  }
0x101: {  	v3 =	vor.u32 v3, v4  }
0x102: {  	v4 =	vperm.xlane v3, v0;
	_ =	sdelay $0x1  }
0x103: {  	v3 =	vperm.xlane v3, v2;
	v4 =	vadd.s32 v1, v4;
	_ =	sdelay $0x1  }
0x104: {  	v3 =	vadd.s32 v1, v3;
	_ =	sdelay $0x1  }
0x105: {  	s23 =	simm.s32 $0x3100  }
0x106: {  	[tilespmem:s23], [sflag:$0x1] =	stream.indirect_vreg.gather [hbm4b:s3+s1], $0x80, v4, vm0, $0xb8;
	[tilespmem:$0x10100] =	vst v63  }
0x107: {  	s23 =	simm.s32 $0x3900  }
0x108: {  	[tilespmem:s23], [sflag:$0x1] =	stream.indirect_vreg.gather [hbm4b:s3+s1], $0x80, v3, vm0, $0xb8;
	[tilespmem:$0x10100] =	vst v63  }
0x109: {  	v3 =	vld [tilespmem:$0x40];
	_ =	sdelay $0x4  }
0x10a: {  	v60 =	vshll.u32 v3, $0x1  }
0x10b: {  	v3 =	vand.u32 $0x7, v3;
	v4 =	vand.u32 $0xFFFFFFF0, v60  }
0x10c: {  	v3 =	vor.u32 v3, v4  }
0x10d: {  	v4 =	vperm.xlane v3, v0;
	_ =	sdelay $0x1  }
0x10e: {  	v3 =	vperm.xlane v3, v2;
	v4 =	vadd.s32 v1, v4;
	_ =	sdelay $0x1  }
0x10f: {  	v3 =	vadd.s32 v1, v3;
	_ =	sdelay $0x1  }
0x110: {  	s23 =	simm.s32 $0x4100  }
0x111: {  	[tilespmem:s23], [sflag:$0x1] =	stream.indirect_vreg.gather [hbm4b:s3+s1], $0x80, v4, vm0, $0xb8;
	[tilespmem:$0x10100] =	vst v63  }
0x112: {  	s23 =	simm.s32 $0x4900  }
0x113: {  	[tilespmem:s23], [sflag:$0x1] =	stream.indirect_vreg.gather [hbm4b:s3+s1], $0x80, v3, vm0, $0xb8;
	[tilespmem:$0x10100] =	vst v63  }
0x114: {  	v3 =	vld [tilespmem:$0x50];
	_ =	sdelay $0x4  }
0x115: {  	v61 =	vshll.u32 v3, $0x1  }
0x116: {  	v3 =	vand.u32 $0x7, v3;
	v4 =	vand.u32 $0xFFFFFFF0, v61  }
0x117: {  	v3 =	vor.u32 v3, v4  }
0x118: {  	v4 =	vperm.xlane v3, v0;
	_ =	sdelay $0x1  }
0x119: {  	v3 =	vperm.xlane v3, v2;
	v4 =	vadd.s32 v1, v4;
	_ =	sdelay $0x1  }
0x11a: {  	v3 =	vadd.s32 v1, v3;
	_ =	sdelay $0x1  }
0x11b: {  	s23 =	simm.s32 $0x5100  }
0x11c: {  	[tilespmem:s23], [sflag:$0x1] =	stream.indirect_vreg.gather [hbm4b:s3+s1], $0x80, v4, vm0, $0xb8;
	[tilespmem:$0x10100] =	vst v63  }
0x11d: {  	s23 =	simm.s32 $0x5900  }
0x11e: {  	[tilespmem:s23], [sflag:$0x1] =	stream.indirect_vreg.gather [hbm4b:s3+s1], $0x80, v3, vm0, $0xb8;
	[tilespmem:$0x10100] =	vst v63  }
0x11f: {  	v3 =	vld [tilespmem:$0x60];
	_ =	sdelay $0x4  }
0x120: {  	v62 =	vshll.u32 v3, $0x1  }
0x121: {  	v3 =	vand.u32 $0x7, v3;
	v4 =	vand.u32 $0xFFFFFFF0, v62  }
0x122: {  	v3 =	vor.u32 v3, v4  }
0x123: {  	v4 =	vperm.xlane v3, v0;
	_ =	sdelay $0x1  }
0x124: {  	v3 =	vperm.xlane v3, v2;
	v4 =	vadd.s32 v1, v4;
	_ =	sdelay $0x1  }
0x125: {  	v3 =	vadd.s32 v1, v3;
	_ =	sdelay $0x1  }
0x126: {  	s23 =	simm.s32 $0x6100  }
0x127: {  	[tilespmem:s23], [sflag:$0x1] =	stream.indirect_vreg.gather [hbm4b:s3+s1], $0x80, v4, vm0, $0xb8;
	[tilespmem:$0x10100] =	vst v63  }
0x128: {  	s23 =	simm.s32 $0x6900  }
0x129: {  	[tilespmem:s23], [sflag:$0x1] =	stream.indirect_vreg.gather [hbm4b:s3+s1], $0x80, v3, vm0, $0xb8;
	[tilespmem:$0x10100] =	vst v63  }
0x12a: {  	v3 =	vld [tilespmem:$0x70];
	_ =	sdelay $0x4  }
0x12b: {  	v63 =	vshll.u32 v3, $0x1  }
0x12c: {  	v3 =	vand.u32 $0x7, v3;
	v4 =	vand.u32 $0xFFFFFFF0, v63  }
0x12d: {  	v3 =	vor.u32 v3, v4  }
0x12e: {  	v4 =	vperm.xlane v3, v0;
	_ =	sdelay $0x1  }
0x12f: {  	v3 =	vperm.xlane v3, v2;
	v4 =	vadd.s32 v1, v4;
	_ =	sdelay $0x1  }
0x130: {  	v3 =	vadd.s32 v1, v3  }
.Ltmp5:
0x131: {  	_ = 	snop;
	(pc) =	sbr.rel .LBB2_4-.Ltmp5, $4  }
0x132: {  	_ = 	snop  }
0x133: {  	[tilespmem:s24], [sflag:$0x1] =	stream.indirect_vreg.gather [hbm4b:s3+s1], $0x80, v4, vm0, $0xb8;
	[tilespmem:$0x10100] =	vst v63  }
0x134: {  	_ = 	snop  }
0x135: {  	[tilespmem:s25], [sflag:$0x1] =	stream.indirect_vreg.gather [hbm4b:s3+s1], $0x80, v3, vm0, $0xb8;
	[tilespmem:$0x10100] =	vst v63  }
.LBB2_6:
0x136: {  	_ =	sfence.sel $0x180000  }
0x137: {  	[bflag:$0x0] =	sbarrier.arrive $0xFFFF  }
0x138: {  	_ =	strace $0x9000004A  }
0x139: {  	s0 =	stileid.u32;
	[bflag:$0x2] =	sbarrier.arrive $0xFFFF  }
0x13a: {  	p0 =	sne.s32 s0, $0x0;
	s0 =	rddreg [dreg:$0x1]  }
0x13b: {  	s0 =	sadd.s32 @!p0 $0x100000, s0  }
0x13c: {  	[sflag:s0] =	ssyncadd.tile.s32 @!p0 $0x1;
	_ =	shalt  }
.Lfunc_end2:
_tile_overlayer_lowered:
.L_overlay_start_2:
0x13d: {  	(tag) =	ssettag $0x2  }
0x13e: {  	s0 =	rddreg [dreg:$0x0];
	s2 =	stileid.u32  }
0x13f: {  	s1 =	rddreg [dreg:$0x1];
	p0 =	sne.s32 s2, $0x0  }
0x140: {  	s3 =	rddreg [dreg:$0x2];
	[bflag:$0x3] =	sbarrier.arrive $0xFFFF;
	s2 =	simm.s32 @!p0 $0x1C03  }
0x141: {  	[timem:s3], [sflag:s2] =	dma.local @!p0 [hbm:s0], s1  }
0x142: {  	s0 =	simm.s32 @!p0 $0x3  }
0x143: {  	_ =	swait.ge @!p0 [sflag:s0], s1  }
0x144: {  	s1 =	ssub.s32 @!p0 $0x0, s1;
	[sflag:s0] =	ssyncset.done @!p0 $0x0  }
0x145: {  	[sflag:s0] =	ssyncadd.s32 @!p0 s1  }
0x146: {  	[bflag:$0x3] =	sbarrier.arrive $0xFFFF  }
0x147: {  	_ =	shalt  }

// kernel: kernel.24.cloned.1.call-start
scs
__scs_entry_jumppad:
0x0: {  	(pc) =	sbr.rel $0x88, $3  }
0x1: {  	(tag) =	ssettag $0x0;
	lr =	simm.s32 $0x1  }
0x2: {  	[smem:$0x3F75] =	sst lr;
	_ =	strace $0xD0000000  }
0x3: {  	_ = 	snop  }
0x4: {  	_ = 	snop  }
0x5: {  	_ = 	snop  }
0x6: {  	_ = 	snop  }
0x7: {  	_ = 	snop  }
__scs_overlays_trampoline_lowered:
0x8: {  	[smem:$0x3F84] =	sst s0  }
0x9: {  	[smem:$0x3F85] =	sst s1  }
0xa: {  	[smem:$0x3F86] =	sst s2  }
0xb: {  	[smem:$0x3F87] =	sst s3  }
0xc: {  	[smem:$0x3F88] =	sst s4  }
0xd: {  	[smem:$0x3F89] =	sst s5  }
0xe: {  	[smem:$0x3F8A] =	sst s6  }
0xf: {  	[smem:$0x3F8B] =	sst s7  }
0x10: {  	[smem:$0x3F8C] =	sst s8  }
0x11: {  	[smem:$0x3F8D] =	sst s9;
	s0 =	simm.s32 @!p0 $0x0  }
0x12: {  	s1 =	sld [smem:$0x3F73];
	s0 =	simm.s32 @p0 $0x1  }
0x13: {  	[smem:$0x3F8E] =	sst s0;
	s0 =	simm.s32 @!p1 $0x0  }
0x14: {  	s2 =	sld [smem:$0x3F72];
	s0 =	simm.s32 @p1 $0x1  }
0x15: {  	[smem:$0x3F8F] =	sst s0;
	s0 =	simm.s32 @!p2 $0x0  }
0x16: {  	s3 =	sld [smem:$0x3FDB];
	s0 =	simm.s32 @p2 $0x1  }
0x17: {  	s4 =	simm.s32 $0x1BF5;
	[smem:$0x3F91] =	sst s0  }
0x18: {  	s0 =	sld [smem:$0x3F74];
	_ =	swait.ge [sflag:s4], $0x0  }
0x19: {  	s7 =	sld [smem:$0x3F75]  }
0x1a: {  	s8 =	sadd.s32 $0xFFFFE003, lr  }
0x1b: {  	s9 =	sadd.s32 $0xFFFFFEF7, lr;
	s5 =	simm.s32 $0xFFFFFFFF;
	p2 =	slt.u32 s8, $0xFFFFF086  }
0x1c: {  	p1 =	slt.u32 s9, $0xF7A;
	s5 =	simm.s32 @!p2 $0x0  }
0x1d: {  	s5 =	simm.s32 @p1 $0x1;
	p0 =	seq.s32 s7, s2  }
0x1e: {  	s7 =	smul.u32 @!p0 $0xF7A, s2;
	p2 =	seq.s32 @!p0 s5, $0x0  }
0x1f: {  	s9 =	smul.u32 $0xF7A, s1;
	s8 =	simm.s32 @!p0 $0x1BF5;
	p2 =	por !p2, p0  }
0x20: {  	[sflag:s8] =	ssyncset.s32 @!p0 $0xFFFFF086;
	s6 =	sadd.s32 @!p0 s3, s7;
	s7 =	simm.s32 @!p0 $0x108  }
0x21: {  	s3 =	sadd.s32 s3, s9;
	s6 =	sadd.s32 @!p0 $0x88, s6;
	s7 =	simm.s32 @p2 $0x1082  }
0x22: {  	[simem:s7], [sflag:s8] =	dma.local @!p0 [hbm:s6], $0xF7A  }
0x23: {  	s9 =	sor.u32 $0xD0000000, s2;
	s6 =	simm.s32 $0x108;
	_ =	swait.ge @!p0 [sflag:s8], $0x0  }
0x24: {  	s3 =	sadd.s32 $0x88, s3;
	s6 =	simm.s32 @!p1 $0x1082;
	[sflag:s4] =	ssyncset.s32 $0xFFFFF086  }
0x25: {  	[simem:s6], [sflag:s4] =	dma.local [hbm:s3], $0xF7A  }
0x26: {  	[smem:$0x3F75] =	sst s1;
	(tag) =	ssettag s2;
	_ =	strace s9  }
0x27: {  	s1 =	sld [smem:$0x3F85]  }
0x28: {  	s2 =	sld [smem:$0x3F86]  }
0x29: {  	s4 =	sld [smem:$0x3F88]  }
0x2a: {  	p0 =	seq.s32 s5, $0x0;
	s5 =	sld [smem:$0x3F89]  }
0x2b: {  	s6 =	sld [smem:$0x3F8A]  }
0x2c: {  	s7 =	sld [smem:$0x3F8B]  }
0x2d: {  	s3 =	simm.s32 $0x108;
	s8 =	sld [smem:$0x3F8C]  }
0x2e: {  	s3 =	simm.s32 @!p0 $0x1082;
	s9 =	sld [smem:$0x3F8D]  }
0x2f: {  	lr =	sadd.s32 s0, s3;
	s0 =	sld [smem:$0x3F84]  }
0x30: {  	s3 =	sld [smem:$0x3F87]  }
0x31: {  	[smem:$0x3F90] =	sst s10  }
0x32: {  	s10 =	sld [smem:$0x3F8E];
	_ =	sdelay $0x3  }
0x33: {  	p0 =	seq.s32 s10, $0x1;
	s10 =	sld [smem:$0x3F90];
	_ =	sdelay $0x3  }
0x34: {  	[smem:$0x3F90] =	sst s10  }
0x35: {  	s10 =	sld [smem:$0x3F8F];
	_ =	sdelay $0x3  }
0x36: {  	p1 =	seq.s32 s10, $0x1;
	s10 =	sld [smem:$0x3F90];
	_ =	sdelay $0x3  }
0x37: {  	[smem:$0x3F90] =	sst s10  }
0x38: {  	s10 =	sld [smem:$0x3F91]  }
0x39: {  	_ = 	snop;
	(pc) =	sbr.ind lr, $3  }
0x3a: {  	_ = 	snop  }
0x3b: {  	_ = 	snop  }
0x3c: {  	p2 =	seq.s32 s10, $0x1;
	s10 =	sld [smem:$0x3F90]  }
0x3d: {  	_ =	shalt  }
0x3e: {  	_ =	shalt  }
0x3f: {  	_ =	shalt  }
0x40: {  	_ =	shalt  }
0x41: {  	_ =	shalt  }
0x42: {  	_ =	shalt  }
0x43: {  	_ =	shalt  }
0x44: {  	_ =	shalt  }
0x45: {  	_ =	shalt  }
0x46: {  	_ =	shalt  }
0x47: {  	_ =	shalt  }
0x48: {  	_ =	shalt  }
0x49: {  	_ =	shalt  }
0x4a: {  	_ =	shalt  }
0x4b: {  	_ =	shalt  }
0x4c: {  	_ =	shalt  }
0x4d: {  	_ =	shalt  }
0x4e: {  	_ =	shalt  }
0x4f: {  	_ =	shalt  }
0x50: {  	_ =	shalt  }
0x51: {  	_ =	shalt  }
0x52: {  	_ =	shalt  }
0x53: {  	_ =	shalt  }
0x54: {  	_ =	shalt  }
0x55: {  	_ =	shalt  }
0x56: {  	_ =	shalt  }
0x57: {  	_ =	shalt  }
0x58: {  	_ =	shalt  }
0x59: {  	_ =	shalt  }
0x5a: {  	_ =	shalt  }
0x5b: {  	_ =	shalt  }
0x5c: {  	_ =	shalt  }
0x5d: {  	_ =	shalt  }
0x5e: {  	_ =	shalt  }
0x5f: {  	_ =	shalt  }
0x60: {  	_ =	shalt  }
0x61: {  	_ =	shalt  }
0x62: {  	_ =	shalt  }
0x63: {  	_ =	shalt  }
0x64: {  	_ =	shalt  }
0x65: {  	_ =	shalt  }
0x66: {  	_ =	shalt  }
0x67: {  	_ =	shalt  }
0x68: {  	_ =	shalt  }
0x69: {  	_ =	shalt  }
0x6a: {  	_ =	shalt  }
0x6b: {  	_ =	shalt  }
0x6c: {  	_ =	shalt  }
0x6d: {  	_ =	shalt  }
0x6e: {  	_ =	shalt  }
0x6f: {  	_ =	shalt  }
0x70: {  	_ =	shalt  }
0x71: {  	_ =	shalt  }
0x72: {  	_ =	shalt  }
0x73: {  	_ =	shalt  }
0x74: {  	_ =	shalt  }
0x75: {  	_ =	shalt  }
0x76: {  	_ =	shalt  }
0x77: {  	_ =	shalt  }
0x78: {  	_ =	shalt  }
0x79: {  	_ =	shalt  }
0x7a: {  	_ =	shalt  }
0x7b: {  	_ =	shalt  }
0x7c: {  	_ =	shalt  }
0x7d: {  	_ =	shalt  }
0x7e: {  	_ =	shalt  }
0x7f: {  	_ =	shalt  }
0x80: {  	_ =	shalt  }
0x81: {  	_ =	shalt  }
0x82: {  	_ =	shalt  }
0x83: {  	_ =	shalt  }
0x84: {  	_ =	shalt  }
0x85: {  	_ =	shalt  }
0x86: {  	_ =	shalt  }
0x87: {  	_ =	shalt  }
.Lfunc_end0:
.L_simem_size_0:
called_computation.2_lowered:
.L_overlay_start_0:
0x88: {  	s2 =	sld [smem:$0x3FD9]  }
0x89: {  	s3 =	sld [smem:$0x3FFE];
	_ =	sdelay $0x1  }
0x8a: {  	s1 =	srdreg.scid  }
0x8b: {  	s0 =	sand.u32 $0x1, s1  }
0x8c: {  	s17 =	sshll.u32 s0, $0xA;
	s2 =	sadd.s32 s3, s2  }
0x8d: {  	s2 =	sadd.s32 s2, s17  }
0x8e: {  	[smem:$0x3F9C] =	sst s2  }
0x8f: {  	_ = 	snop  }
0x90: {  	s2 =	sld [smem:$0x3FD0];
	(tm) =	ssettm $0x1  }
0x91: {  	s18 =	sld [smem:$0x3FFB];
	_ =	sdelay $0x3  }
0x92: {  	_ =	strace s18  }
0x93: {  	s3 =	sld [smem:$0x3FFC];
	_ =	sdelay $0x3  }
0x94: {  	_ =	strace s3  }
0x95: {  	s3 =	sld [smem:$0x3FFD];
	_ =	sdelay $0x3  }
0x96: {  	_ =	strace s3  }
0x97: {  	_ =	strace $0x8FFFFFFF  }
0x98: {  	s19 =	sld [smem:$0x3FDB];
	_ =	sdelay $0x1  }
0x99: {  	s4 =	simm.s32 $_scs_section_size  }
0x9a: {  	s5 =	simm.s32 $_size__tile_overlayer_lowered;
	s6 =	simm.s32 $_tile_overlayer_lowered  }
0x9b: {  	s22 =	simm.s32 $0x1BFF;
	s21 =	sshll.u32 s6, $0x1;
	s3 =	sadd.s32 s4, s19  }
0x9c: {  	s7 =	simm.s32 $0x0;
	s20 =	sshll.u32 s5, $0x1;
	s5 =	sadd.s32 s21, s3  }
0x9d: {  	[timem:s7], [sflag:s22] =	dma.local [hbm:s5], s20  }
0x9e: {  	_ =	swait.ge [sflag:s22], s20  }
0x9f: {  	s4 =	ssub.s32 $0x0, s20;
	[sflag:s22] =	ssyncset.done $0x0  }
0xa0: {  	[sflag:s22] =	ssyncadd.s32 s4;
	_ =	sdelay $0x1  }
0xa1: {  	s23 =	simm.s32 $0x1B8B  }
0xa2: {  	_ =	swait.ge [sflag:s23], $0x1  }
0xa3: {  	[sflag:s23] =	ssyncset.done $0x0  }
0xa4: {  	s25 =	simm.s32 $0x1B8E;
	s24 =	sld [smem:$0x3FFE];
	[sflag:s23] =	ssyncadd.s32 $0xFFFFFFFF  }
0xa5: {  	s26 =	simm.s32 $execute0_lowered;
	[smem:$0x3FD2] =	sst s25  }
0xa6: {  	s5 =	sshll.u32 s26, $0x1;
	_ =	strace $0x8000004C;
	[dreg:$0x1] =	wrdreg $0xFFFFFFFF  }
0xa7: {  	s28 =	simm.s32 $_size_execute0_lowered;
	s3 =	sadd.s32 s3, s5;
	[dreg:$0x0] =	wrdreg $0x0  }
0xa8: {  	s5 =	sshll.u32 s28, $0x1;
	[dreg:$0x2] =	wrdreg s3  }
0xa9: {  	[dreg:$0x3] =	wrdreg s5  }
0xaa: {  	[dreg:$0x4] =	wrdreg $0xC0  }
0xab: {  	_ =	task [dreg:s7], $0x5FFFF  }
0xac: {  	[dreg:$0x1] =	wrdreg $0xFFFFFFFF  }
0xad: {  	[dreg:$0x0] =	wrdreg $0x60  }
0xae: {  	[dreg:$0x2] =	wrdreg s24  }
0xaf: {  	[dreg:$0x3] =	wrdreg s2  }
0xb0: {  	[dreg:$0x4] =	wrdreg $0x9  }
0xb1: {  	_ =	task.clear_ibuf [dreg:s7], $0x5FFFF;
	_ =	strace $0x9000004C  }
0xb2: {  	s29 =	simm.s32 $0x9;
	_ =	strace $0x8000004E  }
0xb3: {  	_ =	swait.ge [sflag:s29], $0x1  }
0xb4: {  	[sflag:s29] =	ssyncadd.s32 $0xFFFFFFFF  }
0xb5: {  	_ =	strace $0x9000004E  }
0xb6: {  	_ =	sfence  }
0xb7: {  	s30 =	sld [smem:$0x0];
	_ =	sdelay $0x2  }
0xb8: {  	s31 =	sshll.u32 s1, $0xD;
	s1 =	sshrl.u32 s1, $0x2  }
0xb9: {  	s3 =	sand.u32 $0x4000, s31;
	s1 =	sadd.s32 s1, s30  }
0xba: {  	s0 =	sor.u32 s3, s0;
	s1 =	sshll.u32 s1, $0x11  }
0xbb: {  	s0 =	sor.u32 s1, s0  }
0xbc: {  	s0 =	sadd.s32 $0x8F2B, s0  }
0xbd: {  	[sflag:s0] =	ssyncadd.remote.s32 $0x1  }
0xbe: {  	_ =	sfence.sel $0xFFFF  }
0xbf: {  	[dreg:$0x0] =	wrdreg $0xFFFFFFFF;
	(pc) =	sbr.abs _section_cstart, $3  }
0xc0: {  	[dreg:$0x1] =	wrdreg $0xFFFFFFFF  }
0xc1: {  	_ =	task.clear_ibuf [dreg:s7], $0x2FFFF;
	_ =	strace $0x9FFFFFFF  }
0xc2: {  	(tm) =	ssettm $0x7FFFFFFF  }
0xc3: {  	_ =	shalt  }
tec
execute0_lowered:
.L_overlay_start_1:
0x0: {  	(tag) =	ssettag $0x1  }
0x1: {  	s0 =	rddreg [dreg:$0x0]  }
0x2: {  	s2 =	rddreg [dreg:$0x1];
	s1 =	simm.s32 $0x0;
	s4 =	srdreg.scid  }
0x3: {  	s8 =	stileid.u32;
	s10 =	simm.s32 $0x100;
	s28 =	simm.s32 $0x8100  }
0x4: {  	s29 =	simm.s32 $0x8900;
	s30 =	simm.s32 $0x9100;
	s31 =	simm.s32 $0x9900  }
0x5: {  	s11 =	simm.s32 $0xD100;
	s12 =	simm.s32 $0xD900;
	s13 =	simm.s32 $0xE100  }
0x6: {  	s14 =	simm.s32 $0xE900;
	s15 =	simm.s32 $0xF100;
	s16 =	simm.s32 $0xF900  }
0x7: {  	s17 =	simm.s32 $0x1;
	s18 =	simm.s32 $0x2;
	s20 =	simm.s32 $0x0  }
0x8: {  	[smem:$0x7FF] =	sst s1;
	s3 =	sadd.s32 $0x28000, s0;
	s4 =	sand.u32 $0x1, s4  }
0x9: {  	s6 =	sshll.u32 s8, $0xD;
	s8 =	sshll.u32 s8, $0x12;
	_ =	strace $0x8000004D  }
0xa: {  	s5 =	ssub.s32 $0x2, s4;
	s7 =	sshll.u32 s4, $0xC;
	s0 =	sadd.s32 s8, s0  }
0xb: {  	s4 =	sshll.u32 s4, $0x11;
	s8 =	simm.s32 $0xC900;
	s9 =	sshrl.u32 s5, $0x1  }
0xc: {  	s6 =	sor.u32 s7, s6;
	s0 =	sadd.s32 s4, s0;
	s4 =	simm.s32 $0xB100  }
0xd: {  	s5 =	ssub.s32 s5, s9;
	s7 =	sshrl.u32 s6, $0x3;
	s22 =	sor.u32 $0x80, s6  }
0xe: {  	s23 =	sor.u32 $0x100, s6;
	s6 =	sadd.s32 $0x68000, s0;
	s9 =	simm.s32 $0x3  }
0xf: {  	s7 =	sadd.s32 s2, s7;
	s5 =	smax.u32 s5, $0x1;
	s24 =	sshrl.u32 s22, $0x3  }
.Ltmp0:
0x10: {  	s25 =	sshrl.u32 s23, $0x3;
	[dreg:$0x3] =	wrdreg s7;
	(pc) =	sbr.rel .LBB2_1-.Ltmp0, $4  }
0x11: {  	[dreg:$0x4] =	wrdreg s5;
	s0 =	sadd.s32 s24, s2;
	s26 =	sadd.s32 s25, s2  }
0x12: {  	v2 =	vlaneseq.u32;
	s24 =	simm.s32 $0x7100;
	s25 =	simm.s32 $0x7900;
	s2 =	simm.s32 $0xA900  }
0x13: {  	vm0 =	vmmov $0xffff;
	v1 =	vshrl.u32 v2, $0x3;
	s5 =	simm.s32 $0xB900;
	s7 =	simm.s32 $0xC100;
	[dreg:$0x5] =	wrdreg s0  }
0x14: {  	v0 =	vand.u32 $0x7, v2;
	v2 =	vor.u32 $0x8, v2;
	v1 =	vmul.u32 $0x8, v1;
	[dreg:$0x6] =	wrdreg s26;
	s26 =	simm.s32 $0x80;
	s0 =	simm.s32 $0xA100  }
.LBB2_5:
0x15: {  	s20 =	rddreg [dreg:$0x7]  }
0x16: {  	s19 =	rddreg [dreg:$0x4];
	s20 =	sadd.s32 $0x1, s20  }
0x17: {  	p0 =	sne.s32 s20, s19  }
.Ltmp1:
0x18: {  	_ = 	snop;
	(pc) =	sbr.rel @!p0 .LBB2_6-.Ltmp1, $1  }
0x19: {  	_ =	sdelay $0x3  }
.LBB2_1:
0x1a: {  	[dreg:$0x7] =	wrdreg s20  }
0x1b: {  	s19 =	rddreg [dreg:$0x3]  }
0x1c: {  	[tilespmem:s1], [sflag:$0x3] =	stream.linear.gather [hbm4b:s19+s1], $0x80, $0x38;
	[tilespmem:$0x10100] =	vst v63  }
0x1d: {  	_ =	swait.ge [sflag:s9], $0x80  }
0x1e: {  	[sflag:s9] =	ssyncset.done $0x0  }
0x1f: {  	[sflag:s9] =	ssyncadd.s32 $0xFFFFFF80  }
0x20: {  	v3 =	vld [tilespmem:$0x0];
	_ =	sdelay $0x4  }
0x21: {  	v4 =	vshll.u32 v3, $0x1  }
0x22: {  	v3 =	vand.u32 $0x7, v3;
	v4 =	vand.u32 $0xFFFFFFF0, v4  }
0x23: {  	v3 =	vor.u32 v3, v4  }
0x24: {  	v4 =	vperm.xlane v3, v0;
	_ =	sdelay $0x1  }
0x25: {  	v3 =	vperm.xlane v3, v2;
	v4 =	vadd.s32 v1, v4;
	_ =	sdelay $0x1  }
0x26: {  	v3 =	vadd.s32 v1, v3;
	_ =	sdelay $0x2  }
0x27: {  	[tilespmem:s10], [sflag:$0x1] =	stream.indirect_vreg.gather [hbm4b:s3+s1], $0x80, v4, vm0, $0xb8;
	[tilespmem:$0x10100] =	vst v63  }
0x28: {  	s23 =	simm.s32 $0x900  }
0x29: {  	[tilespmem:s23], [sflag:$0x1] =	stream.indirect_vreg.gather [hbm4b:s3+s1], $0x80, v3, vm0, $0xb8;
	[tilespmem:$0x10100] =	vst v63  }
0x2a: {  	v3 =	vld [tilespmem:$0x10];
	_ =	sdelay $0x4  }
0x2b: {  	v57 =	vshll.u32 v3, $0x1  }
0x2c: {  	v3 =	vand.u32 $0x7, v3;
	v4 =	vand.u32 $0xFFFFFFF0, v57  }
0x2d: {  	v3 =	vor.u32 v3, v4  }
0x2e: {  	v4 =	vperm.xlane v3, v0;
	_ =	sdelay $0x1  }
0x2f: {  	v3 =	vperm.xlane v3, v2;
	v4 =	vadd.s32 v1, v4;
	_ =	sdelay $0x1  }
0x30: {  	v3 =	vadd.s32 v1, v3;
	_ =	sdelay $0x1  }
0x31: {  	s20 =	simm.s32 $0x1100  }
0x32: {  	[tilespmem:s20], [sflag:$0x1] =	stream.indirect_vreg.gather [hbm4b:s3+s1], $0x80, v4, vm0, $0xb8;
	[tilespmem:$0x10100] =	vst v63  }
0x33: {  	s21 =	simm.s32 $0x1900  }
0x34: {  	[tilespmem:s21], [sflag:$0x1] =	stream.indirect_vreg.gather [hbm4b:s3+s1], $0x80, v3, vm0, $0xb8;
	[tilespmem:$0x10100] =	vst v63  }
0x35: {  	v3 =	vld [tilespmem:$0x20];
	_ =	sdelay $0x4  }
0x36: {  	v58 =	vshll.u32 v3, $0x1  }
0x37: {  	v3 =	vand.u32 $0x7, v3;
	v4 =	vand.u32 $0xFFFFFFF0, v58  }
0x38: {  	v3 =	vor.u32 v3, v4  }
0x39: {  	v4 =	vperm.xlane v3, v0;
	_ =	sdelay $0x1  }
0x3a: {  	v3 =	vperm.xlane v3, v2;
	v4 =	vadd.s32 v1, v4;
	_ =	sdelay $0x1  }
0x3b: {  	v3 =	vadd.s32 v1, v3;
	_ =	sdelay $0x1  }
0x3c: {  	s22 =	simm.s32 $0x2100  }
0x3d: {  	[tilespmem:s22], [sflag:$0x1] =	stream.indirect_vreg.gather [hbm4b:s3+s1], $0x80, v4, vm0, $0xb8;
	[tilespmem:$0x10100] =	vst v63  }
0x3e: {  	s23 =	simm.s32 $0x2900  }
0x3f: {  	[tilespmem:s23], [sflag:$0x1] =	stream.indirect_vreg.gather [hbm4b:s3+s1], $0x80, v3, vm0, $0xb8;
	[tilespmem:$0x10100] =	vst v63  }
0x40: {  	v3 =	vld [tilespmem:$0x30];
	_ =	sdelay $0x4  }
0x41: {  	v59 =	vshll.u32 v3, $0x1  }
0x42: {  	v3 =	vand.u32 $0x7, v3;
	v4 =	vand.u32 $0xFFFFFFF0, v59  }
0x43: {  	v3 =	vor.u32 v3, v4  }
0x44: {  	v4 =	vperm.xlane v3, v0;
	_ =	sdelay $0x1  }
0x45: {  	v3 =	vperm.xlane v3, v2;
	v4 =	vadd.s32 v1, v4;
	_ =	sdelay $0x1  }
0x46: {  	v3 =	vadd.s32 v1, v3;
	_ =	sdelay $0x1  }
0x47: {  	s20 =	simm.s32 $0x3100  }
0x48: {  	[tilespmem:s20], [sflag:$0x1] =	stream.indirect_vreg.gather [hbm4b:s3+s1], $0x80, v4, vm0, $0xb8;
	[tilespmem:$0x10100] =	vst v63  }
0x49: {  	s21 =	simm.s32 $0x3900  }
0x4a: {  	[tilespmem:s21], [sflag:$0x1] =	stream.indirect_vreg.gather [hbm4b:s3+s1], $0x80, v3, vm0, $0xb8;
	[tilespmem:$0x10100] =	vst v63  }
0x4b: {  	v3 =	vld [tilespmem:$0x40];
	_ =	sdelay $0x4  }
0x4c: {  	v60 =	vshll.u32 v3, $0x1  }
0x4d: {  	v3 =	vand.u32 $0x7, v3;
	v4 =	vand.u32 $0xFFFFFFF0, v60  }
0x4e: {  	v3 =	vor.u32 v3, v4  }
0x4f: {  	v4 =	vperm.xlane v3, v0;
	_ =	sdelay $0x1  }
0x50: {  	v3 =	vperm.xlane v3, v2;
	v4 =	vadd.s32 v1, v4;
	_ =	sdelay $0x1  }
0x51: {  	v3 =	vadd.s32 v1, v3;
	_ =	sdelay $0x1  }
0x52: {  	s22 =	simm.s32 $0x4100  }
0x53: {  	[tilespmem:s22], [sflag:$0x1] =	stream.indirect_vreg.gather [hbm4b:s3+s1], $0x80, v4, vm0, $0xb8;
	[tilespmem:$0x10100] =	vst v63  }
0x54: {  	s23 =	simm.s32 $0x4900  }
0x55: {  	[tilespmem:s23], [sflag:$0x1] =	stream.indirect_vreg.gather [hbm4b:s3+s1], $0x80, v3, vm0, $0xb8;
	[tilespmem:$0x10100] =	vst v63  }
0x56: {  	v3 =	vld [tilespmem:$0x50];
	_ =	sdelay $0x4  }
0x57: {  	v61 =	vshll.u32 v3, $0x1  }
0x58: {  	v3 =	vand.u32 $0x7, v3;
	v4 =	vand.u32 $0xFFFFFFF0, v61  }
0x59: {  	v3 =	vor.u32 v3, v4  }
0x5a: {  	v4 =	vperm.xlane v3, v0;
	_ =	sdelay $0x1  }
0x5b: {  	v3 =	vperm.xlane v3, v2;
	v4 =	vadd.s32 v1, v4;
	_ =	sdelay $0x1  }
0x5c: {  	v3 =	vadd.s32 v1, v3;
	_ =	sdelay $0x1  }
0x5d: {  	s20 =	simm.s32 $0x5100  }
0x5e: {  	[tilespmem:s20], [sflag:$0x1] =	stream.indirect_vreg.gather [hbm4b:s3+s1], $0x80, v4, vm0, $0xb8;
	[tilespmem:$0x10100] =	vst v63  }
0x5f: {  	s21 =	simm.s32 $0x5900  }
0x60: {  	[tilespmem:s21], [sflag:$0x1] =	stream.indirect_vreg.gather [hbm4b:s3+s1], $0x80, v3, vm0, $0xb8;
	[tilespmem:$0x10100] =	vst v63  }
0x61: {  	v3 =	vld [tilespmem:$0x60];
	_ =	sdelay $0x4  }
0x62: {  	v62 =	vshll.u32 v3, $0x1  }
0x63: {  	v3 =	vand.u32 $0x7, v3;
	v4 =	vand.u32 $0xFFFFFFF0, v62  }
0x64: {  	v3 =	vor.u32 v3, v4  }
0x65: {  	v4 =	vperm.xlane v3, v0;
	_ =	sdelay $0x1  }
0x66: {  	v3 =	vperm.xlane v3, v2;
	v4 =	vadd.s32 v1, v4;
	_ =	sdelay $0x1  }
0x67: {  	v3 =	vadd.s32 v1, v3;
	_ =	sdelay $0x1  }
0x68: {  	s22 =	simm.s32 $0x6100  }
0x69: {  	[tilespmem:s22], [sflag:$0x1] =	stream.indirect_vreg.gather [hbm4b:s3+s1], $0x80, v4, vm0, $0xb8;
	[tilespmem:$0x10100] =	vst v63  }
0x6a: {  	s23 =	simm.s32 $0x6900  }
0x6b: {  	[tilespmem:s23], [sflag:$0x1] =	stream.indirect_vreg.gather [hbm4b:s3+s1], $0x80, v3, vm0, $0xb8;
	[tilespmem:$0x10100] =	vst v63  }
0x6c: {  	v3 =	vld [tilespmem:$0x70];
	_ =	sdelay $0x4  }
0x6d: {  	v63 =	vshll.u32 v3, $0x1  }
0x6e: {  	v3 =	vand.u32 $0x7, v3;
	v4 =	vand.u32 $0xFFFFFFF0, v63  }
0x6f: {  	v3 =	vor.u32 v3, v4  }
0x70: {  	v4 =	vperm.xlane v3, v0;
	_ =	sdelay $0x1  }
0x71: {  	v3 =	vperm.xlane v3, v2;
	v4 =	vadd.s32 v1, v4;
	_ =	sdelay $0x1  }
0x72: {  	v3 =	vadd.s32 v1, v3  }
.Ltmp2:
0x73: {  	_ = 	snop;
	(pc) =	sbr.rel .LBB2_2-.Ltmp2, $4  }
0x74: {  	s19 =	rddreg [dreg:$0x6]  }
0x75: {  	[tilespmem:s24], [sflag:$0x1] =	stream.indirect_vreg.gather [hbm4b:s3+s1], $0x80, v4, vm0, $0xb8;
	[tilespmem:$0x10100] =	vst v63  }
0x76: {  	s20 =	rddreg [dreg:$0x5];
	s21 =	simm.s32 $0x0  }
0x77: {  	[tilespmem:s25], [sflag:$0x1] =	stream.indirect_vreg.gather [hbm4b:s3+s1], $0x80, v3, vm0, $0xb8;
	[tilespmem:$0x10100] =	vst v63  }
.LBB2_4:
0x78: {  	_ =	swait.ge [sflag:s18], $0x8000;
	s21 =	sadd.s32 $0x2000, s21  }
0x79: {  	[sflag:s18] =	ssyncset.done $0x0;
	p0 =	sne.s32 s21, $0x20000  }
.Ltmp3:
0x7a: {  	s22 =	sadd.s32 $0x1000, s22;
	[sflag:s18] =	ssyncadd.s32 $0xFFFF8000;
	(pc) =	sbr.rel @!p0 .LBB2_5-.Ltmp3, $4  }
0x7b: {  	[hbm4b:s22+s1] =	stream.linear.scatter [tilespmem:s28], [sflag:$0x3], $0x8000, $0x38;
	[tilespmem:$0x10100] =	vst v63  }
0x7c: {  	_ =	swait.ge [sflag:s9], $0x8000  }
0x7d: {  	[sflag:s9] =	ssyncset.done $0x0  }
0x7e: {  	s20 =	sadd.s32 $0x20, s20;
	s19 =	sadd.s32 $0x20, s19;
	[sflag:s9] =	ssyncadd.s32 $0xFFFF8000  }
.LBB2_2:
0x7f: {  	[tilespmem:s26], [sflag:$0x3] =	stream.linear.gather [hbm4b:s20+s1], $0x80, $0x38;
	[tilespmem:$0x10100] =	vst v63  }
0x80: {  	_ =	swait.ge [sflag:s9], $0x80  }
0x81: {  	[sflag:s9] =	ssyncset.done $0x0  }
0x82: {  	[sflag:s9] =	ssyncadd.s32 $0xFFFFFF80  }
0x83: {  	v3 =	vld [tilespmem:$0x80];
	_ =	sdelay $0x4  }
0x84: {  	v4 =	vshll.u32 v3, $0x1  }
0x85: {  	v3 =	vand.u32 $0x7, v3;
	v4 =	vand.u32 $0xFFFFFFF0, v4  }
0x86: {  	v3 =	vor.u32 v3, v4  }
0x87: {  	v4 =	vperm.xlane v3, v0;
	_ =	sdelay $0x1  }
0x88: {  	v3 =	vperm.xlane v3, v2;
	v4 =	vadd.s32 v1, v4;
	_ =	sdelay $0x1  }
0x89: {  	v3 =	vadd.s32 v1, v3;
	_ =	sdelay $0x2  }
0x8a: {  	[tilespmem:s28], [sflag:$0x2] =	stream.indirect_vreg.gather [hbm4b:s3+s1], $0x80, v4, vm0, $0xb8;
	[tilespmem:$0x10100] =	vst v63  }
0x8b: {  	_ = 	snop  }
0x8c: {  	[tilespmem:s29], [sflag:$0x2] =	stream.indirect_vreg.gather [hbm4b:s3+s1], $0x80, v3, vm0, $0xb8;
	[tilespmem:$0x10100] =	vst v63  }
0x8d: {  	v3 =	vld [tilespmem:$0x90];
	_ =	sdelay $0x4  }
0x8e: {  	v57 =	vshll.u32 v3, $0x1  }
0x8f: {  	v3 =	vand.u32 $0x7, v3;
	v4 =	vand.u32 $0xFFFFFFF0, v57  }
0x90: {  	v3 =	vor.u32 v3, v4  }
0x91: {  	v4 =	vperm.xlane v3, v0;
	_ =	sdelay $0x1  }
0x92: {  	v3 =	vperm.xlane v3, v2;
	v4 =	vadd.s32 v1, v4;
	_ =	sdelay $0x1  }
0x93: {  	v3 =	vadd.s32 v1, v3;
	_ =	sdelay $0x2  }
0x94: {  	[tilespmem:s30], [sflag:$0x2] =	stream.indirect_vreg.gather [hbm4b:s3+s1], $0x80, v4, vm0, $0xb8;
	[tilespmem:$0x10100] =	vst v63  }
0x95: {  	_ = 	snop  }
0x96: {  	[tilespmem:s31], [sflag:$0x2] =	stream.indirect_vreg.gather [hbm4b:s3+s1], $0x80, v3, vm0, $0xb8;
	[tilespmem:$0x10100] =	vst v63  }
0x97: {  	v3 =	vld [tilespmem:$0xA0];
	_ =	sdelay $0x4  }
0x98: {  	v58 =	vshll.u32 v3, $0x1  }
0x99: {  	v3 =	vand.u32 $0x7, v3;
	v4 =	vand.u32 $0xFFFFFFF0, v58  }
0x9a: {  	v3 =	vor.u32 v3, v4  }
0x9b: {  	v4 =	vperm.xlane v3, v0;
	_ =	sdelay $0x1  }
0x9c: {  	v3 =	vperm.xlane v3, v2;
	v4 =	vadd.s32 v1, v4;
	_ =	sdelay $0x1  }
0x9d: {  	v3 =	vadd.s32 v1, v3;
	_ =	sdelay $0x2  }
0x9e: {  	[tilespmem:s0], [sflag:$0x2] =	stream.indirect_vreg.gather [hbm4b:s3+s1], $0x80, v4, vm0, $0xb8;
	[tilespmem:$0x10100] =	vst v63  }
0x9f: {  	_ = 	snop  }
0xa0: {  	[tilespmem:s2], [sflag:$0x2] =	stream.indirect_vreg.gather [hbm4b:s3+s1], $0x80, v3, vm0, $0xb8;
	[tilespmem:$0x10100] =	vst v63  }
0xa1: {  	v3 =	vld [tilespmem:$0xB0];
	_ =	sdelay $0x4  }
0xa2: {  	v59 =	vshll.u32 v3, $0x1  }
0xa3: {  	v3 =	vand.u32 $0x7, v3;
	v4 =	vand.u32 $0xFFFFFFF0, v59  }
0xa4: {  	v3 =	vor.u32 v3, v4  }
0xa5: {  	v4 =	vperm.xlane v3, v0;
	_ =	sdelay $0x1  }
0xa6: {  	v3 =	vperm.xlane v3, v2;
	v4 =	vadd.s32 v1, v4;
	_ =	sdelay $0x1  }
0xa7: {  	v3 =	vadd.s32 v1, v3;
	_ =	sdelay $0x2  }
0xa8: {  	[tilespmem:s4], [sflag:$0x2] =	stream.indirect_vreg.gather [hbm4b:s3+s1], $0x80, v4, vm0, $0xb8;
	[tilespmem:$0x10100] =	vst v63  }
0xa9: {  	_ = 	snop  }
0xaa: {  	[tilespmem:s5], [sflag:$0x2] =	stream.indirect_vreg.gather [hbm4b:s3+s1], $0x80, v3, vm0, $0xb8;
	[tilespmem:$0x10100] =	vst v63  }
0xab: {  	v3 =	vld [tilespmem:$0xC0];
	_ =	sdelay $0x4  }
0xac: {  	v60 =	vshll.u32 v3, $0x1  }
0xad: {  	v3 =	vand.u32 $0x7, v3;
	v4 =	vand.u32 $0xFFFFFFF0, v60  }
0xae: {  	v3 =	vor.u32 v3, v4  }
0xaf: {  	v4 =	vperm.xlane v3, v0;
	_ =	sdelay $0x1  }
0xb0: {  	v3 =	vperm.xlane v3, v2;
	v4 =	vadd.s32 v1, v4;
	_ =	sdelay $0x1  }
0xb1: {  	v3 =	vadd.s32 v1, v3;
	_ =	sdelay $0x2  }
0xb2: {  	[tilespmem:s7], [sflag:$0x2] =	stream.indirect_vreg.gather [hbm4b:s3+s1], $0x80, v4, vm0, $0xb8;
	[tilespmem:$0x10100] =	vst v63  }
0xb3: {  	_ = 	snop  }
0xb4: {  	[tilespmem:s8], [sflag:$0x2] =	stream.indirect_vreg.gather [hbm4b:s3+s1], $0x80, v3, vm0, $0xb8;
	[tilespmem:$0x10100] =	vst v63  }
0xb5: {  	v3 =	vld [tilespmem:$0xD0];
	_ =	sdelay $0x4  }
0xb6: {  	v61 =	vshll.u32 v3, $0x1  }
0xb7: {  	v3 =	vand.u32 $0x7, v3;
	v4 =	vand.u32 $0xFFFFFFF0, v61  }
0xb8: {  	v3 =	vor.u32 v3, v4  }
0xb9: {  	v4 =	vperm.xlane v3, v0;
	_ =	sdelay $0x1  }
0xba: {  	v3 =	vperm.xlane v3, v2;
	v4 =	vadd.s32 v1, v4;
	_ =	sdelay $0x1  }
0xbb: {  	v3 =	vadd.s32 v1, v3;
	_ =	sdelay $0x2  }
0xbc: {  	[tilespmem:s11], [sflag:$0x2] =	stream.indirect_vreg.gather [hbm4b:s3+s1], $0x80, v4, vm0, $0xb8;
	[tilespmem:$0x10100] =	vst v63  }
0xbd: {  	_ = 	snop  }
0xbe: {  	[tilespmem:s12], [sflag:$0x2] =	stream.indirect_vreg.gather [hbm4b:s3+s1], $0x80, v3, vm0, $0xb8;
	[tilespmem:$0x10100] =	vst v63  }
0xbf: {  	v3 =	vld [tilespmem:$0xE0];
	_ =	sdelay $0x4  }
0xc0: {  	v62 =	vshll.u32 v3, $0x1  }
0xc1: {  	v3 =	vand.u32 $0x7, v3;
	v4 =	vand.u32 $0xFFFFFFF0, v62  }
0xc2: {  	v3 =	vor.u32 v3, v4  }
0xc3: {  	v4 =	vperm.xlane v3, v0;
	_ =	sdelay $0x1  }
0xc4: {  	v3 =	vperm.xlane v3, v2;
	v4 =	vadd.s32 v1, v4;
	_ =	sdelay $0x1  }
0xc5: {  	v3 =	vadd.s32 v1, v3;
	_ =	sdelay $0x2  }
0xc6: {  	[tilespmem:s13], [sflag:$0x2] =	stream.indirect_vreg.gather [hbm4b:s3+s1], $0x80, v4, vm0, $0xb8;
	[tilespmem:$0x10100] =	vst v63  }
0xc7: {  	_ = 	snop  }
0xc8: {  	[tilespmem:s14], [sflag:$0x2] =	stream.indirect_vreg.gather [hbm4b:s3+s1], $0x80, v3, vm0, $0xb8;
	[tilespmem:$0x10100] =	vst v63  }
0xc9: {  	v3 =	vld [tilespmem:$0xF0];
	_ =	sdelay $0x4  }
0xca: {  	v63 =	vshll.u32 v3, $0x1  }
0xcb: {  	v3 =	vand.u32 $0x7, v3;
	v4 =	vand.u32 $0xFFFFFFF0, v63  }
0xcc: {  	v3 =	vor.u32 v3, v4  }
0xcd: {  	v4 =	vperm.xlane v3, v0;
	_ =	sdelay $0x1  }
0xce: {  	v3 =	vperm.xlane v3, v2;
	v4 =	vadd.s32 v1, v4;
	_ =	sdelay $0x1  }
0xcf: {  	v3 =	vadd.s32 v1, v3;
	_ =	sdelay $0x2  }
0xd0: {  	[tilespmem:s15], [sflag:$0x2] =	stream.indirect_vreg.gather [hbm4b:s3+s1], $0x80, v4, vm0, $0xb8;
	[tilespmem:$0x10100] =	vst v63  }
0xd1: {  	_ = 	snop  }
0xd2: {  	[tilespmem:s16], [sflag:$0x2] =	stream.indirect_vreg.gather [hbm4b:s3+s1], $0x80, v3, vm0, $0xb8;
	[tilespmem:$0x10100] =	vst v63  }
0xd3: {  	_ =	swait.ge [sflag:s17], $0x8000  }
0xd4: {  	p0 =	seq.s32 s21, $0x1E000;
	[sflag:s17] =	ssyncset.done $0x0  }
.Ltmp4:
0xd5: {  	s22 =	sadd.s32 s21, s6;
	[sflag:s17] =	ssyncadd.s32 $0xFFFF8000;
	(pc) =	sbr.rel @p0 .LBB2_4-.Ltmp4, $4  }
0xd6: {  	[hbm4b:s22+s1] =	stream.linear.scatter [tilespmem:s10], [sflag:$0x3], $0x8000, $0x38;
	[tilespmem:$0x10100] =	vst v63  }
0xd7: {  	_ =	swait.ge [sflag:s9], $0x8000  }
0xd8: {  	[sflag:s9] =	ssyncset.done $0x0  }
0xd9: {  	[sflag:s9] =	ssyncadd.s32 $0xFFFF8000  }
0xda: {  	[tilespmem:s1], [sflag:$0x3] =	stream.linear.gather [hbm4b:s19+s1], $0x80, $0x38;
	[tilespmem:$0x10100] =	vst v63  }
0xdb: {  	_ =	swait.ge [sflag:s9], $0x80  }
0xdc: {  	[sflag:s9] =	ssyncset.done $0x0  }
0xdd: {  	[sflag:s9] =	ssyncadd.s32 $0xFFFFFF80  }
0xde: {  	v3 =	vld [tilespmem:$0x0];
	_ =	sdelay $0x4  }
0xdf: {  	v4 =	vshll.u32 v3, $0x1  }
0xe0: {  	v3 =	vand.u32 $0x7, v3;
	v4 =	vand.u32 $0xFFFFFFF0, v4  }
0xe1: {  	v3 =	vor.u32 v3, v4  }
0xe2: {  	v4 =	vperm.xlane v3, v0;
	_ =	sdelay $0x1  }
0xe3: {  	v3 =	vperm.xlane v3, v2;
	v4 =	vadd.s32 v1, v4;
	_ =	sdelay $0x1  }
0xe4: {  	v3 =	vadd.s32 v1, v3;
	_ =	sdelay $0x2  }
0xe5: {  	[tilespmem:s10], [sflag:$0x1] =	stream.indirect_vreg.gather [hbm4b:s3+s1], $0x80, v4, vm0, $0xb8;
	[tilespmem:$0x10100] =	vst v63  }
0xe6: {  	s23 =	simm.s32 $0x900  }
0xe7: {  	[tilespmem:s23], [sflag:$0x1] =	stream.indirect_vreg.gather [hbm4b:s3+s1], $0x80, v3, vm0, $0xb8;
	[tilespmem:$0x10100] =	vst v63  }
0xe8: {  	v3 =	vld [tilespmem:$0x10];
	_ =	sdelay $0x4  }
0xe9: {  	v57 =	vshll.u32 v3, $0x1  }
0xea: {  	v3 =	vand.u32 $0x7, v3;
	v4 =	vand.u32 $0xFFFFFFF0, v57  }
0xeb: {  	v3 =	vor.u32 v3, v4  }
0xec: {  	v4 =	vperm.xlane v3, v0;
	_ =	sdelay $0x1  }
0xed: {  	v3 =	vperm.xlane v3, v2;
	v4 =	vadd.s32 v1, v4;
	_ =	sdelay $0x1  }
0xee: {  	v3 =	vadd.s32 v1, v3;
	_ =	sdelay $0x1  }
0xef: {  	s23 =	simm.s32 $0x1100  }
0xf0: {  	[tilespmem:s23], [sflag:$0x1] =	stream.indirect_vreg.gather [hbm4b:s3+s1], $0x80, v4, vm0, $0xb8;
	[tilespmem:$0x10100] =	vst v63  }
0xf1: {  	s23 =	simm.s32 $0x1900  }
0xf2: {  	[tilespmem:s23], [sflag:$0x1] =	stream.indirect_vreg.gather [hbm4b:s3+s1], $0x80, v3, vm0, $0xb8;
	[tilespmem:$0x10100] =	vst v63  }
0xf3: {  	v3 =	vld [tilespmem:$0x20];
	_ =	sdelay $0x4  }
0xf4: {  	v58 =	vshll.u32 v3, $0x1  }
0xf5: {  	v3 =	vand.u32 $0x7, v3;
	v4 =	vand.u32 $0xFFFFFFF0, v58  }
0xf6: {  	v3 =	vor.u32 v3, v4  }
0xf7: {  	v4 =	vperm.xlane v3, v0;
	_ =	sdelay $0x1  }
0xf8: {  	v3 =	vperm.xlane v3, v2;
	v4 =	vadd.s32 v1, v4;
	_ =	sdelay $0x1  }
0xf9: {  	v3 =	vadd.s32 v1, v3;
	_ =	sdelay $0x1  }
0xfa: {  	s23 =	simm.s32 $0x2100  }
0xfb: {  	[tilespmem:s23], [sflag:$0x1] =	stream.indirect_vreg.gather [hbm4b:s3+s1], $0x80, v4, vm0, $0xb8;
	[tilespmem:$0x10100] =	vst v63  }
0xfc: {  	s23 =	simm.s32 $0x2900  }
0xfd: {  	[tilespmem:s23], [sflag:$0x1] =	stream.indirect_vreg.gather [hbm4b:s3+s1], $0x80, v3, vm0, $0xb8;
	[tilespmem:$0x10100] =	vst v63  }
0xfe: {  	v3 =	vld [tilespmem:$0x30];
	_ =	sdelay $0x4  }
0xff: {  	v59 =	vshll.u32 v3, $0x1  }
0x100: {  	v3 =	vand.u32 $0x7, v3;
	v4 =	vand.u32 $0xFFFFFFF0, v59  }
0x101: {  	v3 =	vor.u32 v3, v4  }
0x102: {  	v4 =	vperm.xlane v3, v0;
	_ =	sdelay $0x1  }
0x103: {  	v3 =	vperm.xlane v3, v2;
	v4 =	vadd.s32 v1, v4;
	_ =	sdelay $0x1  }
0x104: {  	v3 =	vadd.s32 v1, v3;
	_ =	sdelay $0x1  }
0x105: {  	s23 =	simm.s32 $0x3100  }
0x106: {  	[tilespmem:s23], [sflag:$0x1] =	stream.indirect_vreg.gather [hbm4b:s3+s1], $0x80, v4, vm0, $0xb8;
	[tilespmem:$0x10100] =	vst v63  }
0x107: {  	s23 =	simm.s32 $0x3900  }
0x108: {  	[tilespmem:s23], [sflag:$0x1] =	stream.indirect_vreg.gather [hbm4b:s3+s1], $0x80, v3, vm0, $0xb8;
	[tilespmem:$0x10100] =	vst v63  }
0x109: {  	v3 =	vld [tilespmem:$0x40];
	_ =	sdelay $0x4  }
0x10a: {  	v60 =	vshll.u32 v3, $0x1  }
0x10b: {  	v3 =	vand.u32 $0x7, v3;
	v4 =	vand.u32 $0xFFFFFFF0, v60  }
0x10c: {  	v3 =	vor.u32 v3, v4  }
0x10d: {  	v4 =	vperm.xlane v3, v0;
	_ =	sdelay $0x1  }
0x10e: {  	v3 =	vperm.xlane v3, v2;
	v4 =	vadd.s32 v1, v4;
	_ =	sdelay $0x1  }
0x10f: {  	v3 =	vadd.s32 v1, v3;
	_ =	sdelay $0x1  }
0x110: {  	s23 =	simm.s32 $0x4100  }
0x111: {  	[tilespmem:s23], [sflag:$0x1] =	stream.indirect_vreg.gather [hbm4b:s3+s1], $0x80, v4, vm0, $0xb8;
	[tilespmem:$0x10100] =	vst v63  }
0x112: {  	s23 =	simm.s32 $0x4900  }
0x113: {  	[tilespmem:s23], [sflag:$0x1] =	stream.indirect_vreg.gather [hbm4b:s3+s1], $0x80, v3, vm0, $0xb8;
	[tilespmem:$0x10100] =	vst v63  }
0x114: {  	v3 =	vld [tilespmem:$0x50];
	_ =	sdelay $0x4  }
0x115: {  	v61 =	vshll.u32 v3, $0x1  }
0x116: {  	v3 =	vand.u32 $0x7, v3;
	v4 =	vand.u32 $0xFFFFFFF0, v61  }
0x117: {  	v3 =	vor.u32 v3, v4  }
0x118: {  	v4 =	vperm.xlane v3, v0;
	_ =	sdelay $0x1  }
0x119: {  	v3 =	vperm.xlane v3, v2;
	v4 =	vadd.s32 v1, v4;
	_ =	sdelay $0x1  }
0x11a: {  	v3 =	vadd.s32 v1, v3;
	_ =	sdelay $0x1  }
0x11b: {  	s23 =	simm.s32 $0x5100  }
0x11c: {  	[tilespmem:s23], [sflag:$0x1] =	stream.indirect_vreg.gather [hbm4b:s3+s1], $0x80, v4, vm0, $0xb8;
	[tilespmem:$0x10100] =	vst v63  }
0x11d: {  	s23 =	simm.s32 $0x5900  }
0x11e: {  	[tilespmem:s23], [sflag:$0x1] =	stream.indirect_vreg.gather [hbm4b:s3+s1], $0x80, v3, vm0, $0xb8;
	[tilespmem:$0x10100] =	vst v63  }
0x11f: {  	v3 =	vld [tilespmem:$0x60];
	_ =	sdelay $0x4  }
0x120: {  	v62 =	vshll.u32 v3, $0x1  }
0x121: {  	v3 =	vand.u32 $0x7, v3;
	v4 =	vand.u32 $0xFFFFFFF0, v62  }
0x122: {  	v3 =	vor.u32 v3, v4  }
0x123: {  	v4 =	vperm.xlane v3, v0;
	_ =	sdelay $0x1  }
0x124: {  	v3 =	vperm.xlane v3, v2;
	v4 =	vadd.s32 v1, v4;
	_ =	sdelay $0x1  }
0x125: {  	v3 =	vadd.s32 v1, v3;
	_ =	sdelay $0x1  }
0x126: {  	s23 =	simm.s32 $0x6100  }
0x127: {  	[tilespmem:s23], [sflag:$0x1] =	stream.indirect_vreg.gather [hbm4b:s3+s1], $0x80, v4, vm0, $0xb8;
	[tilespmem:$0x10100] =	vst v63  }
0x128: {  	s23 =	simm.s32 $0x6900  }
0x129: {  	[tilespmem:s23], [sflag:$0x1] =	stream.indirect_vreg.gather [hbm4b:s3+s1], $0x80, v3, vm0, $0xb8;
	[tilespmem:$0x10100] =	vst v63  }
0x12a: {  	v3 =	vld [tilespmem:$0x70];
	_ =	sdelay $0x4  }
0x12b: {  	v63 =	vshll.u32 v3, $0x1  }
0x12c: {  	v3 =	vand.u32 $0x7, v3;
	v4 =	vand.u32 $0xFFFFFFF0, v63  }
0x12d: {  	v3 =	vor.u32 v3, v4  }
0x12e: {  	v4 =	vperm.xlane v3, v0;
	_ =	sdelay $0x1  }
0x12f: {  	v3 =	vperm.xlane v3, v2;
	v4 =	vadd.s32 v1, v4;
	_ =	sdelay $0x1  }
0x130: {  	v3 =	vadd.s32 v1, v3  }
.Ltmp5:
0x131: {  	_ = 	snop;
	(pc) =	sbr.rel .LBB2_4-.Ltmp5, $4  }
0x132: {  	_ = 	snop  }
0x133: {  	[tilespmem:s24], [sflag:$0x1] =	stream.indirect_vreg.gather [hbm4b:s3+s1], $0x80, v4, vm0, $0xb8;
	[tilespmem:$0x10100] =	vst v63  }
0x134: {  	_ = 	snop  }
0x135: {  	[tilespmem:s25], [sflag:$0x1] =	stream.indirect_vreg.gather [hbm4b:s3+s1], $0x80, v3, vm0, $0xb8;
	[tilespmem:$0x10100] =	vst v63  }
.LBB2_6:
0x136: {  	_ =	sfence.sel $0x180000  }
0x137: {  	[bflag:$0x0] =	sbarrier.arrive $0xFFFF  }
0x138: {  	_ =	strace $0x9000004D  }
0x139: {  	s0 =	stileid.u32;
	[bflag:$0x2] =	sbarrier.arrive $0xFFFF  }
0x13a: {  	p0 =	sne.s32 s0, $0x0;
	s0 =	rddreg [dreg:$0x2]  }
0x13b: {  	s0 =	sadd.s32 @!p0 $0x100000, s0  }
0x13c: {  	[sflag:s0] =	ssyncadd.tile.s32 @!p0 $0x1;
	_ =	shalt  }
.Lfunc_end2:
_tile_overlayer_lowered:
.L_overlay_start_2:
0x13d: {  	(tag) =	ssettag $0x2  }
0x13e: {  	s0 =	rddreg [dreg:$0x0];
	s2 =	stileid.u32  }
0x13f: {  	s1 =	rddreg [dreg:$0x1];
	p0 =	sne.s32 s2, $0x0  }
0x140: {  	s3 =	rddreg [dreg:$0x2];
	[bflag:$0x3] =	sbarrier.arrive $0xFFFF;
	s2 =	simm.s32 @!p0 $0x1C03  }
0x141: {  	[timem:s3], [sflag:s2] =	dma.local @!p0 [hbm:s0], s1  }
0x142: {  	s0 =	simm.s32 @!p0 $0x3  }
0x143: {  	_ =	swait.ge @!p0 [sflag:s0], s1  }
0x144: {  	s1 =	ssub.s32 @!p0 $0x0, s1;
	[sflag:s0] =	ssyncset.done @!p0 $0x0  }
0x145: {  	[sflag:s0] =	ssyncadd.s32 @!p0 s1  }
0x146: {  	[bflag:$0x3] =	sbarrier.arrive $0xFFFF  }
0x147: {  	_ =	shalt  }

// kernel: kernel.27.cloned.1.call-start
scs
__scs_entry_jumppad:
0x0: {  	(pc) =	sbr.rel $0x88, $3  }
0x1: {  	(tag) =	ssettag $0x0;
	lr =	simm.s32 $0x1  }
0x2: {  	[smem:$0x3F75] =	sst lr;
	_ =	strace $0xD0000000  }
0x3: {  	_ = 	snop  }
0x4: {  	_ = 	snop  }
0x5: {  	_ = 	snop  }
0x6: {  	_ = 	snop  }
0x7: {  	_ = 	snop  }
__scs_overlays_trampoline_lowered:
0x8: {  	[smem:$0x3F84] =	sst s0  }
0x9: {  	[smem:$0x3F85] =	sst s1  }
0xa: {  	[smem:$0x3F86] =	sst s2  }
0xb: {  	[smem:$0x3F87] =	sst s3  }
0xc: {  	[smem:$0x3F88] =	sst s4  }
0xd: {  	[smem:$0x3F89] =	sst s5  }
0xe: {  	[smem:$0x3F8A] =	sst s6  }
0xf: {  	[smem:$0x3F8B] =	sst s7  }
0x10: {  	[smem:$0x3F8C] =	sst s8  }
0x11: {  	[smem:$0x3F8D] =	sst s9;
	s0 =	simm.s32 @!p0 $0x0  }
0x12: {  	s1 =	sld [smem:$0x3F73];
	s0 =	simm.s32 @p0 $0x1  }
0x13: {  	[smem:$0x3F8E] =	sst s0;
	s0 =	simm.s32 @!p1 $0x0  }
0x14: {  	s2 =	sld [smem:$0x3F72];
	s0 =	simm.s32 @p1 $0x1  }
0x15: {  	[smem:$0x3F8F] =	sst s0;
	s0 =	simm.s32 @!p2 $0x0  }
0x16: {  	s3 =	sld [smem:$0x3FDB];
	s0 =	simm.s32 @p2 $0x1  }
0x17: {  	s4 =	simm.s32 $0x1BF5;
	[smem:$0x3F91] =	sst s0  }
0x18: {  	s0 =	sld [smem:$0x3F74];
	_ =	swait.ge [sflag:s4], $0x0  }
0x19: {  	s7 =	sld [smem:$0x3F75]  }
0x1a: {  	s8 =	sadd.s32 $0xFFFFE003, lr  }
0x1b: {  	s9 =	sadd.s32 $0xFFFFFEF7, lr;
	s5 =	simm.s32 $0xFFFFFFFF;
	p2 =	slt.u32 s8, $0xFFFFF086  }
0x1c: {  	p1 =	slt.u32 s9, $0xF7A;
	s5 =	simm.s32 @!p2 $0x0  }
0x1d: {  	s5 =	simm.s32 @p1 $0x1;
	p0 =	seq.s32 s7, s2  }
0x1e: {  	s7 =	smul.u32 @!p0 $0xF7A, s2;
	p2 =	seq.s32 @!p0 s5, $0x0  }
0x1f: {  	s9 =	smul.u32 $0xF7A, s1;
	s8 =	simm.s32 @!p0 $0x1BF5;
	p2 =	por !p2, p0  }
0x20: {  	[sflag:s8] =	ssyncset.s32 @!p0 $0xFFFFF086;
	s6 =	sadd.s32 @!p0 s3, s7;
	s7 =	simm.s32 @!p0 $0x108  }
0x21: {  	s3 =	sadd.s32 s3, s9;
	s6 =	sadd.s32 @!p0 $0x88, s6;
	s7 =	simm.s32 @p2 $0x1082  }
0x22: {  	[simem:s7], [sflag:s8] =	dma.local @!p0 [hbm:s6], $0xF7A  }
0x23: {  	s9 =	sor.u32 $0xD0000000, s2;
	s6 =	simm.s32 $0x108;
	_ =	swait.ge @!p0 [sflag:s8], $0x0  }
0x24: {  	s3 =	sadd.s32 $0x88, s3;
	s6 =	simm.s32 @!p1 $0x1082;
	[sflag:s4] =	ssyncset.s32 $0xFFFFF086  }
0x25: {  	[simem:s6], [sflag:s4] =	dma.local [hbm:s3], $0xF7A  }
0x26: {  	[smem:$0x3F75] =	sst s1;
	(tag) =	ssettag s2;
	_ =	strace s9  }
0x27: {  	s1 =	sld [smem:$0x3F85]  }
0x28: {  	s2 =	sld [smem:$0x3F86]  }
0x29: {  	s4 =	sld [smem:$0x3F88]  }
0x2a: {  	p0 =	seq.s32 s5, $0x0;
	s5 =	sld [smem:$0x3F89]  }
0x2b: {  	s6 =	sld [smem:$0x3F8A]  }
0x2c: {  	s7 =	sld [smem:$0x3F8B]  }
0x2d: {  	s3 =	simm.s32 $0x108;
	s8 =	sld [smem:$0x3F8C]  }
0x2e: {  	s3 =	simm.s32 @!p0 $0x1082;
	s9 =	sld [smem:$0x3F8D]  }
0x2f: {  	lr =	sadd.s32 s0, s3;
	s0 =	sld [smem:$0x3F84]  }
0x30: {  	s3 =	sld [smem:$0x3F87]  }
0x31: {  	[smem:$0x3F90] =	sst s10  }
0x32: {  	s10 =	sld [smem:$0x3F8E];
	_ =	sdelay $0x3  }
0x33: {  	p0 =	seq.s32 s10, $0x1;
	s10 =	sld [smem:$0x3F90];
	_ =	sdelay $0x3  }
0x34: {  	[smem:$0x3F90] =	sst s10  }
0x35: {  	s10 =	sld [smem:$0x3F8F];
	_ =	sdelay $0x3  }
0x36: {  	p1 =	seq.s32 s10, $0x1;
	s10 =	sld [smem:$0x3F90];
	_ =	sdelay $0x3  }
0x37: {  	[smem:$0x3F90] =	sst s10  }
0x38: {  	s10 =	sld [smem:$0x3F91]  }
0x39: {  	_ = 	snop;
	(pc) =	sbr.ind lr, $3  }
0x3a: {  	_ = 	snop  }
0x3b: {  	_ = 	snop  }
0x3c: {  	p2 =	seq.s32 s10, $0x1;
	s10 =	sld [smem:$0x3F90]  }
0x3d: {  	_ =	shalt  }
0x3e: {  	_ =	shalt  }
0x3f: {  	_ =	shalt  }
0x40: {  	_ =	shalt  }
0x41: {  	_ =	shalt  }
0x42: {  	_ =	shalt  }
0x43: {  	_ =	shalt  }
0x44: {  	_ =	shalt  }
0x45: {  	_ =	shalt  }
0x46: {  	_ =	shalt  }
0x47: {  	_ =	shalt  }
0x48: {  	_ =	shalt  }
0x49: {  	_ =	shalt  }
0x4a: {  	_ =	shalt  }
0x4b: {  	_ =	shalt  }
0x4c: {  	_ =	shalt  }
0x4d: {  	_ =	shalt  }
0x4e: {  	_ =	shalt  }
0x4f: {  	_ =	shalt  }
0x50: {  	_ =	shalt  }
0x51: {  	_ =	shalt  }
0x52: {  	_ =	shalt  }
0x53: {  	_ =	shalt  }
0x54: {  	_ =	shalt  }
0x55: {  	_ =	shalt  }
0x56: {  	_ =	shalt  }
0x57: {  	_ =	shalt  }
0x58: {  	_ =	shalt  }
0x59: {  	_ =	shalt  }
0x5a: {  	_ =	shalt  }
0x5b: {  	_ =	shalt  }
0x5c: {  	_ =	shalt  }
0x5d: {  	_ =	shalt  }
0x5e: {  	_ =	shalt  }
0x5f: {  	_ =	shalt  }
0x60: {  	_ =	shalt  }
0x61: {  	_ =	shalt  }
0x62: {  	_ =	shalt  }
0x63: {  	_ =	shalt  }
0x64: {  	_ =	shalt  }
0x65: {  	_ =	shalt  }
0x66: {  	_ =	shalt  }
0x67: {  	_ =	shalt  }
0x68: {  	_ =	shalt  }
0x69: {  	_ =	shalt  }
0x6a: {  	_ =	shalt  }
0x6b: {  	_ =	shalt  }
0x6c: {  	_ =	shalt  }
0x6d: {  	_ =	shalt  }
0x6e: {  	_ =	shalt  }
0x6f: {  	_ =	shalt  }
0x70: {  	_ =	shalt  }
0x71: {  	_ =	shalt  }
0x72: {  	_ =	shalt  }
0x73: {  	_ =	shalt  }
0x74: {  	_ =	shalt  }
0x75: {  	_ =	shalt  }
0x76: {  	_ =	shalt  }
0x77: {  	_ =	shalt  }
0x78: {  	_ =	shalt  }
0x79: {  	_ =	shalt  }
0x7a: {  	_ =	shalt  }
0x7b: {  	_ =	shalt  }
0x7c: {  	_ =	shalt  }
0x7d: {  	_ =	shalt  }
0x7e: {  	_ =	shalt  }
0x7f: {  	_ =	shalt  }
0x80: {  	_ =	shalt  }
0x81: {  	_ =	shalt  }
0x82: {  	_ =	shalt  }
0x83: {  	_ =	shalt  }
0x84: {  	_ =	shalt  }
0x85: {  	_ =	shalt  }
0x86: {  	_ =	shalt  }
0x87: {  	_ =	shalt  }
.Lfunc_end0:
.L_simem_size_0:
called_computation.3_lowered:
.L_overlay_start_0:
0x88: {  	s2 =	sld [smem:$0x3FD9]  }
0x89: {  	s3 =	sld [smem:$0x3FFE];
	_ =	sdelay $0x1  }
0x8a: {  	s1 =	srdreg.scid  }
0x8b: {  	s0 =	sand.u32 $0x1, s1  }
0x8c: {  	s16 =	sshll.u32 s0, $0xA;
	s2 =	sadd.s32 s3, s2  }
0x8d: {  	s2 =	sadd.s32 s2, s16  }
0x8e: {  	[smem:$0x3F9C] =	sst s2  }
0x8f: {  	_ = 	snop  }
0x90: {  	(tm) =	ssettm $0x1  }
0x91: {  	s17 =	sld [smem:$0x3FFB];
	_ =	sdelay $0x3  }
0x92: {  	_ =	strace s17  }
0x93: {  	s2 =	sld [smem:$0x3FFC];
	_ =	sdelay $0x3  }
0x94: {  	_ =	strace s2  }
0x95: {  	s2 =	sld [smem:$0x3FFD];
	_ =	sdelay $0x3  }
0x96: {  	_ =	strace s2  }
0x97: {  	_ =	strace $0x8FFFFFFF  }
0x98: {  	s18 =	sld [smem:$0x3FDB];
	_ =	sdelay $0x1  }
0x99: {  	s19 =	simm.s32 $_scs_section_size  }
0x9a: {  	s4 =	simm.s32 $_size__tile_overlayer_lowered;
	s5 =	simm.s32 $_tile_overlayer_lowered  }
0x9b: {  	s22 =	simm.s32 $0x1BFF;
	s21 =	sshll.u32 s5, $0x1;
	s2 =	sadd.s32 s19, s18  }
0x9c: {  	s6 =	simm.s32 $0x0;
	s20 =	sshll.u32 s4, $0x1;
	s4 =	sadd.s32 s21, s2  }
0x9d: {  	[timem:s6], [sflag:s22] =	dma.local [hbm:s4], s20  }
0x9e: {  	_ =	swait.ge [sflag:s22], s20  }
0x9f: {  	s3 =	ssub.s32 $0x0, s20;
	[sflag:s22] =	ssyncset.done $0x0  }
0xa0: {  	[sflag:s22] =	ssyncadd.s32 s3;
	_ =	sdelay $0x1  }
0xa1: {  	s23 =	simm.s32 $0x1B8B  }
0xa2: {  	_ =	swait.ge [sflag:s23], $0x1  }
0xa3: {  	[sflag:s23] =	ssyncset.done $0x0  }
0xa4: {  	s25 =	simm.s32 $0x1B8E;
	s24 =	sld [smem:$0x3FFE];
	[sflag:s23] =	ssyncadd.s32 $0xFFFFFFFF  }
0xa5: {  	s26 =	simm.s32 $execute0_lowered;
	[smem:$0x3FD2] =	sst s25  }
0xa6: {  	s4 =	sshll.u32 s26, $0x1;
	_ =	strace $0x8000004F;
	[dreg:$0x1] =	wrdreg $0xFFFFFFFF  }
0xa7: {  	s28 =	simm.s32 $_size_execute0_lowered;
	s2 =	sadd.s32 s2, s4;
	[dreg:$0x0] =	wrdreg $0x0  }
0xa8: {  	s4 =	sshll.u32 s28, $0x1;
	[dreg:$0x2] =	wrdreg s2  }
0xa9: {  	[dreg:$0x3] =	wrdreg s4  }
0xaa: {  	[dreg:$0x4] =	wrdreg $0xC0  }
0xab: {  	_ =	task [dreg:s6], $0x5FFFF  }
0xac: {  	[dreg:$0x1] =	wrdreg $0xFFFFFFFF  }
0xad: {  	[dreg:$0x0] =	wrdreg $0x60  }
0xae: {  	[dreg:$0x2] =	wrdreg s24  }
0xaf: {  	[dreg:$0x3] =	wrdreg $0x9  }
0xb0: {  	_ =	task.clear_ibuf [dreg:s6], $0x4FFFF;
	_ =	strace $0x9000004F  }
0xb1: {  	s29 =	simm.s32 $0x9;
	_ =	strace $0x80000051  }
0xb2: {  	_ =	swait.ge [sflag:s29], $0x1  }
0xb3: {  	[sflag:s29] =	ssyncadd.s32 $0xFFFFFFFF  }
0xb4: {  	_ =	strace $0x90000051  }
0xb5: {  	_ =	sfence  }
0xb6: {  	s30 =	sld [smem:$0x0];
	_ =	sdelay $0x2  }
0xb7: {  	s31 =	sshll.u32 s1, $0xD;
	s1 =	sshrl.u32 s1, $0x2  }
0xb8: {  	s3 =	sand.u32 $0x4000, s31;
	s1 =	sadd.s32 s1, s30  }
0xb9: {  	s0 =	sor.u32 s3, s0;
	s1 =	sshll.u32 s1, $0x11  }
0xba: {  	s0 =	sor.u32 s1, s0  }
0xbb: {  	s0 =	sadd.s32 $0x8F2B, s0  }
0xbc: {  	[sflag:s0] =	ssyncadd.remote.s32 $0x1  }
0xbd: {  	_ =	sfence.sel $0xFFFF  }
0xbe: {  	[dreg:$0x0] =	wrdreg $0xFFFFFFFF;
	(pc) =	sbr.abs _section_cstart, $3  }
0xbf: {  	[dreg:$0x1] =	wrdreg $0xFFFFFFFF  }
0xc0: {  	_ =	task.clear_ibuf [dreg:s6], $0x2FFFF;
	_ =	strace $0x9FFFFFFF  }
0xc1: {  	(tm) =	ssettm $0x7FFFFFFF  }
tec
execute0_lowered:
.L_overlay_start_1:
0x0: {  	(tag) =	ssettag $0x1  }
0x1: {  	s0 =	rddreg [dreg:$0x0]  }
0x2: {  	s1 =	simm.s32 $0x0;
	s2 =	srdreg.scid;
	s8 =	stileid.u32  }
0x3: {  	s10 =	simm.s32 $0x100;
	s28 =	simm.s32 $0x8100;
	s29 =	simm.s32 $0x8900  }
0x4: {  	s30 =	simm.s32 $0x9100;
	s31 =	simm.s32 $0x9900;
	s11 =	simm.s32 $0xD100  }
0x5: {  	s12 =	simm.s32 $0xD900;
	s13 =	simm.s32 $0xE100;
	s14 =	simm.s32 $0xE900  }
0x6: {  	s15 =	simm.s32 $0xF100;
	s16 =	simm.s32 $0xF900;
	s17 =	simm.s32 $0x1  }
0x7: {  	s18 =	simm.s32 $0x2;
	s20 =	simm.s32 $0x0;
	[smem:$0x7FF] =	sst s1  }
0x8: {  	s3 =	sadd.s32 $0xC000, s0;
	s4 =	sadd.s32 $0x8000, s0;
	s2 =	sand.u32 $0x1, s2  }
0x9: {  	s6 =	sshll.u32 s8, $0xD;
	s8 =	sshll.u32 s8, $0x12;
	_ =	strace $0x80000050  }
0xa: {  	s5 =	ssub.s32 $0x2, s2;
	s7 =	sshll.u32 s2, $0xC;
	s0 =	sadd.s32 s8, s0  }
0xb: {  	s2 =	sshll.u32 s2, $0x11;
	s8 =	simm.s32 $0xC900;
	s9 =	sshrl.u32 s5, $0x1  }
0xc: {  	s6 =	sor.u32 s7, s6;
	s0 =	sadd.s32 s2, s0;
	s2 =	simm.s32 $0xA900  }
0xd: {  	s5 =	ssub.s32 s5, s9;
	s7 =	sshrl.u32 s6, $0x3;
	s22 =	sor.u32 $0x80, s6  }
0xe: {  	s23 =	sor.u32 $0x100, s6;
	s6 =	sadd.s32 $0x4C000, s0;
	s9 =	simm.s32 $0x3  }
0xf: {  	s7 =	sadd.s32 s4, s7;
	s5 =	smax.u32 s5, $0x1;
	s24 =	sshrl.u32 s22, $0x3  }
.Ltmp0:
0x10: {  	s25 =	sshrl.u32 s23, $0x3;
	[dreg:$0x2] =	wrdreg s7;
	(pc) =	sbr.rel .LBB2_1-.Ltmp0, $4  }
0x11: {  	[dreg:$0x3] =	wrdreg s5;
	s0 =	sadd.s32 s24, s4;
	s26 =	sadd.s32 s25, s4  }
0x12: {  	v2 =	vlaneseq.u32;
	s24 =	simm.s32 $0x7100;
	s25 =	simm.s32 $0x7900;
	s4 =	simm.s32 $0xB100  }
0x13: {  	vm0 =	vmmov $0xffff;
	v1 =	vshrl.u32 v2, $0x3;
	s5 =	simm.s32 $0xB900;
	s7 =	simm.s32 $0xC100;
	[dreg:$0x4] =	wrdreg s0  }
0x14: {  	v0 =	vand.u32 $0x7, v2;
	v2 =	vor.u32 $0x8, v2;
	v1 =	vmul.u32 $0x8, v1;
	[dreg:$0x5] =	wrdreg s26;
	s26 =	simm.s32 $0x80;
	s0 =	simm.s32 $0xA100  }
.LBB2_5:
0x15: {  	s20 =	rddreg [dreg:$0x6]  }
0x16: {  	s19 =	rddreg [dreg:$0x3];
	s20 =	sadd.s32 $0x1, s20  }
0x17: {  	p0 =	sne.s32 s20, s19  }
.Ltmp1:
0x18: {  	_ = 	snop;
	(pc) =	sbr.rel @!p0 .LBB2_6-.Ltmp1, $1  }
0x19: {  	_ =	sdelay $0x3  }
.LBB2_1:
0x1a: {  	[dreg:$0x6] =	wrdreg s20  }
0x1b: {  	s19 =	rddreg [dreg:$0x2]  }
0x1c: {  	[tilespmem:s1], [sflag:$0x3] =	stream.linear.gather [hbm4b:s19+s1], $0x80, $0x38;
	[tilespmem:$0x10100] =	vst v63  }
0x1d: {  	_ =	swait.ge [sflag:s9], $0x80  }
0x1e: {  	[sflag:s9] =	ssyncset.done $0x0  }
0x1f: {  	[sflag:s9] =	ssyncadd.s32 $0xFFFFFF80  }
0x20: {  	v3 =	vld [tilespmem:$0x0];
	_ =	sdelay $0x4  }
0x21: {  	v4 =	vshll.u32 v3, $0x1  }
0x22: {  	v3 =	vand.u32 $0x7, v3;
	v4 =	vand.u32 $0xFFFFFFF0, v4  }
0x23: {  	v3 =	vor.u32 v3, v4  }
0x24: {  	v4 =	vperm.xlane v3, v0;
	_ =	sdelay $0x1  }
0x25: {  	v3 =	vperm.xlane v3, v2;
	v4 =	vadd.s32 v1, v4;
	_ =	sdelay $0x1  }
0x26: {  	v3 =	vadd.s32 v1, v3;
	_ =	sdelay $0x2  }
0x27: {  	[tilespmem:s10], [sflag:$0x1] =	stream.indirect_vreg.gather [hbm4b:s3+s1], $0x80, v4, vm0, $0xb8;
	[tilespmem:$0x10100] =	vst v63  }
0x28: {  	s23 =	simm.s32 $0x900  }
0x29: {  	[tilespmem:s23], [sflag:$0x1] =	stream.indirect_vreg.gather [hbm4b:s3+s1], $0x80, v3, vm0, $0xb8;
	[tilespmem:$0x10100] =	vst v63  }
0x2a: {  	v3 =	vld [tilespmem:$0x10];
	_ =	sdelay $0x4  }
0x2b: {  	v57 =	vshll.u32 v3, $0x1  }
0x2c: {  	v3 =	vand.u32 $0x7, v3;
	v4 =	vand.u32 $0xFFFFFFF0, v57  }
0x2d: {  	v3 =	vor.u32 v3, v4  }
0x2e: {  	v4 =	vperm.xlane v3, v0;
	_ =	sdelay $0x1  }
0x2f: {  	v3 =	vperm.xlane v3, v2;
	v4 =	vadd.s32 v1, v4;
	_ =	sdelay $0x1  }
0x30: {  	v3 =	vadd.s32 v1, v3;
	_ =	sdelay $0x1  }
0x31: {  	s20 =	simm.s32 $0x1100  }
0x32: {  	[tilespmem:s20], [sflag:$0x1] =	stream.indirect_vreg.gather [hbm4b:s3+s1], $0x80, v4, vm0, $0xb8;
	[tilespmem:$0x10100] =	vst v63  }
0x33: {  	s21 =	simm.s32 $0x1900  }
0x34: {  	[tilespmem:s21], [sflag:$0x1] =	stream.indirect_vreg.gather [hbm4b:s3+s1], $0x80, v3, vm0, $0xb8;
	[tilespmem:$0x10100] =	vst v63  }
0x35: {  	v3 =	vld [tilespmem:$0x20];
	_ =	sdelay $0x4  }
0x36: {  	v58 =	vshll.u32 v3, $0x1  }
0x37: {  	v3 =	vand.u32 $0x7, v3;
	v4 =	vand.u32 $0xFFFFFFF0, v58  }
0x38: {  	v3 =	vor.u32 v3, v4  }
0x39: {  	v4 =	vperm.xlane v3, v0;
	_ =	sdelay $0x1  }
0x3a: {  	v3 =	vperm.xlane v3, v2;
	v4 =	vadd.s32 v1, v4;
	_ =	sdelay $0x1  }
0x3b: {  	v3 =	vadd.s32 v1, v3;
	_ =	sdelay $0x1  }
0x3c: {  	s22 =	simm.s32 $0x2100  }
0x3d: {  	[tilespmem:s22], [sflag:$0x1] =	stream.indirect_vreg.gather [hbm4b:s3+s1], $0x80, v4, vm0, $0xb8;
	[tilespmem:$0x10100] =	vst v63  }
0x3e: {  	s23 =	simm.s32 $0x2900  }
0x3f: {  	[tilespmem:s23], [sflag:$0x1] =	stream.indirect_vreg.gather [hbm4b:s3+s1], $0x80, v3, vm0, $0xb8;
	[tilespmem:$0x10100] =	vst v63  }
0x40: {  	v3 =	vld [tilespmem:$0x30];
	_ =	sdelay $0x4  }
0x41: {  	v59 =	vshll.u32 v3, $0x1  }
0x42: {  	v3 =	vand.u32 $0x7, v3;
	v4 =	vand.u32 $0xFFFFFFF0, v59  }
0x43: {  	v3 =	vor.u32 v3, v4  }
0x44: {  	v4 =	vperm.xlane v3, v0;
	_ =	sdelay $0x1  }
0x45: {  	v3 =	vperm.xlane v3, v2;
	v4 =	vadd.s32 v1, v4;
	_ =	sdelay $0x1  }
0x46: {  	v3 =	vadd.s32 v1, v3;
	_ =	sdelay $0x1  }
0x47: {  	s20 =	simm.s32 $0x3100  }
0x48: {  	[tilespmem:s20], [sflag:$0x1] =	stream.indirect_vreg.gather [hbm4b:s3+s1], $0x80, v4, vm0, $0xb8;
	[tilespmem:$0x10100] =	vst v63  }
0x49: {  	s21 =	simm.s32 $0x3900  }
0x4a: {  	[tilespmem:s21], [sflag:$0x1] =	stream.indirect_vreg.gather [hbm4b:s3+s1], $0x80, v3, vm0, $0xb8;
	[tilespmem:$0x10100] =	vst v63  }
0x4b: {  	v3 =	vld [tilespmem:$0x40];
	_ =	sdelay $0x4  }
0x4c: {  	v60 =	vshll.u32 v3, $0x1  }
0x4d: {  	v3 =	vand.u32 $0x7, v3;
	v4 =	vand.u32 $0xFFFFFFF0, v60  }
0x4e: {  	v3 =	vor.u32 v3, v4  }
0x4f: {  	v4 =	vperm.xlane v3, v0;
	_ =	sdelay $0x1  }
0x50: {  	v3 =	vperm.xlane v3, v2;
	v4 =	vadd.s32 v1, v4;
	_ =	sdelay $0x1  }
0x51: {  	v3 =	vadd.s32 v1, v3;
	_ =	sdelay $0x1  }
0x52: {  	s22 =	simm.s32 $0x4100  }
0x53: {  	[tilespmem:s22], [sflag:$0x1] =	stream.indirect_vreg.gather [hbm4b:s3+s1], $0x80, v4, vm0, $0xb8;
	[tilespmem:$0x10100] =	vst v63  }
0x54: {  	s23 =	simm.s32 $0x4900  }
0x55: {  	[tilespmem:s23], [sflag:$0x1] =	stream.indirect_vreg.gather [hbm4b:s3+s1], $0x80, v3, vm0, $0xb8;
	[tilespmem:$0x10100] =	vst v63  }
0x56: {  	v3 =	vld [tilespmem:$0x50];
	_ =	sdelay $0x4  }
0x57: {  	v61 =	vshll.u32 v3, $0x1  }
0x58: {  	v3 =	vand.u32 $0x7, v3;
	v4 =	vand.u32 $0xFFFFFFF0, v61  }
0x59: {  	v3 =	vor.u32 v3, v4  }
0x5a: {  	v4 =	vperm.xlane v3, v0;
	_ =	sdelay $0x1  }
0x5b: {  	v3 =	vperm.xlane v3, v2;
	v4 =	vadd.s32 v1, v4;
	_ =	sdelay $0x1  }
0x5c: {  	v3 =	vadd.s32 v1, v3;
	_ =	sdelay $0x1  }
0x5d: {  	s20 =	simm.s32 $0x5100  }
0x5e: {  	[tilespmem:s20], [sflag:$0x1] =	stream.indirect_vreg.gather [hbm4b:s3+s1], $0x80, v4, vm0, $0xb8;
	[tilespmem:$0x10100] =	vst v63  }
0x5f: {  	s21 =	simm.s32 $0x5900  }
0x60: {  	[tilespmem:s21], [sflag:$0x1] =	stream.indirect_vreg.gather [hbm4b:s3+s1], $0x80, v3, vm0, $0xb8;
	[tilespmem:$0x10100] =	vst v63  }
0x61: {  	v3 =	vld [tilespmem:$0x60];
	_ =	sdelay $0x4  }
0x62: {  	v62 =	vshll.u32 v3, $0x1  }
0x63: {  	v3 =	vand.u32 $0x7, v3;
	v4 =	vand.u32 $0xFFFFFFF0, v62  }
0x64: {  	v3 =	vor.u32 v3, v4  }
0x65: {  	v4 =	vperm.xlane v3, v0;
	_ =	sdelay $0x1  }
0x66: {  	v3 =	vperm.xlane v3, v2;
	v4 =	vadd.s32 v1, v4;
	_ =	sdelay $0x1  }
0x67: {  	v3 =	vadd.s32 v1, v3;
	_ =	sdelay $0x1  }
0x68: {  	s22 =	simm.s32 $0x6100  }
0x69: {  	[tilespmem:s22], [sflag:$0x1] =	stream.indirect_vreg.gather [hbm4b:s3+s1], $0x80, v4, vm0, $0xb8;
	[tilespmem:$0x10100] =	vst v63  }
0x6a: {  	s23 =	simm.s32 $0x6900  }
0x6b: {  	[tilespmem:s23], [sflag:$0x1] =	stream.indirect_vreg.gather [hbm4b:s3+s1], $0x80, v3, vm0, $0xb8;
	[tilespmem:$0x10100] =	vst v63  }
0x6c: {  	v3 =	vld [tilespmem:$0x70];
	_ =	sdelay $0x4  }
0x6d: {  	v63 =	vshll.u32 v3, $0x1  }
0x6e: {  	v3 =	vand.u32 $0x7, v3;
	v4 =	vand.u32 $0xFFFFFFF0, v63  }
0x6f: {  	v3 =	vor.u32 v3, v4  }
0x70: {  	v4 =	vperm.xlane v3, v0;
	_ =	sdelay $0x1  }
0x71: {  	v3 =	vperm.xlane v3, v2;
	v4 =	vadd.s32 v1, v4;
	_ =	sdelay $0x1  }
0x72: {  	v3 =	vadd.s32 v1, v3  }
.Ltmp2:
0x73: {  	_ = 	snop;
	(pc) =	sbr.rel .LBB2_2-.Ltmp2, $4  }
0x74: {  	s19 =	rddreg [dreg:$0x5]  }
0x75: {  	[tilespmem:s24], [sflag:$0x1] =	stream.indirect_vreg.gather [hbm4b:s3+s1], $0x80, v4, vm0, $0xb8;
	[tilespmem:$0x10100] =	vst v63  }
0x76: {  	s20 =	rddreg [dreg:$0x4];
	s21 =	simm.s32 $0x0  }
0x77: {  	[tilespmem:s25], [sflag:$0x1] =	stream.indirect_vreg.gather [hbm4b:s3+s1], $0x80, v3, vm0, $0xb8;
	[tilespmem:$0x10100] =	vst v63  }
.LBB2_4:
0x78: {  	_ =	swait.ge [sflag:s18], $0x8000;
	s21 =	sadd.s32 $0x2000, s21  }
0x79: {  	[sflag:s18] =	ssyncset.done $0x0;
	p0 =	sne.s32 s21, $0x20000  }
.Ltmp3:
0x7a: {  	s22 =	sadd.s32 $0x1000, s22;
	[sflag:s18] =	ssyncadd.s32 $0xFFFF8000;
	(pc) =	sbr.rel @!p0 .LBB2_5-.Ltmp3, $4  }
0x7b: {  	[hbm4b:s22+s1] =	stream.linear.scatter [tilespmem:s28], [sflag:$0x3], $0x8000, $0x38;
	[tilespmem:$0x10100] =	vst v63  }
0x7c: {  	_ =	swait.ge [sflag:s9], $0x8000  }
0x7d: {  	[sflag:s9] =	ssyncset.done $0x0  }
0x7e: {  	s20 =	sadd.s32 $0x20, s20;
	s19 =	sadd.s32 $0x20, s19;
	[sflag:s9] =	ssyncadd.s32 $0xFFFF8000  }
.LBB2_2:
0x7f: {  	[tilespmem:s26], [sflag:$0x3] =	stream.linear.gather [hbm4b:s20+s1], $0x80, $0x38;
	[tilespmem:$0x10100] =	vst v63  }
0x80: {  	_ =	swait.ge [sflag:s9], $0x80  }
0x81: {  	[sflag:s9] =	ssyncset.done $0x0  }
0x82: {  	[sflag:s9] =	ssyncadd.s32 $0xFFFFFF80  }
0x83: {  	v3 =	vld [tilespmem:$0x80];
	_ =	sdelay $0x4  }
0x84: {  	v4 =	vshll.u32 v3, $0x1  }
0x85: {  	v3 =	vand.u32 $0x7, v3;
	v4 =	vand.u32 $0xFFFFFFF0, v4  }
0x86: {  	v3 =	vor.u32 v3, v4  }
0x87: {  	v4 =	vperm.xlane v3, v0;
	_ =	sdelay $0x1  }
0x88: {  	v3 =	vperm.xlane v3, v2;
	v4 =	vadd.s32 v1, v4;
	_ =	sdelay $0x1  }
0x89: {  	v3 =	vadd.s32 v1, v3;
	_ =	sdelay $0x2  }
0x8a: {  	[tilespmem:s28], [sflag:$0x2] =	stream.indirect_vreg.gather [hbm4b:s3+s1], $0x80, v4, vm0, $0xb8;
	[tilespmem:$0x10100] =	vst v63  }
0x8b: {  	_ = 	snop  }
0x8c: {  	[tilespmem:s29], [sflag:$0x2] =	stream.indirect_vreg.gather [hbm4b:s3+s1], $0x80, v3, vm0, $0xb8;
	[tilespmem:$0x10100] =	vst v63  }
0x8d: {  	v3 =	vld [tilespmem:$0x90];
	_ =	sdelay $0x4  }
0x8e: {  	v57 =	vshll.u32 v3, $0x1  }
0x8f: {  	v3 =	vand.u32 $0x7, v3;
	v4 =	vand.u32 $0xFFFFFFF0, v57  }
0x90: {  	v3 =	vor.u32 v3, v4  }
0x91: {  	v4 =	vperm.xlane v3, v0;
	_ =	sdelay $0x1  }
0x92: {  	v3 =	vperm.xlane v3, v2;
	v4 =	vadd.s32 v1, v4;
	_ =	sdelay $0x1  }
0x93: {  	v3 =	vadd.s32 v1, v3;
	_ =	sdelay $0x2  }
0x94: {  	[tilespmem:s30], [sflag:$0x2] =	stream.indirect_vreg.gather [hbm4b:s3+s1], $0x80, v4, vm0, $0xb8;
	[tilespmem:$0x10100] =	vst v63  }
0x95: {  	_ = 	snop  }
0x96: {  	[tilespmem:s31], [sflag:$0x2] =	stream.indirect_vreg.gather [hbm4b:s3+s1], $0x80, v3, vm0, $0xb8;
	[tilespmem:$0x10100] =	vst v63  }
0x97: {  	v3 =	vld [tilespmem:$0xA0];
	_ =	sdelay $0x4  }
0x98: {  	v58 =	vshll.u32 v3, $0x1  }
0x99: {  	v3 =	vand.u32 $0x7, v3;
	v4 =	vand.u32 $0xFFFFFFF0, v58  }
0x9a: {  	v3 =	vor.u32 v3, v4  }
0x9b: {  	v4 =	vperm.xlane v3, v0;
	_ =	sdelay $0x1  }
0x9c: {  	v3 =	vperm.xlane v3, v2;
	v4 =	vadd.s32 v1, v4;
	_ =	sdelay $0x1  }
0x9d: {  	v3 =	vadd.s32 v1, v3;
	_ =	sdelay $0x2  }
0x9e: {  	[tilespmem:s0], [sflag:$0x2] =	stream.indirect_vreg.gather [hbm4b:s3+s1], $0x80, v4, vm0, $0xb8;
	[tilespmem:$0x10100] =	vst v63  }
0x9f: {  	_ = 	snop  }
0xa0: {  	[tilespmem:s2], [sflag:$0x2] =	stream.indirect_vreg.gather [hbm4b:s3+s1], $0x80, v3, vm0, $0xb8;
	[tilespmem:$0x10100] =	vst v63  }
0xa1: {  	v3 =	vld [tilespmem:$0xB0];
	_ =	sdelay $0x4  }
0xa2: {  	v59 =	vshll.u32 v3, $0x1  }
0xa3: {  	v3 =	vand.u32 $0x7, v3;
	v4 =	vand.u32 $0xFFFFFFF0, v59  }
0xa4: {  	v3 =	vor.u32 v3, v4  }
0xa5: {  	v4 =	vperm.xlane v3, v0;
	_ =	sdelay $0x1  }
0xa6: {  	v3 =	vperm.xlane v3, v2;
	v4 =	vadd.s32 v1, v4;
	_ =	sdelay $0x1  }
0xa7: {  	v3 =	vadd.s32 v1, v3;
	_ =	sdelay $0x2  }
0xa8: {  	[tilespmem:s4], [sflag:$0x2] =	stream.indirect_vreg.gather [hbm4b:s3+s1], $0x80, v4, vm0, $0xb8;
	[tilespmem:$0x10100] =	vst v63  }
0xa9: {  	_ = 	snop  }
0xaa: {  	[tilespmem:s5], [sflag:$0x2] =	stream.indirect_vreg.gather [hbm4b:s3+s1], $0x80, v3, vm0, $0xb8;
	[tilespmem:$0x10100] =	vst v63  }
0xab: {  	v3 =	vld [tilespmem:$0xC0];
	_ =	sdelay $0x4  }
0xac: {  	v60 =	vshll.u32 v3, $0x1  }
0xad: {  	v3 =	vand.u32 $0x7, v3;
	v4 =	vand.u32 $0xFFFFFFF0, v60  }
0xae: {  	v3 =	vor.u32 v3, v4  }
0xaf: {  	v4 =	vperm.xlane v3, v0;
	_ =	sdelay $0x1  }
0xb0: {  	v3 =	vperm.xlane v3, v2;
	v4 =	vadd.s32 v1, v4;
	_ =	sdelay $0x1  }
0xb1: {  	v3 =	vadd.s32 v1, v3;
	_ =	sdelay $0x2  }
0xb2: {  	[tilespmem:s7], [sflag:$0x2] =	stream.indirect_vreg.gather [hbm4b:s3+s1], $0x80, v4, vm0, $0xb8;
	[tilespmem:$0x10100] =	vst v63  }
0xb3: {  	_ = 	snop  }
0xb4: {  	[tilespmem:s8], [sflag:$0x2] =	stream.indirect_vreg.gather [hbm4b:s3+s1], $0x80, v3, vm0, $0xb8;
	[tilespmem:$0x10100] =	vst v63  }
0xb5: {  	v3 =	vld [tilespmem:$0xD0];
	_ =	sdelay $0x4  }
0xb6: {  	v61 =	vshll.u32 v3, $0x1  }
0xb7: {  	v3 =	vand.u32 $0x7, v3;
	v4 =	vand.u32 $0xFFFFFFF0, v61  }
0xb8: {  	v3 =	vor.u32 v3, v4  }
0xb9: {  	v4 =	vperm.xlane v3, v0;
	_ =	sdelay $0x1  }
0xba: {  	v3 =	vperm.xlane v3, v2;
	v4 =	vadd.s32 v1, v4;
	_ =	sdelay $0x1  }
0xbb: {  	v3 =	vadd.s32 v1, v3;
	_ =	sdelay $0x2  }
0xbc: {  	[tilespmem:s11], [sflag:$0x2] =	stream.indirect_vreg.gather [hbm4b:s3+s1], $0x80, v4, vm0, $0xb8;
	[tilespmem:$0x10100] =	vst v63  }
0xbd: {  	_ = 	snop  }
0xbe: {  	[tilespmem:s12], [sflag:$0x2] =	stream.indirect_vreg.gather [hbm4b:s3+s1], $0x80, v3, vm0, $0xb8;
	[tilespmem:$0x10100] =	vst v63  }
0xbf: {  	v3 =	vld [tilespmem:$0xE0];
	_ =	sdelay $0x4  }
0xc0: {  	v62 =	vshll.u32 v3, $0x1  }
0xc1: {  	v3 =	vand.u32 $0x7, v3;
	v4 =	vand.u32 $0xFFFFFFF0, v62  }
0xc2: {  	v3 =	vor.u32 v3, v4  }
0xc3: {  	v4 =	vperm.xlane v3, v0;
	_ =	sdelay $0x1  }
0xc4: {  	v3 =	vperm.xlane v3, v2;
	v4 =	vadd.s32 v1, v4;
	_ =	sdelay $0x1  }
0xc5: {  	v3 =	vadd.s32 v1, v3;
	_ =	sdelay $0x2  }
0xc6: {  	[tilespmem:s13], [sflag:$0x2] =	stream.indirect_vreg.gather [hbm4b:s3+s1], $0x80, v4, vm0, $0xb8;
	[tilespmem:$0x10100] =	vst v63  }
0xc7: {  	_ = 	snop  }
0xc8: {  	[tilespmem:s14], [sflag:$0x2] =	stream.indirect_vreg.gather [hbm4b:s3+s1], $0x80, v3, vm0, $0xb8;
	[tilespmem:$0x10100] =	vst v63  }
0xc9: {  	v3 =	vld [tilespmem:$0xF0];
	_ =	sdelay $0x4  }
0xca: {  	v63 =	vshll.u32 v3, $0x1  }
0xcb: {  	v3 =	vand.u32 $0x7, v3;
	v4 =	vand.u32 $0xFFFFFFF0, v63  }
0xcc: {  	v3 =	vor.u32 v3, v4  }
0xcd: {  	v4 =	vperm.xlane v3, v0;
	_ =	sdelay $0x1  }
0xce: {  	v3 =	vperm.xlane v3, v2;
	v4 =	vadd.s32 v1, v4;
	_ =	sdelay $0x1  }
0xcf: {  	v3 =	vadd.s32 v1, v3;
	_ =	sdelay $0x2  }
0xd0: {  	[tilespmem:s15], [sflag:$0x2] =	stream.indirect_vreg.gather [hbm4b:s3+s1], $0x80, v4, vm0, $0xb8;
	[tilespmem:$0x10100] =	vst v63  }
0xd1: {  	_ = 	snop  }
0xd2: {  	[tilespmem:s16], [sflag:$0x2] =	stream.indirect_vreg.gather [hbm4b:s3+s1], $0x80, v3, vm0, $0xb8;
	[tilespmem:$0x10100] =	vst v63  }
0xd3: {  	_ =	swait.ge [sflag:s17], $0x8000  }
0xd4: {  	p0 =	seq.s32 s21, $0x1E000;
	[sflag:s17] =	ssyncset.done $0x0  }
.Ltmp4:
0xd5: {  	s22 =	sadd.s32 s21, s6;
	[sflag:s17] =	ssyncadd.s32 $0xFFFF8000;
	(pc) =	sbr.rel @p0 .LBB2_4-.Ltmp4, $4  }
0xd6: {  	[hbm4b:s22+s1] =	stream.linear.scatter [tilespmem:s10], [sflag:$0x3], $0x8000, $0x38;
	[tilespmem:$0x10100] =	vst v63  }
0xd7: {  	_ =	swait.ge [sflag:s9], $0x8000  }
0xd8: {  	[sflag:s9] =	ssyncset.done $0x0  }
0xd9: {  	[sflag:s9] =	ssyncadd.s32 $0xFFFF8000  }
0xda: {  	[tilespmem:s1], [sflag:$0x3] =	stream.linear.gather [hbm4b:s19+s1], $0x80, $0x38;
	[tilespmem:$0x10100] =	vst v63  }
0xdb: {  	_ =	swait.ge [sflag:s9], $0x80  }
0xdc: {  	[sflag:s9] =	ssyncset.done $0x0  }
0xdd: {  	[sflag:s9] =	ssyncadd.s32 $0xFFFFFF80  }
0xde: {  	v3 =	vld [tilespmem:$0x0];
	_ =	sdelay $0x4  }
0xdf: {  	v4 =	vshll.u32 v3, $0x1  }
0xe0: {  	v3 =	vand.u32 $0x7, v3;
	v4 =	vand.u32 $0xFFFFFFF0, v4  }
0xe1: {  	v3 =	vor.u32 v3, v4  }
0xe2: {  	v4 =	vperm.xlane v3, v0;
	_ =	sdelay $0x1  }
0xe3: {  	v3 =	vperm.xlane v3, v2;
	v4 =	vadd.s32 v1, v4;
	_ =	sdelay $0x1  }
0xe4: {  	v3 =	vadd.s32 v1, v3;
	_ =	sdelay $0x2  }
0xe5: {  	[tilespmem:s10], [sflag:$0x1] =	stream.indirect_vreg.gather [hbm4b:s3+s1], $0x80, v4, vm0, $0xb8;
	[tilespmem:$0x10100] =	vst v63  }
0xe6: {  	s23 =	simm.s32 $0x900  }
0xe7: {  	[tilespmem:s23], [sflag:$0x1] =	stream.indirect_vreg.gather [hbm4b:s3+s1], $0x80, v3, vm0, $0xb8;
	[tilespmem:$0x10100] =	vst v63  }
0xe8: {  	v3 =	vld [tilespmem:$0x10];
	_ =	sdelay $0x4  }
0xe9: {  	v57 =	vshll.u32 v3, $0x1  }
0xea: {  	v3 =	vand.u32 $0x7, v3;
	v4 =	vand.u32 $0xFFFFFFF0, v57  }
0xeb: {  	v3 =	vor.u32 v3, v4  }
0xec: {  	v4 =	vperm.xlane v3, v0;
	_ =	sdelay $0x1  }
0xed: {  	v3 =	vperm.xlane v3, v2;
	v4 =	vadd.s32 v1, v4;
	_ =	sdelay $0x1  }
0xee: {  	v3 =	vadd.s32 v1, v3;
	_ =	sdelay $0x1  }
0xef: {  	s23 =	simm.s32 $0x1100  }
0xf0: {  	[tilespmem:s23], [sflag:$0x1] =	stream.indirect_vreg.gather [hbm4b:s3+s1], $0x80, v4, vm0, $0xb8;
	[tilespmem:$0x10100] =	vst v63  }
0xf1: {  	s23 =	simm.s32 $0x1900  }
0xf2: {  	[tilespmem:s23], [sflag:$0x1] =	stream.indirect_vreg.gather [hbm4b:s3+s1], $0x80, v3, vm0, $0xb8;
	[tilespmem:$0x10100] =	vst v63  }
0xf3: {  	v3 =	vld [tilespmem:$0x20];
	_ =	sdelay $0x4  }
0xf4: {  	v58 =	vshll.u32 v3, $0x1  }
0xf5: {  	v3 =	vand.u32 $0x7, v3;
	v4 =	vand.u32 $0xFFFFFFF0, v58  }
0xf6: {  	v3 =	vor.u32 v3, v4  }
0xf7: {  	v4 =	vperm.xlane v3, v0;
	_ =	sdelay $0x1  }
0xf8: {  	v3 =	vperm.xlane v3, v2;
	v4 =	vadd.s32 v1, v4;
	_ =	sdelay $0x1  }
0xf9: {  	v3 =	vadd.s32 v1, v3;
	_ =	sdelay $0x1  }
0xfa: {  	s23 =	simm.s32 $0x2100  }
0xfb: {  	[tilespmem:s23], [sflag:$0x1] =	stream.indirect_vreg.gather [hbm4b:s3+s1], $0x80, v4, vm0, $0xb8;
	[tilespmem:$0x10100] =	vst v63  }
0xfc: {  	s23 =	simm.s32 $0x2900  }
0xfd: {  	[tilespmem:s23], [sflag:$0x1] =	stream.indirect_vreg.gather [hbm4b:s3+s1], $0x80, v3, vm0, $0xb8;
	[tilespmem:$0x10100] =	vst v63  }
0xfe: {  	v3 =	vld [tilespmem:$0x30];
	_ =	sdelay $0x4  }
0xff: {  	v59 =	vshll.u32 v3, $0x1  }
0x100: {  	v3 =	vand.u32 $0x7, v3;
	v4 =	vand.u32 $0xFFFFFFF0, v59  }
0x101: {  	v3 =	vor.u32 v3, v4  }
0x102: {  	v4 =	vperm.xlane v3, v0;
	_ =	sdelay $0x1  }
0x103: {  	v3 =	vperm.xlane v3, v2;
	v4 =	vadd.s32 v1, v4;
	_ =	sdelay $0x1  }
0x104: {  	v3 =	vadd.s32 v1, v3;
	_ =	sdelay $0x1  }
0x105: {  	s23 =	simm.s32 $0x3100  }
0x106: {  	[tilespmem:s23], [sflag:$0x1] =	stream.indirect_vreg.gather [hbm4b:s3+s1], $0x80, v4, vm0, $0xb8;
	[tilespmem:$0x10100] =	vst v63  }
0x107: {  	s23 =	simm.s32 $0x3900  }
0x108: {  	[tilespmem:s23], [sflag:$0x1] =	stream.indirect_vreg.gather [hbm4b:s3+s1], $0x80, v3, vm0, $0xb8;
	[tilespmem:$0x10100] =	vst v63  }
0x109: {  	v3 =	vld [tilespmem:$0x40];
	_ =	sdelay $0x4  }
0x10a: {  	v60 =	vshll.u32 v3, $0x1  }
0x10b: {  	v3 =	vand.u32 $0x7, v3;
	v4 =	vand.u32 $0xFFFFFFF0, v60  }
0x10c: {  	v3 =	vor.u32 v3, v4  }
0x10d: {  	v4 =	vperm.xlane v3, v0;
	_ =	sdelay $0x1  }
0x10e: {  	v3 =	vperm.xlane v3, v2;
	v4 =	vadd.s32 v1, v4;
	_ =	sdelay $0x1  }
0x10f: {  	v3 =	vadd.s32 v1, v3;
	_ =	sdelay $0x1  }
0x110: {  	s23 =	simm.s32 $0x4100  }
0x111: {  	[tilespmem:s23], [sflag:$0x1] =	stream.indirect_vreg.gather [hbm4b:s3+s1], $0x80, v4, vm0, $0xb8;
	[tilespmem:$0x10100] =	vst v63  }
0x112: {  	s23 =	simm.s32 $0x4900  }
0x113: {  	[tilespmem:s23], [sflag:$0x1] =	stream.indirect_vreg.gather [hbm4b:s3+s1], $0x80, v3, vm0, $0xb8;
	[tilespmem:$0x10100] =	vst v63  }
0x114: {  	v3 =	vld [tilespmem:$0x50];
	_ =	sdelay $0x4  }
0x115: {  	v61 =	vshll.u32 v3, $0x1  }
0x116: {  	v3 =	vand.u32 $0x7, v3;
	v4 =	vand.u32 $0xFFFFFFF0, v61  }
0x117: {  	v3 =	vor.u32 v3, v4  }
0x118: {  	v4 =	vperm.xlane v3, v0;
	_ =	sdelay $0x1  }
0x119: {  	v3 =	vperm.xlane v3, v2;
	v4 =	vadd.s32 v1, v4;
	_ =	sdelay $0x1  }
0x11a: {  	v3 =	vadd.s32 v1, v3;
	_ =	sdelay $0x1  }
0x11b: {  	s23 =	simm.s32 $0x5100  }
0x11c: {  	[tilespmem:s23], [sflag:$0x1] =	stream.indirect_vreg.gather [hbm4b:s3+s1], $0x80, v4, vm0, $0xb8;
	[tilespmem:$0x10100] =	vst v63  }
0x11d: {  	s23 =	simm.s32 $0x5900  }
0x11e: {  	[tilespmem:s23], [sflag:$0x1] =	stream.indirect_vreg.gather [hbm4b:s3+s1], $0x80, v3, vm0, $0xb8;
	[tilespmem:$0x10100] =	vst v63  }
0x11f: {  	v3 =	vld [tilespmem:$0x60];
	_ =	sdelay $0x4  }
0x120: {  	v62 =	vshll.u32 v3, $0x1  }
0x121: {  	v3 =	vand.u32 $0x7, v3;
	v4 =	vand.u32 $0xFFFFFFF0, v62  }
0x122: {  	v3 =	vor.u32 v3, v4  }
0x123: {  	v4 =	vperm.xlane v3, v0;
	_ =	sdelay $0x1  }
0x124: {  	v3 =	vperm.xlane v3, v2;
	v4 =	vadd.s32 v1, v4;
	_ =	sdelay $0x1  }
0x125: {  	v3 =	vadd.s32 v1, v3;
	_ =	sdelay $0x1  }
0x126: {  	s23 =	simm.s32 $0x6100  }
0x127: {  	[tilespmem:s23], [sflag:$0x1] =	stream.indirect_vreg.gather [hbm4b:s3+s1], $0x80, v4, vm0, $0xb8;
	[tilespmem:$0x10100] =	vst v63  }
0x128: {  	s23 =	simm.s32 $0x6900  }
0x129: {  	[tilespmem:s23], [sflag:$0x1] =	stream.indirect_vreg.gather [hbm4b:s3+s1], $0x80, v3, vm0, $0xb8;
	[tilespmem:$0x10100] =	vst v63  }
0x12a: {  	v3 =	vld [tilespmem:$0x70];
	_ =	sdelay $0x4  }
0x12b: {  	v63 =	vshll.u32 v3, $0x1  }
0x12c: {  	v3 =	vand.u32 $0x7, v3;
	v4 =	vand.u32 $0xFFFFFFF0, v63  }
0x12d: {  	v3 =	vor.u32 v3, v4  }
0x12e: {  	v4 =	vperm.xlane v3, v0;
	_ =	sdelay $0x1  }
0x12f: {  	v3 =	vperm.xlane v3, v2;
	v4 =	vadd.s32 v1, v4;
	_ =	sdelay $0x1  }
0x130: {  	v3 =	vadd.s32 v1, v3  }
.Ltmp5:
0x131: {  	_ = 	snop;
	(pc) =	sbr.rel .LBB2_4-.Ltmp5, $4  }
0x132: {  	_ = 	snop  }
0x133: {  	[tilespmem:s24], [sflag:$0x1] =	stream.indirect_vreg.gather [hbm4b:s3+s1], $0x80, v4, vm0, $0xb8;
	[tilespmem:$0x10100] =	vst v63  }
0x134: {  	_ = 	snop  }
0x135: {  	[tilespmem:s25], [sflag:$0x1] =	stream.indirect_vreg.gather [hbm4b:s3+s1], $0x80, v3, vm0, $0xb8;
	[tilespmem:$0x10100] =	vst v63  }
.LBB2_6:
0x136: {  	_ =	sfence.sel $0x180000  }
0x137: {  	[bflag:$0x0] =	sbarrier.arrive $0xFFFF  }
0x138: {  	_ =	strace $0x90000050  }
0x139: {  	s0 =	stileid.u32;
	[bflag:$0x2] =	sbarrier.arrive $0xFFFF  }
0x13a: {  	p0 =	sne.s32 s0, $0x0;
	s0 =	rddreg [dreg:$0x1]  }
0x13b: {  	s0 =	sadd.s32 @!p0 $0x100000, s0  }
0x13c: {  	[sflag:s0] =	ssyncadd.tile.s32 @!p0 $0x1;
	_ =	shalt  }
.Lfunc_end2:
_tile_overlayer_lowered:
.L_overlay_start_2:
0x13d: {  	(tag) =	ssettag $0x2  }
0x13e: {  	s0 =	rddreg [dreg:$0x0];
	s2 =	stileid.u32  }
0x13f: {  	s1 =	rddreg [dreg:$0x1];
	p0 =	sne.s32 s2, $0x0  }
0x140: {  	s3 =	rddreg [dreg:$0x2];
	[bflag:$0x3] =	sbarrier.arrive $0xFFFF;
	s2 =	simm.s32 @!p0 $0x1C03  }
0x141: {  	[timem:s3], [sflag:s2] =	dma.local @!p0 [hbm:s0], s1  }
0x142: {  	s0 =	simm.s32 @!p0 $0x3  }
0x143: {  	_ =	swait.ge @!p0 [sflag:s0], s1  }
0x144: {  	s1 =	ssub.s32 @!p0 $0x0, s1;
	[sflag:s0] =	ssyncset.done @!p0 $0x0  }
0x145: {  	[sflag:s0] =	ssyncadd.s32 @!p0 s1  }
0x146: {  	[bflag:$0x3] =	sbarrier.arrive $0xFFFF  }
0x147: {  	_ =	shalt  }

</sc_bundles>
